<compile_context>
chip_gen: v7x
topology: tpu7x:2x2x1
jax: 0.10.2.dev20260603
libtpu: 0.0.44.dev20260713+nightly
codegen_flags: <defaults>
</compile_context>

<pallas_src>
import functools

import jax
import jax.numpy as jnp
from jax import lax
from jax.experimental import pallas as pl
from jax.experimental.pallas import tpu as pltpu
from jax.experimental.pallas import tpu_sc as plsc

N = 10000
NP = 10240
E = 640000
IN = 128
H = 4
C = 32
HC = H * C
HP = 8
NC, NS, L = 2, 16, 16
NW = NC * NS
K = 128
NCH = 157
EW = NCH * K
EP = EW * NW
ROWS_PER_TILE = NP // NS
PAD_DST = N + 100

_f32 = jnp.float32


def _ewsum_body(ew_ref, out_ref):
    @pl.when(pl.program_id(0) == 0)
    def _():
        out_ref[...] = jnp.zeros_like(out_ref)

    out_ref[...] = out_ref[...] + jnp.sum(ew_ref[...]).reshape(1, 1)


def _mean_ew(ew):
    ew2 = ew.reshape(5000, 128)
    s = pl.pallas_call(
        _ewsum_body,
        grid=(5,),
        in_specs=[pl.BlockSpec((1000, 128), lambda i: (i, 0))],
        out_specs=pl.BlockSpec((1, 1), lambda i: (0, 0)),
        out_shape=jax.ShapeDtypeStruct((1, 1), _f32),
    )(ew2)
    return s / float(E)


def _prep_body(x_ref, w_ref, msrc_ref, mdst_ref, wprod_ref, sel_ref,
               meanw_ref, h_ref, asrc_ref, adst_ref, wc_ref, snh_ref,
               sdh_ref):
    h = jnp.dot(x_ref[...], w_ref[...], preferred_element_type=_f32)
    h_ref[...] = h
    asrc = jnp.dot(h, msrc_ref[...], preferred_element_type=_f32)
    adst = jnp.dot(h, mdst_ref[...], preferred_element_type=_f32)
    asrc_ref[...] = jnp.concatenate([asrc, asrc], axis=1)
    adst_ref[...] = jnp.concatenate([adst, adst], axis=1)
    wc = jnp.dot(wprod_ref[...], sel_ref[...], preferred_element_type=_f32)
    wc_ref[...] = wc
    al = asrc + adst + meanw_ref[0, 0] * wc
    al = jnp.maximum(al, 0.2 * al)
    tl = jnp.exp(al)
    tlb = jnp.dot(tl, jnp.transpose(sel_ref[...]),
                  preferred_element_type=_f32)
    snh_ref[...] = 0.5 * h * tlb
    sdh_ref[...] = 0.5 * jnp.concatenate([tl, tl], axis=1)


def _prep(xp, w, msrc, mdst, wprod, sel, meanw):
    nblk = 8
    blk = NP // nblk
    return pl.pallas_call(
        _prep_body,
        grid=(nblk,),
        in_specs=[
            pl.BlockSpec((blk, IN), lambda i: (i, 0)),
            pl.BlockSpec((IN, HC), lambda i: (0, 0)),
            pl.BlockSpec((HC, HP), lambda i: (0, 0)),
            pl.BlockSpec((HC, HP), lambda i: (0, 0)),
            pl.BlockSpec((1, HC), lambda i: (0, 0)),
            pl.BlockSpec((HC, HP), lambda i: (0, 0)),
            pl.BlockSpec((1, 1), lambda i: (0, 0)),
        ],
        out_specs=[
            pl.BlockSpec((blk, HC), lambda i: (i, 0)),
            pl.BlockSpec((blk, L), lambda i: (i, 0)),
            pl.BlockSpec((blk, L), lambda i: (i, 0)),
            pl.BlockSpec((1, HP), lambda i: (0, 0)),
            pl.BlockSpec((blk, HC), lambda i: (i, 0)),
            pl.BlockSpec((blk, L), lambda i: (i, 0)),
        ],
        out_shape=[
            jax.ShapeDtypeStruct((NP, HC), _f32),
            jax.ShapeDtypeStruct((NP, L), _f32),
            jax.ShapeDtypeStruct((NP, L), _f32),
            jax.ShapeDtypeStruct((1, HP), _f32),
            jax.ShapeDtypeStruct((NP, HC), _f32),
            jax.ShapeDtypeStruct((NP, L), _f32),
        ],
    )(xp, w, msrc, mdst, wprod, sel, meanw)


def _sc_edge_body(src_hbm, dst_hbm, ew_hbm, asrc_hbm, adst_hbm, h_hbm,
                  wc_hbm, snh_hbm, sdh_hbm, num_out, den_out,
                  sidx, didx, ewb, asg, adg, hg, tb, wcv, accnum, accden,
                  sem0, sem1, sem2):
    cid = lax.axis_index("c")
    sid = lax.axis_index("s")
    wid = sid * NC + cid
    rbase = sid * ROWS_PER_TILE

    pltpu.sync_copy(snh_hbm.at[pl.ds(rbase, ROWS_PER_TILE)],
                    accnum.at[pl.ds(rbase, ROWS_PER_TILE)])
    pltpu.sync_copy(sdh_hbm.at[pl.ds(rbase, ROWS_PER_TILE)],
                    accden.at[pl.ds(rbase, ROWS_PER_TILE)])
    pltpu.sync_copy(wc_hbm, wcv)
    plsc.subcore_barrier()

    wc16 = wcv[...]
    ebase = wid * EW

    def chunk_body(i, carry):
        off = ebase + i * K
        d0 = pltpu.async_copy(src_hbm.at[pl.ds(off, K)], sidx, sem0)
        d1 = pltpu.async_copy(dst_hbm.at[pl.ds(off, K)], didx, sem1)
        d2 = pltpu.async_copy(ew_hbm.at[pl.ds(off, K)], ewb, sem2)
        d0.wait()
        d1.wait()
        d2.wait()
        g0 = pltpu.async_copy(asrc_hbm.at[sidx], asg, sem0)
        g1 = pltpu.async_copy(adst_hbm.at[didx], adg, sem1)
        g2 = pltpu.async_copy(h_hbm.at[sidx], hg, sem2)
        g0.wait()
        g1.wait()
        g2.wait()

        def t_body(g, _):
            ewv = ewb[pl.ds(g * L, L)]
            for j in range(L):
                e = g * L + j
                a = asg[e, :] + adg[e, :] + ewv[j] * wc16
                a = jnp.maximum(a, 0.2 * a)
                tb[e, :] = jnp.exp(a)
            return 0

        lax.fori_loop(0, K // L, t_body, 0)

        def s_body(e, _):
            tv = tb[e, :]
            for half in range(4):
                ts = tv[half]
                hg[e, pl.ds(half * 32, 16)] = \
                    hg[e, pl.ds(half * 32, 16)] * ts
                hg[e, pl.ds(half * 32 + 16, 16)] = \
                    hg[e, pl.ds(half * 32 + 16, 16)] * ts
            return 0

        lax.fori_loop(0, K, s_body, 0, unroll=2)

        pltpu.sync_copy(hg, accnum.at[didx], add=True)
        pltpu.sync_copy(tb, accden.at[didx], add=True)
        return carry

    lax.fori_loop(0, NCH, chunk_body, 0)

    plsc.subcore_barrier()
    pltpu.sync_copy(accnum.at[pl.ds(rbase, ROWS_PER_TILE)],
                    num_out.at[cid, pl.ds(rbase, ROWS_PER_TILE)])
    pltpu.sync_copy(accden.at[pl.ds(rbase, ROWS_PER_TILE)],
                    den_out.at[cid, pl.ds(rbase, ROWS_PER_TILE)])


_sc_edge = functools.partial(
    pl.kernel,
    _sc_edge_body,
    out_type=(jax.ShapeDtypeStruct((NC, NP, HC), _f32),
              jax.ShapeDtypeStruct((NC, NP, L), _f32)),
    mesh=plsc.VectorSubcoreMesh(core_axis_name="c", subcore_axis_name="s",
                                num_cores=NC, num_subcores=NS),
    compiler_params=pltpu.CompilerParams(use_tc_tiling_on_sc=False),
    scratch_types=(
        [pltpu.VMEM((K,), jnp.int32)]
        + [pltpu.VMEM((K,), jnp.int32)]
        + [pltpu.VMEM((K,), _f32)]
        + [pltpu.VMEM((K, L), _f32)]
        + [pltpu.VMEM((K, L), _f32)]
        + [pltpu.VMEM((K, HC), _f32)]
        + [pltpu.VMEM((K, L), _f32)]
        + [pltpu.VMEM((L,), _f32)]
        + [pltpu.VMEM_SHARED((NP, HC), _f32)]
        + [pltpu.VMEM_SHARED((NP, L), _f32)]
        + [pltpu.SemaphoreType.DMA] * 3
    ),
)()


def _combine_body(num_ref, den_ref, sel_ref, b_ref, out_ref):
    dsum = (den_ref[0] + den_ref[1])[:, :HP]
    denb = jnp.dot(dsum, jnp.transpose(sel_ref[...]),
                   preferred_element_type=_f32)
    out_ref[...] = (num_ref[0] + num_ref[1]) / denb + b_ref[...]


def _combine(num, den, sel, b2d):
    nblk = 8
    blk = NP // nblk
    return pl.pallas_call(
        _combine_body,
        grid=(nblk,),
        in_specs=[
            pl.BlockSpec((NC, blk, HC), lambda i: (0, i, 0)),
            pl.BlockSpec((NC, blk, L), lambda i: (0, i, 0)),
            pl.BlockSpec((HC, HP), lambda i: (0, 0)),
            pl.BlockSpec((1, HC), lambda i: (0, 0)),
        ],
        out_specs=pl.BlockSpec((blk, HC), lambda i: (i, 0)),
        out_shape=jax.ShapeDtypeStruct((NP, HC), _f32),
    )(num, den, sel, b2d)


def _layer(xp, src_p, dst_p, ew_p, w, att_src, att_dst, w_edge, att_edge,
           bias, sel, meanw):
    msrc = sel * att_src.reshape(-1)[:, None]
    mdst = sel * att_dst.reshape(-1)[:, None]
    wprod = (w_edge.reshape(1, HC) * att_edge.reshape(1, HC))
    h, asrc, adst, wc, snh, sdh = _prep(xp, w, msrc, mdst, wprod, sel, meanw)
    num, den = _sc_edge(src_p, dst_p, ew_p, asrc, adst, h,
                        jnp.tile(wc.reshape(HP), 2), snh, sdh)
    return _combine(num, den, sel, bias.reshape(1, HC))


def kernel(x, edge_index, edge_weight, W1, att_src1, att_dst1, W_edge1,
           att_edge1, bias1, W2, att_src2, att_dst2, W_edge2, att_edge2,
           bias2):
    src, dst = edge_index[0], edge_index[1]
    pad = EP - E
    src_p = jnp.concatenate([src, jnp.zeros((pad,), jnp.int32)])
    dst_p = jnp.concatenate([dst, jnp.full((pad,), PAD_DST, jnp.int32)])
    ew_p = jnp.concatenate([edge_weight, jnp.zeros((pad,), _f32)])
    xp = jnp.pad(x, ((0, NP - N), (0, 0)))
    sel = (jnp.arange(HC)[:, None] // C == jnp.arange(HP)[None, :]
           ).astype(_f32)
    meanw = _mean_ew(edge_weight)
    out1 = _layer(xp, src_p, dst_p, ew_p, W1, att_src1, att_dst1, W_edge1,
                  att_edge1, bias1, sel, meanw)
    out2 = _layer(out1, src_p, dst_p, ew_p, W2, att_src2, att_dst2, W_edge2,
                  att_edge2, bias2, sel, meanw)
    return out2[:N]

# --- scband reference (transcript-rebuilt; emitter-appended) ---
"""Pipeline reference for scband-gat-64055142252964 (READ-ONLY COPY).

The authoritative reference and input builder live on the scoring server;
editing this copy changes nothing except your own understanding.
"""

import jax, jax.numpy as jnp
import numpy as np

N = 10000
E = 640000
IN = 128
H = 4
C = 32


def setup_inputs(seed: int = 0) -> dict:
    key = jax.random.key(seed)
    ks = jax.random.split(key, 16)
    inp = {}
    inp["x"] = jax.random.normal(ks[0], (N, IN), dtype=jnp.float32)
    inp["edge_index"] = jax.random.randint(ks[1], (2, E), 0, N, dtype=jnp.int32)
    inp["edge_weight"] = jax.random.uniform(ks[2], (E,), dtype=jnp.float32)
    s1 = 1.0 / np.sqrt(IN)
    s2 = 1.0 / np.sqrt(H * C)
    inp["W1"] = jax.random.normal(ks[3], (IN, H * C), dtype=jnp.float32) * s1
    inp["att_src1"] = jax.random.normal(ks[4], (H, C), dtype=jnp.float32) * s2
    inp["att_dst1"] = jax.random.normal(ks[5], (H, C), dtype=jnp.float32) * s2
    inp["W_edge1"] = jax.random.normal(ks[6], (1, H * C), dtype=jnp.float32)
    inp["att_edge1"] = jax.random.normal(ks[7], (H, C), dtype=jnp.float32) * s2
    inp["bias1"] = jnp.zeros((H * C,), dtype=jnp.float32)
    inp["W2"] = jax.random.normal(ks[8], (H * C, H * C), dtype=jnp.float32) * s2
    inp["att_src2"] = jax.random.normal(ks[9], (H, C), dtype=jnp.float32) * s2
    inp["att_dst2"] = jax.random.normal(ks[10], (H, C), dtype=jnp.float32) * s2
    inp["W_edge2"] = jax.random.normal(ks[11], (1, H * C), dtype=jnp.float32)
    inp["att_edge2"] = jax.random.normal(ks[12], (H, C), dtype=jnp.float32) * s2
    inp["bias2"] = jnp.zeros((H * C,), dtype=jnp.float32)
    return inp


def _gat_layer(x, src, dst, edge_attr, W, a_src, a_dst, W_e, a_e, b):
    # PyG GATConv semantics: edge_dim given, add_self_loops=True, fill_value='mean',
    # concat=True, negative_slope=0.2
    n = x.shape[0]
    loop = jnp.arange(n, dtype=src.dtype)
    s = jnp.concatenate([src, loop])
    d = jnp.concatenate([dst, loop])
    loop_attr = jnp.broadcast_to(jnp.mean(edge_attr, axis=0, keepdims=True), (n, edge_attr.shape[1]))
    ea = jnp.concatenate([edge_attr, loop_attr], axis=0)
    h = (x @ W).reshape(n, H, C)
    alpha_src = jnp.sum(h * a_src[None], axis=-1)  # [n, H]
    alpha_dst = jnp.sum(h * a_dst[None], axis=-1)  # [n, H]
    he = (ea @ W_e).reshape(-1, H, C)
    alpha_e = jnp.sum(he * a_e[None], axis=-1)  # [E', H]
    alpha = alpha_src[s] + alpha_dst[d] + alpha_e
    alpha = jax.nn.leaky_relu(alpha, 0.2)
    amax = jax.ops.segment_max(alpha, d, num_segments=n)
    alpha = jnp.exp(alpha - amax[d])
    denom = jax.ops.segment_sum(alpha, d, num_segments=n)
    alpha = alpha / (denom[d] + 1e-16)
    out = jax.ops.segment_sum(h[s] * alpha[..., None], d, num_segments=n)
    return out.reshape(n, H * C) + b


def reference(x, edge_index, edge_weight, W1, att_src1, att_dst1, W_edge1, att_edge1, bias1, W2, att_src2, att_dst2, W_edge2, att_edge2, bias2):
    ea = edge_weight[:, None]  # torch.unsqueeze(edge_weight, -1)
    src, dst = edge_index[0], edge_index[1]
    h = _gat_layer(x, src, dst, ea, W1, att_src1, att_dst1, W_edge1, att_edge1, bias1)
    out = _gat_layer(h, src, dst, ea, W2, att_src2, att_dst2, W_edge2, att_edge2, bias2)
    return out


if False:  # reference __main__ guard neutralized (emitter)
    o = reference(**setup_inputs())
    print(o.shape, o.dtype)

if __name__ == "__main__":
    import jax
    _d = setup_inputs()
    print(jax.jit(kernel)(*tuple(_d.values())))

</pallas_src>

<mosaic_0001>
#map = affine_map<(d0, d1) -> (0)>
#map1 = affine_map<(d0, d1) -> (0, 0)>
#map2 = affine_map<(d0, d1) -> (0, 0, 0)>
module attributes {stable_mosaic.version = 14 : i64} {
  func.func @_sc_edge_body(%arg0: i32, %arg1: i32, %arg2: memref<643072xi32, #tpu.memory_space<hbm>>, %arg3: memref<643072xi32, #tpu.memory_space<hbm>>, %arg4: memref<643072xf32, #tpu.memory_space<hbm>>, %arg5: memref<10240x16xf32, #tpu.memory_space<hbm>>, %arg6: memref<10240x16xf32, #tpu.memory_space<hbm>>, %arg7: memref<10240x128xf32, #tpu.memory_space<hbm>>, %arg8: memref<16xf32, #tpu.memory_space<hbm>>, %arg9: memref<10240x128xf32, #tpu.memory_space<hbm>>, %arg10: memref<10240x16xf32, #tpu.memory_space<hbm>>, %arg11: memref<2x10240x128xf32, #tpu.memory_space<hbm>>, %arg12: memref<2x10240x16xf32, #tpu.memory_space<hbm>>, %arg13: memref<128xi32, #tpu.memory_space<vmem>>, %arg14: memref<128xi32, #tpu.memory_space<vmem>>, %arg15: memref<128xf32, #tpu.memory_space<vmem>>, %arg16: memref<128x16xf32, #tpu.memory_space<vmem>>, %arg17: memref<128x16xf32, #tpu.memory_space<vmem>>, %arg18: memref<128x128xf32, #tpu.memory_space<vmem>>, %arg19: memref<128x16xf32, #tpu.memory_space<vmem>>, %arg20: memref<16xf32, #tpu.memory_space<vmem>>, %arg21: memref<10240x128xf32, #tpu.memory_space<vmem_shared>>, %arg22: memref<10240x16xf32, #tpu.memory_space<vmem_shared>>, %arg23: memref<!tpu.dma_semaphore, #tpu.memory_space<semaphore_mem>>, %arg24: memref<!tpu.dma_semaphore, #tpu.memory_space<semaphore_mem>>, %arg25: memref<!tpu.dma_semaphore, #tpu.memory_space<semaphore_mem>>) attributes {dimension_semantics = [#tpu.dimension_semantics<core_parallel>, #tpu.dimension_semantics<subcore_parallel>], iteration_bounds = array<i64: 2, 16>, scalar_prefetch = 0 : i64, scratch_operands = 13 : i64, tpu.core_type = #tpu.core_type<sc_vector_subcore>, window_params = [{transform_indices = #map}, {transform_indices = #map}, {transform_indices = #map}, {transform_indices = #map1}, {transform_indices = #map1}, {transform_indices = #map1}, {transform_indices = #map}, {transform_indices = #map1}, {transform_indices = #map1}, {transform_indices = #map2}, {transform_indices = #map2}]} {
    %mul3A = arith.constant 2 : i32
    %mul3A_0 = arith.muli %arg1, %mul3A : i32
    %add3A = arith.addi %mul3A_0, %arg0 : i32
    %mul3A_1 = arith.constant 640 : i32
    %mul3A_2 = arith.muli %arg1, %mul3A_1 : i32
    "tpu.region"() ({
      %run_scoped3A = tpu.sem_alloc : memref<!tpu.dma_semaphore, #tpu.memory_space<semaphore_mem>>
      %dma_start3A = arith.constant 0 : i32
      %dma_start3A_13 = tpu.memref_slice %arg21[%mul3A_2, %dma_start3A] : memref<10240x128xf32, #tpu.memory_space<vmem_shared>> -> memref<640x128xf32, #tpu.memory_space<vmem_shared>>
      %dma_start3A_14 = arith.constant 0 : i32
      %dma_start3A_15 = tpu.memref_slice %arg9[%mul3A_2, %dma_start3A_14] : memref<10240x128xf32, #tpu.memory_space<hbm>> -> memref<640x128xf32, #tpu.memory_space<hbm>>
      tpu.enqueue_dma source(%dma_start3A_15 : memref<640x128xf32, #tpu.memory_space<hbm>>) target(%dma_start3A_13 : memref<640x128xf32, #tpu.memory_space<vmem_shared>>) target_semaphore(%run_scoped3A : memref<!tpu.dma_semaphore, #tpu.memory_space<semaphore_mem>>)
      %dma_wait3A = arith.constant 0 : i32
      %dma_wait3A_16 = tpu.memref_slice %arg21[%mul3A_2, %dma_wait3A] : memref<10240x128xf32, #tpu.memory_space<vmem_shared>> -> memref<640x128xf32, #tpu.memory_space<vmem_shared>>
      %dma_wait3A_17 = arith.constant 0 : i32
      %dma_wait3A_18 = tpu.memref_slice %arg9[%mul3A_2, %dma_wait3A_17] : memref<10240x128xf32, #tpu.memory_space<hbm>> -> memref<640x128xf32, #tpu.memory_space<hbm>>
      tpu.wait_dma2 semaphore(%run_scoped3A : memref<!tpu.dma_semaphore, #tpu.memory_space<semaphore_mem>>) src(%dma_wait3A_18 : memref<640x128xf32, #tpu.memory_space<hbm>>) dst(%dma_wait3A_16 : memref<640x128xf32, #tpu.memory_space<vmem_shared>>)
      tpu.yield
    }) : () -> ()
    "tpu.region"() ({
      %run_scoped3A = tpu.sem_alloc : memref<!tpu.dma_semaphore, #tpu.memory_space<semaphore_mem>>
      %dma_start3A = arith.constant 0 : i32
      %dma_start3A_13 = tpu.memref_slice %arg22[%mul3A_2, %dma_start3A] : memref<10240x16xf32, #tpu.memory_space<vmem_shared>> -> memref<640x16xf32, #tpu.memory_space<vmem_shared>>
      %dma_start3A_14 = arith.constant 0 : i32
      %dma_start3A_15 = tpu.memref_slice %arg10[%mul3A_2, %dma_start3A_14] : memref<10240x16xf32, #tpu.memory_space<hbm>> -> memref<640x16xf32, #tpu.memory_space<hbm>>
      tpu.enqueue_dma source(%dma_start3A_15 : memref<640x16xf32, #tpu.memory_space<hbm>>) target(%dma_start3A_13 : memref<640x16xf32, #tpu.memory_space<vmem_shared>>) target_semaphore(%run_scoped3A : memref<!tpu.dma_semaphore, #tpu.memory_space<semaphore_mem>>)
      %dma_wait3A = arith.constant 0 : i32
      %dma_wait3A_16 = tpu.memref_slice %arg22[%mul3A_2, %dma_wait3A] : memref<10240x16xf32, #tpu.memory_space<vmem_shared>> -> memref<640x16xf32, #tpu.memory_space<vmem_shared>>
      %dma_wait3A_17 = arith.constant 0 : i32
      %dma_wait3A_18 = tpu.memref_slice %arg10[%mul3A_2, %dma_wait3A_17] : memref<10240x16xf32, #tpu.memory_space<hbm>> -> memref<640x16xf32, #tpu.memory_space<hbm>>
      tpu.wait_dma2 semaphore(%run_scoped3A : memref<!tpu.dma_semaphore, #tpu.memory_space<semaphore_mem>>) src(%dma_wait3A_18 : memref<640x16xf32, #tpu.memory_space<hbm>>) dst(%dma_wait3A_16 : memref<640x16xf32, #tpu.memory_space<vmem_shared>>)
      tpu.yield
    }) : () -> ()
    "tpu.region"() ({
      %run_scoped3A = tpu.sem_alloc : memref<!tpu.dma_semaphore, #tpu.memory_space<semaphore_mem>>
      tpu.enqueue_dma source(%arg8 : memref<16xf32, #tpu.memory_space<hbm>>) target(%arg20 : memref<16xf32, #tpu.memory_space<vmem>>) target_semaphore(%run_scoped3A : memref<!tpu.dma_semaphore, #tpu.memory_space<semaphore_mem>>)
      tpu.wait_dma2 semaphore(%run_scoped3A : memref<!tpu.dma_semaphore, #tpu.memory_space<semaphore_mem>>) src(%arg8 : memref<16xf32, #tpu.memory_space<hbm>>) dst(%arg20 : memref<16xf32, #tpu.memory_space<vmem>>)
      tpu.yield
    }) : () -> ()
    %barrier3A = arith.constant 0 : index
    tpu.barrier barrier_id(%barrier3A)
    %get3A = arith.constant 0 : index
    %get3A_3 = tpu.vector_load %arg20[%get3A] {strides = array<i32>} : memref<16xf32, #tpu.memory_space<vmem>>, vector<16xf32>,
    %get3A_4 = vector.shape_cast %get3A_3 : vector<16xf32> to vector<16xf32>
    %mul3A_5 = arith.constant 20096 : i32
    %mul3A_6 = arith.muli %add3A, %mul3A_5 : i32
    %scan3A = arith.constant 0 : i32
    %scan3A_7 = arith.constant 0 : i32
    %scan3A_8 = arith.constant 157 : i32
    %scan3A_9 = arith.addi %scan3A_7, %scan3A_8 : i32
    %scan3A_10 = arith.constant 1 : i32
    scf.for %scan3A_13 = %scan3A_7 to %scan3A_9 step %scan3A_10  : i32 {
      %mul3A_14 = arith.constant 128 : i32
      %mul3A_15 = arith.muli %scan3A_13, %mul3A_14 : i32
      %add3A_16 = arith.addi %mul3A_6, %mul3A_15 : i32
      %dma_start3A = tpu.memref_slice %arg2[%add3A_16] : memref<643072xi32, #tpu.memory_space<hbm>> -> memref<128xi32, #tpu.memory_space<hbm>>
      %dma_start3A_17 = tpu.memref_slice %arg2[%add3A_16] : memref<643072xi32, #tpu.memory_space<hbm>> -> memref<128xi32, #tpu.memory_space<hbm>>
      tpu.enqueue_dma source(%dma_start3A_17 : memref<128xi32, #tpu.memory_space<hbm>>) target(%arg13 : memref<128xi32, #tpu.memory_space<vmem>>) target_semaphore(%arg23 : memref<!tpu.dma_semaphore, #tpu.memory_space<semaphore_mem>>)
      %dma_start3A_18 = tpu.memref_slice %arg3[%add3A_16] : memref<643072xi32, #tpu.memory_space<hbm>> -> memref<128xi32, #tpu.memory_space<hbm>>
      %dma_start3A_19 = tpu.memref_slice %arg3[%add3A_16] : memref<643072xi32, #tpu.memory_space<hbm>> -> memref<128xi32, #tpu.memory_space<hbm>>
      tpu.enqueue_dma source(%dma_start3A_19 : memref<128xi32, #tpu.memory_space<hbm>>) target(%arg14 : memref<128xi32, #tpu.memory_space<vmem>>) target_semaphore(%arg24 : memref<!tpu.dma_semaphore, #tpu.memory_space<semaphore_mem>>)
      %dma_start3A_20 = tpu.memref_slice %arg4[%add3A_16] : memref<643072xf32, #tpu.memory_space<hbm>> -> memref<128xf32, #tpu.memory_space<hbm>>
      %dma_start3A_21 = tpu.memref_slice %arg4[%add3A_16] : memref<643072xf32, #tpu.memory_space<hbm>> -> memref<128xf32, #tpu.memory_space<hbm>>
      tpu.enqueue_dma source(%dma_start3A_21 : memref<128xf32, #tpu.memory_space<hbm>>) target(%arg15 : memref<128xf32, #tpu.memory_space<vmem>>) target_semaphore(%arg25 : memref<!tpu.dma_semaphore, #tpu.memory_space<semaphore_mem>>)
      %dma_wait3A = tpu.memref_slice %arg2[%add3A_16] : memref<643072xi32, #tpu.memory_space<hbm>> -> memref<128xi32, #tpu.memory_space<hbm>>
      %dma_wait3A_22 = tpu.memref_slice %arg2[%add3A_16] : memref<643072xi32, #tpu.memory_space<hbm>> -> memref<128xi32, #tpu.memory_space<hbm>>
      tpu.wait_dma2 semaphore(%arg23 : memref<!tpu.dma_semaphore, #tpu.memory_space<semaphore_mem>>) src(%dma_wait3A_22 : memref<128xi32, #tpu.memory_space<hbm>>) dst(%arg13 : memref<128xi32, #tpu.memory_space<vmem>>)
      %dma_wait3A_23 = tpu.memref_slice %arg3[%add3A_16] : memref<643072xi32, #tpu.memory_space<hbm>> -> memref<128xi32, #tpu.memory_space<hbm>>
      %dma_wait3A_24 = tpu.memref_slice %arg3[%add3A_16] : memref<643072xi32, #tpu.memory_space<hbm>> -> memref<128xi32, #tpu.memory_space<hbm>>
      tpu.wait_dma2 semaphore(%arg24 : memref<!tpu.dma_semaphore, #tpu.memory_space<semaphore_mem>>) src(%dma_wait3A_24 : memref<128xi32, #tpu.memory_space<hbm>>) dst(%arg14 : memref<128xi32, #tpu.memory_space<vmem>>)
      %dma_wait3A_25 = tpu.memref_slice %arg4[%add3A_16] : memref<643072xf32, #tpu.memory_space<hbm>> -> memref<128xf32, #tpu.memory_space<hbm>>
      %dma_wait3A_26 = tpu.memref_slice %arg4[%add3A_16] : memref<643072xf32, #tpu.memory_space<hbm>> -> memref<128xf32, #tpu.memory_space<hbm>>
      tpu.wait_dma2 semaphore(%arg25 : memref<!tpu.dma_semaphore, #tpu.memory_space<semaphore_mem>>) src(%dma_wait3A_26 : memref<128xf32, #tpu.memory_space<hbm>>) dst(%arg15 : memref<128xf32, #tpu.memory_space<vmem>>)
      %dma_start3A_27 = arith.constant 0 : i32
      %dma_start3A_28 = arith.constant 0 : i32
      %dma_start3A_29 = tpu.memref_slice %arg5[%dma_start3A_27, %dma_start3A_28] : memref<10240x16xf32, #tpu.memory_space<hbm>> -> memref<10240x16xf32, #tpu.memory_space<hbm>>
      tpu.enqueue_indirect_dma source(%dma_start3A_29 : memref<10240x16xf32, #tpu.memory_space<hbm>>) target(%arg16 : memref<128x16xf32, #tpu.memory_space<vmem>>) offsets(%arg13 : memref<128xi32, #tpu.memory_space<vmem>>) semaphore(%arg23 : memref<!tpu.dma_semaphore, #tpu.memory_space<semaphore_mem>>)
      %dma_start3A_30 = arith.constant 0 : i32
      %dma_start3A_31 = arith.constant 0 : i32
      %dma_start3A_32 = tpu.memref_slice %arg6[%dma_start3A_30, %dma_start3A_31] : memref<10240x16xf32, #tpu.memory_space<hbm>> -> memref<10240x16xf32, #tpu.memory_space<hbm>>
      tpu.enqueue_indirect_dma source(%dma_start3A_32 : memref<10240x16xf32, #tpu.memory_space<hbm>>) target(%arg17 : memref<128x16xf32, #tpu.memory_space<vmem>>) offsets(%arg14 : memref<128xi32, #tpu.memory_space<vmem>>) semaphore(%arg24 : memref<!tpu.dma_semaphore, #tpu.memory_space<semaphore_mem>>)
      %dma_start3A_33 = arith.constant 0 : i32
      %dma_start3A_34 = arith.constant 0 : i32
      %dma_start3A_35 = tpu.memref_slice %arg7[%dma_start3A_33, %dma_start3A_34] : memref<10240x128xf32, #tpu.memory_space<hbm>> -> memref<10240x128xf32, #tpu.memory_space<hbm>>
      tpu.enqueue_indirect_dma source(%dma_start3A_35 : memref<10240x128xf32, #tpu.memory_space<hbm>>) target(%arg18 : memref<128x128xf32, #tpu.memory_space<vmem>>) offsets(%arg13 : memref<128xi32, #tpu.memory_space<vmem>>) semaphore(%arg25 : memref<!tpu.dma_semaphore, #tpu.memory_space<semaphore_mem>>)
      %dma_wait3A_36 = arith.constant 0 : i32
      %dma_wait3A_37 = arith.constant 0 : i32
      %dma_wait3A_38 = tpu.memref_slice %arg5[%dma_wait3A_36, %dma_wait3A_37] : memref<10240x16xf32, #tpu.memory_space<hbm>> -> memref<10240x16xf32, #tpu.memory_space<hbm>>
      tpu.wait_indirect_dma semaphore(%arg23 : memref<!tpu.dma_semaphore, #tpu.memory_space<semaphore_mem>>) src(%dma_wait3A_38 : memref<10240x16xf32, #tpu.memory_space<hbm>>) dst(%arg16 : memref<128x16xf32, #tpu.memory_space<vmem>>)
      %dma_wait3A_39 = arith.constant 0 : i32
      %dma_wait3A_40 = arith.constant 0 : i32
      %dma_wait3A_41 = tpu.memref_slice %arg6[%dma_wait3A_39, %dma_wait3A_40] : memref<10240x16xf32, #tpu.memory_space<hbm>> -> memref<10240x16xf32, #tpu.memory_space<hbm>>
      tpu.wait_indirect_dma semaphore(%arg24 : memref<!tpu.dma_semaphore, #tpu.memory_space<semaphore_mem>>) src(%dma_wait3A_41 : memref<10240x16xf32, #tpu.memory_space<hbm>>) dst(%arg17 : memref<128x16xf32, #tpu.memory_space<vmem>>)
      %dma_wait3A_42 = arith.constant 0 : i32
      %dma_wait3A_43 = arith.constant 0 : i32
      %dma_wait3A_44 = tpu.memref_slice %arg7[%dma_wait3A_42, %dma_wait3A_43] : memref<10240x128xf32, #tpu.memory_space<hbm>> -> memref<10240x128xf32, #tpu.memory_space<hbm>>
      tpu.wait_indirect_dma semaphore(%arg25 : memref<!tpu.dma_semaphore, #tpu.memory_space<semaphore_mem>>) src(%dma_wait3A_44 : memref<10240x128xf32, #tpu.memory_space<hbm>>) dst(%arg18 : memref<128x128xf32, #tpu.memory_space<vmem>>)
      %scan3A_45 = arith.constant 0 : i32
      %scan3A_46 = arith.constant 0 : i32
      %scan3A_47 = arith.constant 8 : i32
      %scan3A_48 = arith.addi %scan3A_46, %scan3A_47 : i32
      %scan3A_49 = arith.constant 1 : i32
      %scan3A_50 = scf.for %scan3A_59 = %scan3A_46 to %scan3A_48 step %scan3A_49 iter_args(%scan3A_60 = %scan3A_45) -> (i32)  : i32 {
        %mul3A_61 = arith.constant 16 : i32
        %mul3A_62 = arith.muli %scan3A_59, %mul3A_61 : i32
        %get3A_63 = arith.index_cast %mul3A_62 : i32 to index
        %get3A_64 = tpu.vector_load %arg15[%get3A_63] {strides = array<i32>} : memref<128xf32, #tpu.memory_space<vmem>>, vector<16xf32>,
        %get3A_65 = vector.shape_cast %get3A_64 : vector<16xf32> to vector<16xf32>
        %mul3A_66 = arith.constant 16 : i32
        %mul3A_67 = arith.muli %scan3A_59, %mul3A_66 : i32
        %add3A_68 = arith.constant 0 : i32
        %add3A_69 = arith.addi %mul3A_67, %add3A_68 : i32
        %get3A_70 = arith.index_cast %add3A_69 : i32 to index
        %get3A_71 = arith.constant 0 : index
        %get3A_72 = tpu.vector_load %arg16[%get3A_70, %get3A_71] {strides = array<i32>} : memref<128x16xf32, #tpu.memory_space<vmem>>, vector<1x16xf32>,
        %get3A_73 = vector.shape_cast %get3A_72 : vector<1x16xf32> to vector<16xf32>
        %get3A_74 = arith.index_cast %add3A_69 : i32 to index
        %get3A_75 = arith.constant 0 : index
        %get3A_76 = tpu.vector_load %arg17[%get3A_74, %get3A_75] {strides = array<i32>} : memref<128x16xf32, #tpu.memory_space<vmem>>, vector<1x16xf32>,
        %get3A_77 = vector.shape_cast %get3A_76 : vector<1x16xf32> to vector<16xf32>
        %add3A_78 = arith.addf %get3A_73, %get3A_77 : vector<16xf32>
        %slice3A = vector.extract_strided_slice %get3A_65 {offsets = [0], sizes = [1], strides = [1]} : vector<16xf32> to vector<1xf32>
        %squeeze3A = vector.extract %slice3A[0] : f32 from vector<1xf32>
        %mul3A_79 = vector.broadcast %squeeze3A : f32 to vector<16xf32>
        %mul3A_80 = arith.mulf %mul3A_79, %get3A_4 : vector<16xf32>
        %add3A_81 = arith.addf %add3A_78, %mul3A_80 : vector<16xf32>
        %mul3A_82 = arith.constant 2.000000e-01 : f32
        %mul3A_83 = vector.broadcast %mul3A_82 : f32 to vector<16xf32>
        %mul3A_84 = arith.mulf %mul3A_83, %add3A_81 : vector<16xf32>
        %max3A = arith.maximumf %add3A_81, %mul3A_84 : vector<16xf32>
        %exp3A = math.exp %max3A : vector<16xf32>
        %swap3A = arith.index_cast %add3A_69 : i32 to index
        %swap3A_85 = arith.constant 0 : index
        %swap3A_86 = tpu.vector_load %arg19[%swap3A, %swap3A_85] {strides = array<i32>} : memref<128x16xf32, #tpu.memory_space<vmem>>, vector<1x16xf32>,
        %swap3A_87 = vector.shape_cast %swap3A_86 : vector<1x16xf32> to vector<16xf32>
        %swap3A_88 = vector.shape_cast %exp3A : vector<16xf32> to vector<1x16xf32>
        tpu.vector_store %arg19[%swap3A, %swap3A_85], %swap3A_88 {strides = array<i32>} : memref<128x16xf32, #tpu.memory_space<vmem>>, vector<1x16xf32>,
        %mul3A_89 = arith.constant 16 : i32
        %mul3A_90 = arith.muli %scan3A_59, %mul3A_89 : i32
        %add3A_91 = arith.constant 1 : i32
        %add3A_92 = arith.addi %mul3A_90, %add3A_91 : i32
        %get3A_93 = arith.index_cast %add3A_92 : i32 to index
        %get3A_94 = arith.constant 0 : index
        %get3A_95 = tpu.vector_load %arg16[%get3A_93, %get3A_94] {strides = array<i32>} : memref<128x16xf32, #tpu.memory_space<vmem>>, vector<1x16xf32>,
        %get3A_96 = vector.shape_cast %get3A_95 : vector<1x16xf32> to vector<16xf32>
        %get3A_97 = arith.index_cast %add3A_92 : i32 to index
        %get3A_98 = arith.constant 0 : index
        %get3A_99 = tpu.vector_load %arg17[%get3A_97, %get3A_98] {strides = array<i32>} : memref<128x16xf32, #tpu.memory_space<vmem>>, vector<1x16xf32>,
        %get3A_100 = vector.shape_cast %get3A_99 : vector<1x16xf32> to vector<16xf32>
        %add3A_101 = arith.addf %get3A_96, %get3A_100 : vector<16xf32>
        %slice3A_102 = vector.extract_strided_slice %get3A_65 {offsets = [1], sizes = [1], strides = [1]} : vector<16xf32> to vector<1xf32>
        %squeeze3A_103 = vector.extract %slice3A_102[0] : f32 from vector<1xf32>
        %mul3A_104 = vector.broadcast %squeeze3A_103 : f32 to vector<16xf32>
        %mul3A_105 = arith.mulf %mul3A_104, %get3A_4 : vector<16xf32>
        %add3A_106 = arith.addf %add3A_101, %mul3A_105 : vector<16xf32>
        %mul3A_107 = arith.constant 2.000000e-01 : f32
        %mul3A_108 = vector.broadcast %mul3A_107 : f32 to vector<16xf32>
        %mul3A_109 = arith.mulf %mul3A_108, %add3A_106 : vector<16xf32>
        %max3A_110 = arith.maximumf %add3A_106, %mul3A_109 : vector<16xf32>
        %exp3A_111 = math.exp %max3A_110 : vector<16xf32>
        %swap3A_112 = arith.index_cast %add3A_92 : i32 to index
        %swap3A_113 = arith.constant 0 : index
        %swap3A_114 = tpu.vector_load %arg19[%swap3A_112, %swap3A_113] {strides = array<i32>} : memref<128x16xf32, #tpu.memory_space<vmem>>, vector<1x16xf32>,
        %swap3A_115 = vector.shape_cast %swap3A_114 : vector<1x16xf32> to vector<16xf32>
        %swap3A_116 = vector.shape_cast %exp3A_111 : vector<16xf32> to vector<1x16xf32>
        tpu.vector_store %arg19[%swap3A_112, %swap3A_113], %swap3A_116 {strides = array<i32>} : memref<128x16xf32, #tpu.memory_space<vmem>>, vector<1x16xf32>,
        %mul3A_117 = arith.constant 16 : i32
        %mul3A_118 = arith.muli %scan3A_59, %mul3A_117 : i32
        %add3A_119 = arith.constant 2 : i32
        %add3A_120 = arith.addi %mul3A_118, %add3A_119 : i32
        %get3A_121 = arith.index_cast %add3A_120 : i32 to index
        %get3A_122 = arith.constant 0 : index
        %get3A_123 = tpu.vector_load %arg16[%get3A_121, %get3A_122] {strides = array<i32>} : memref<128x16xf32, #tpu.memory_space<vmem>>, vector<1x16xf32>,
        %get3A_124 = vector.shape_cast %get3A_123 : vector<1x16xf32> to vector<16xf32>
        %get3A_125 = arith.index_cast %add3A_120 : i32 to index
        %get3A_126 = arith.constant 0 : index
        %get3A_127 = tpu.vector_load %arg17[%get3A_125, %get3A_126] {strides = array<i32>} : memref<128x16xf32, #tpu.memory_space<vmem>>, vector<1x16xf32>,
        %get3A_128 = vector.shape_cast %get3A_127 : vector<1x16xf32> to vector<16xf32>
        %add3A_129 = arith.addf %get3A_124, %get3A_128 : vector<16xf32>
        %slice3A_130 = vector.extract_strided_slice %get3A_65 {offsets = [2], sizes = [1], strides = [1]} : vector<16xf32> to vector<1xf32>
        %squeeze3A_131 = vector.extract %slice3A_130[0] : f32 from vector<1xf32>
        %mul3A_132 = vector.broadcast %squeeze3A_131 : f32 to vector<16xf32>
        %mul3A_133 = arith.mulf %mul3A_132, %get3A_4 : vector<16xf32>
        %add3A_134 = arith.addf %add3A_129, %mul3A_133 : vector<16xf32>
        %mul3A_135 = arith.constant 2.000000e-01 : f32
        %mul3A_136 = vector.broadcast %mul3A_135 : f32 to vector<16xf32>
        %mul3A_137 = arith.mulf %mul3A_136, %add3A_134 : vector<16xf32>
        %max3A_138 = arith.maximumf %add3A_134, %mul3A_137 : vector<16xf32>
        %exp3A_139 = math.exp %max3A_138 : vector<16xf32>
        %swap3A_140 = arith.index_cast %add3A_120 : i32 to index
        %swap3A_141 = arith.constant 0 : index
        %swap3A_142 = tpu.vector_load %arg19[%swap3A_140, %swap3A_141] {strides = array<i32>} : memref<128x16xf32, #tpu.memory_space<vmem>>, vector<1x16xf32>,
        %swap3A_143 = vector.shape_cast %swap3A_142 : vector<1x16xf32> to vector<16xf32>
        %swap3A_144 = vector.shape_cast %exp3A_139 : vector<16xf32> to vector<1x16xf32>
        tpu.vector_store %arg19[%swap3A_140, %swap3A_141], %swap3A_144 {strides = array<i32>} : memref<128x16xf32, #tpu.memory_space<vmem>>, vector<1x16xf32>,
        %mul3A_145 = arith.constant 16 : i32
        %mul3A_146 = arith.muli %scan3A_59, %mul3A_145 : i32
        %add3A_147 = arith.constant 3 : i32
        %add3A_148 = arith.addi %mul3A_146, %add3A_147 : i32
        %get3A_149 = arith.index_cast %add3A_148 : i32 to index
        %get3A_150 = arith.constant 0 : index
        %get3A_151 = tpu.vector_load %arg16[%get3A_149, %get3A_150] {strides = array<i32>} : memref<128x16xf32, #tpu.memory_space<vmem>>, vector<1x16xf32>,
        %get3A_152 = vector.shape_cast %get3A_151 : vector<1x16xf32> to vector<16xf32>
        %get3A_153 = arith.index_cast %add3A_148 : i32 to index
        %get3A_154 = arith.constant 0 : index
        %get3A_155 = tpu.vector_load %arg17[%get3A_153, %get3A_154] {strides = array<i32>} : memref<128x16xf32, #tpu.memory_space<vmem>>, vector<1x16xf32>,
        %get3A_156 = vector.shape_cast %get3A_155 : vector<1x16xf32> to vector<16xf32>
        %add3A_157 = arith.addf %get3A_152, %get3A_156 : vector<16xf32>
        %slice3A_158 = vector.extract_strided_slice %get3A_65 {offsets = [3], sizes = [1], strides = [1]} : vector<16xf32> to vector<1xf32>
        %squeeze3A_159 = vector.extract %slice3A_158[0] : f32 from vector<1xf32>
        %mul3A_160 = vector.broadcast %squeeze3A_159 : f32 to vector<16xf32>
        %mul3A_161 = arith.mulf %mul3A_160, %get3A_4 : vector<16xf32>
        %add3A_162 = arith.addf %add3A_157, %mul3A_161 : vector<16xf32>
        %mul3A_163 = arith.constant 2.000000e-01 : f32
        %mul3A_164 = vector.broadcast %mul3A_163 : f32 to vector<16xf32>
        %mul3A_165 = arith.mulf %mul3A_164, %add3A_162 : vector<16xf32>
        %max3A_166 = arith.maximumf %add3A_162, %mul3A_165 : vector<16xf32>
        %exp3A_167 = math.exp %max3A_166 : vector<16xf32>
        %swap3A_168 = arith.index_cast %add3A_148 : i32 to index
        %swap3A_169 = arith.constant 0 : index
        %swap3A_170 = tpu.vector_load %arg19[%swap3A_168, %swap3A_169] {strides = array<i32>} : memref<128x16xf32, #tpu.memory_space<vmem>>, vector<1x16xf32>,
        %swap3A_171 = vector.shape_cast %swap3A_170 : vector<1x16xf32> to vector<16xf32>
        %swap3A_172 = vector.shape_cast %exp3A_167 : vector<16xf32> to vector<1x16xf32>
        tpu.vector_store %arg19[%swap3A_168, %swap3A_169], %swap3A_172 {strides = array<i32>} : memref<128x16xf32, #tpu.memory_space<vmem>>, vector<1x16xf32>,
        %mul3A_173 = arith.constant 16 : i32
        %mul3A_174 = arith.muli %scan3A_59, %mul3A_173 : i32
        %add3A_175 = arith.constant 4 : i32
        %add3A_176 = arith.addi %mul3A_174, %add3A_175 : i32
        %get3A_177 = arith.index_cast %add3A_176 : i32 to index
        %get3A_178 = arith.constant 0 : index
        %get3A_179 = tpu.vector_load %arg16[%get3A_177, %get3A_178] {strides = array<i32>} : memref<128x16xf32, #tpu.memory_space<vmem>>, vector<1x16xf32>,
        %get3A_180 = vector.shape_cast %get3A_179 : vector<1x16xf32> to vector<16xf32>
        %get3A_181 = arith.index_cast %add3A_176 : i32 to index
        %get3A_182 = arith.constant 0 : index
        %get3A_183 = tpu.vector_load %arg17[%get3A_181, %get3A_182] {strides = array<i32>} : memref<128x16xf32, #tpu.memory_space<vmem>>, vector<1x16xf32>,
        %get3A_184 = vector.shape_cast %get3A_183 : vector<1x16xf32> to vector<16xf32>
        %add3A_185 = arith.addf %get3A_180, %get3A_184 : vector<16xf32>
        %slice3A_186 = vector.extract_strided_slice %get3A_65 {offsets = [4], sizes = [1], strides = [1]} : vector<16xf32> to vector<1xf32>
        %squeeze3A_187 = vector.extract %slice3A_186[0] : f32 from vector<1xf32>
        %mul3A_188 = vector.broadcast %squeeze3A_187 : f32 to vector<16xf32>
        %mul3A_189 = arith.mulf %mul3A_188, %get3A_4 : vector<16xf32>
        %add3A_190 = arith.addf %add3A_185, %mul3A_189 : vector<16xf32>
        %mul3A_191 = arith.constant 2.000000e-01 : f32
        %mul3A_192 = vector.broadcast %mul3A_191 : f32 to vector<16xf32>
        %mul3A_193 = arith.mulf %mul3A_192, %add3A_190 : vector<16xf32>
        %max3A_194 = arith.maximumf %add3A_190, %mul3A_193 : vector<16xf32>
        %exp3A_195 = math.exp %max3A_194 : vector<16xf32>
        %swap3A_196 = arith.index_cast %add3A_176 : i32 to index
        %swap3A_197 = arith.constant 0 : index
        %swap3A_198 = tpu.vector_load %arg19[%swap3A_196, %swap3A_197] {strides = array<i32>} : memref<128x16xf32, #tpu.memory_space<vmem>>, vector<1x16xf32>,
        %swap3A_199 = vector.shape_cast %swap3A_198 : vector<1x16xf32> to vector<16xf32>
        %swap3A_200 = vector.shape_cast %exp3A_195 : vector<16xf32> to vector<1x16xf32>
        tpu.vector_store %arg19[%swap3A_196, %swap3A_197], %swap3A_200 {strides = array<i32>} : memref<128x16xf32, #tpu.memory_space<vmem>>, vector<1x16xf32>,
        %mul3A_201 = arith.constant 16 : i32
        %mul3A_202 = arith.muli %scan3A_59, %mul3A_201 : i32
        %add3A_203 = arith.constant 5 : i32
        %add3A_204 = arith.addi %mul3A_202, %add3A_203 : i32
        %get3A_205 = arith.index_cast %add3A_204 : i32 to index
        %get3A_206 = arith.constant 0 : index
        %get3A_207 = tpu.vector_load %arg16[%get3A_205, %get3A_206] {strides = array<i32>} : memref<128x16xf32, #tpu.memory_space<vmem>>, vector<1x16xf32>,
        %get3A_208 = vector.shape_cast %get3A_207 : vector<1x16xf32> to vector<16xf32>
        %get3A_209 = arith.index_cast %add3A_204 : i32 to index
        %get3A_210 = arith.constant 0 : index
        %get3A_211 = tpu.vector_load %arg17[%get3A_209, %get3A_210] {strides = array<i32>} : memref<128x16xf32, #tpu.memory_space<vmem>>, vector<1x16xf32>,
        %get3A_212 = vector.shape_cast %get3A_211 : vector<1x16xf32> to vector<16xf32>
        %add3A_213 = arith.addf %get3A_208, %get3A_212 : vector<16xf32>
        %slice3A_214 = vector.extract_strided_slice %get3A_65 {offsets = [5], sizes = [1], strides = [1]} : vector<16xf32> to vector<1xf32>
        %squeeze3A_215 = vector.extract %slice3A_214[0] : f32 from vector<1xf32>
        %mul3A_216 = vector.broadcast %squeeze3A_215 : f32 to vector<16xf32>
        %mul3A_217 = arith.mulf %mul3A_216, %get3A_4 : vector<16xf32>
        %add3A_218 = arith.addf %add3A_213, %mul3A_217 : vector<16xf32>
        %mul3A_219 = arith.constant 2.000000e-01 : f32
        %mul3A_220 = vector.broadcast %mul3A_219 : f32 to vector<16xf32>
        %mul3A_221 = arith.mulf %mul3A_220, %add3A_218 : vector<16xf32>
        %max3A_222 = arith.maximumf %add3A_218, %mul3A_221 : vector<16xf32>
        %exp3A_223 = math.exp %max3A_222 : vector<16xf32>
        %swap3A_224 = arith.index_cast %add3A_204 : i32 to index
        %swap3A_225 = arith.constant 0 : index
        %swap3A_226 = tpu.vector_load %arg19[%swap3A_224, %swap3A_225] {strides = array<i32>} : memref<128x16xf32, #tpu.memory_space<vmem>>, vector<1x16xf32>,
        %swap3A_227 = vector.shape_cast %swap3A_226 : vector<1x16xf32> to vector<16xf32>
        %swap3A_228 = vector.shape_cast %exp3A_223 : vector<16xf32> to vector<1x16xf32>
        tpu.vector_store %arg19[%swap3A_224, %swap3A_225], %swap3A_228 {strides = array<i32>} : memref<128x16xf32, #tpu.memory_space<vmem>>, vector<1x16xf32>,
        %mul3A_229 = arith.constant 16 : i32
        %mul3A_230 = arith.muli %scan3A_59, %mul3A_229 : i32
        %add3A_231 = arith.constant 6 : i32
        %add3A_232 = arith.addi %mul3A_230, %add3A_231 : i32
        %get3A_233 = arith.index_cast %add3A_232 : i32 to index
        %get3A_234 = arith.constant 0 : index
        %get3A_235 = tpu.vector_load %arg16[%get3A_233, %get3A_234] {strides = array<i32>} : memref<128x16xf32, #tpu.memory_space<vmem>>, vector<1x16xf32>,
        %get3A_236 = vector.shape_cast %get3A_235 : vector<1x16xf32> to vector<16xf32>
        %get3A_237 = arith.index_cast %add3A_232 : i32 to index
        %get3A_238 = arith.constant 0 : index
        %get3A_239 = tpu.vector_load %arg17[%get3A_237, %get3A_238] {strides = array<i32>} : memref<128x16xf32, #tpu.memory_space<vmem>>, vector<1x16xf32>,
        %get3A_240 = vector.shape_cast %get3A_239 : vector<1x16xf32> to vector<16xf32>
        %add3A_241 = arith.addf %get3A_236, %get3A_240 : vector<16xf32>
        %slice3A_242 = vector.extract_strided_slice %get3A_65 {offsets = [6], sizes = [1], strides = [1]} : vector<16xf32> to vector<1xf32>
        %squeeze3A_243 = vector.extract %slice3A_242[0] : f32 from vector<1xf32>
        %mul3A_244 = vector.broadcast %squeeze3A_243 : f32 to vector<16xf32>
        %mul3A_245 = arith.mulf %mul3A_244, %get3A_4 : vector<16xf32>
        %add3A_246 = arith.addf %add3A_241, %mul3A_245 : vector<16xf32>
        %mul3A_247 = arith.constant 2.000000e-01 : f32
        %mul3A_248 = vector.broadcast %mul3A_247 : f32 to vector<16xf32>
        %mul3A_249 = arith.mulf %mul3A_248, %add3A_246 : vector<16xf32>
        %max3A_250 = arith.maximumf %add3A_246, %mul3A_249 : vector<16xf32>
        %exp3A_251 = math.exp %max3A_250 : vector<16xf32>
        %swap3A_252 = arith.index_cast %add3A_232 : i32 to index
        %swap3A_253 = arith.constant 0 : index
        %swap3A_254 = tpu.vector_load %arg19[%swap3A_252, %swap3A_253] {strides = array<i32>} : memref<128x16xf32, #tpu.memory_space<vmem>>, vector<1x16xf32>,
        %swap3A_255 = vector.shape_cast %swap3A_254 : vector<1x16xf32> to vector<16xf32>
        %swap3A_256 = vector.shape_cast %exp3A_251 : vector<16xf32> to vector<1x16xf32>
        tpu.vector_store %arg19[%swap3A_252, %swap3A_253], %swap3A_256 {strides = array<i32>} : memref<128x16xf32, #tpu.memory_space<vmem>>, vector<1x16xf32>,
        %mul3A_257 = arith.constant 16 : i32
        %mul3A_258 = arith.muli %scan3A_59, %mul3A_257 : i32
        %add3A_259 = arith.constant 7 : i32
        %add3A_260 = arith.addi %mul3A_258, %add3A_259 : i32
        %get3A_261 = arith.index_cast %add3A_260 : i32 to index
        %get3A_262 = arith.constant 0 : index
        %get3A_263 = tpu.vector_load %arg16[%get3A_261, %get3A_262] {strides = array<i32>} : memref<128x16xf32, #tpu.memory_space<vmem>>, vector<1x16xf32>,
        %get3A_264 = vector.shape_cast %get3A_263 : vector<1x16xf32> to vector<16xf32>
        %get3A_265 = arith.index_cast %add3A_260 : i32 to index
        %get3A_266 = arith.constant 0 : index
        %get3A_267 = tpu.vector_load %arg17[%get3A_265, %get3A_266] {strides = array<i32>} : memref<128x16xf32, #tpu.memory_space<vmem>>, vector<1x16xf32>,
        %get3A_268 = vector.shape_cast %get3A_267 : vector<1x16xf32> to vector<16xf32>
        %add3A_269 = arith.addf %get3A_264, %get3A_268 : vector<16xf32>
        %slice3A_270 = vector.extract_strided_slice %get3A_65 {offsets = [7], sizes = [1], strides = [1]} : vector<16xf32> to vector<1xf32>
        %squeeze3A_271 = vector.extract %slice3A_270[0] : f32 from vector<1xf32>
        %mul3A_272 = vector.broadcast %squeeze3A_271 : f32 to vector<16xf32>
        %mul3A_273 = arith.mulf %mul3A_272, %get3A_4 : vector<16xf32>
        %add3A_274 = arith.addf %add3A_269, %mul3A_273 : vector<16xf32>
        %mul3A_275 = arith.constant 2.000000e-01 : f32
        %mul3A_276 = vector.broadcast %mul3A_275 : f32 to vector<16xf32>
        %mul3A_277 = arith.mulf %mul3A_276, %add3A_274 : vector<16xf32>
        %max3A_278 = arith.maximumf %add3A_274, %mul3A_277 : vector<16xf32>
        %exp3A_279 = math.exp %max3A_278 : vector<16xf32>
        %swap3A_280 = arith.index_cast %add3A_260 : i32 to index
        %swap3A_281 = arith.constant 0 : index
        %swap3A_282 = tpu.vector_load %arg19[%swap3A_280, %swap3A_281] {strides = array<i32>} : memref<128x16xf32, #tpu.memory_space<vmem>>, vector<1x16xf32>,
        %swap3A_283 = vector.shape_cast %swap3A_282 : vector<1x16xf32> to vector<16xf32>
        %swap3A_284 = vector.shape_cast %exp3A_279 : vector<16xf32> to vector<1x16xf32>
        tpu.vector_store %arg19[%swap3A_280, %swap3A_281], %swap3A_284 {strides = array<i32>} : memref<128x16xf32, #tpu.memory_space<vmem>>, vector<1x16xf32>,
        %mul3A_285 = arith.constant 16 : i32
        %mul3A_286 = arith.muli %scan3A_59, %mul3A_285 : i32
        %add3A_287 = arith.constant 8 : i32
        %add3A_288 = arith.addi %mul3A_286, %add3A_287 : i32
        %get3A_289 = arith.index_cast %add3A_288 : i32 to index
        %get3A_290 = arith.constant 0 : index
        %get3A_291 = tpu.vector_load %arg16[%get3A_289, %get3A_290] {strides = array<i32>} : memref<128x16xf32, #tpu.memory_space<vmem>>, vector<1x16xf32>,
        %get3A_292 = vector.shape_cast %get3A_291 : vector<1x16xf32> to vector<16xf32>
        %get3A_293 = arith.index_cast %add3A_288 : i32 to index
        %get3A_294 = arith.constant 0 : index
        %get3A_295 = tpu.vector_load %arg17[%get3A_293, %get3A_294] {strides = array<i32>} : memref<128x16xf32, #tpu.memory_space<vmem>>, vector<1x16xf32>,
        %get3A_296 = vector.shape_cast %get3A_295 : vector<1x16xf32> to vector<16xf32>
        %add3A_297 = arith.addf %get3A_292, %get3A_296 : vector<16xf32>
        %slice3A_298 = vector.extract_strided_slice %get3A_65 {offsets = [8], sizes = [1], strides = [1]} : vector<16xf32> to vector<1xf32>
        %squeeze3A_299 = vector.extract %slice3A_298[0] : f32 from vector<1xf32>
        %mul3A_300 = vector.broadcast %squeeze3A_299 : f32 to vector<16xf32>
        %mul3A_301 = arith.mulf %mul3A_300, %get3A_4 : vector<16xf32>
        %add3A_302 = arith.addf %add3A_297, %mul3A_301 : vector<16xf32>
        %mul3A_303 = arith.constant 2.000000e-01 : f32
        %mul3A_304 = vector.broadcast %mul3A_303 : f32 to vector<16xf32>
        %mul3A_305 = arith.mulf %mul3A_304, %add3A_302 : vector<16xf32>
        %max3A_306 = arith.maximumf %add3A_302, %mul3A_305 : vector<16xf32>
        %exp3A_307 = math.exp %max3A_306 : vector<16xf32>
        %swap3A_308 = arith.index_cast %add3A_288 : i32 to index
        %swap3A_309 = arith.constant 0 : index
        %swap3A_310 = tpu.vector_load %arg19[%swap3A_308, %swap3A_309] {strides = array<i32>} : memref<128x16xf32, #tpu.memory_space<vmem>>, vector<1x16xf32>,
        %swap3A_311 = vector.shape_cast %swap3A_310 : vector<1x16xf32> to vector<16xf32>
        %swap3A_312 = vector.shape_cast %exp3A_307 : vector<16xf32> to vector<1x16xf32>
        tpu.vector_store %arg19[%swap3A_308, %swap3A_309], %swap3A_312 {strides = array<i32>} : memref<128x16xf32, #tpu.memory_space<vmem>>, vector<1x16xf32>,
        %mul3A_313 = arith.constant 16 : i32
        %mul3A_314 = arith.muli %scan3A_59, %mul3A_313 : i32
        %add3A_315 = arith.constant 9 : i32
        %add3A_316 = arith.addi %mul3A_314, %add3A_315 : i32
        %get3A_317 = arith.index_cast %add3A_316 : i32 to index
        %get3A_318 = arith.constant 0 : index
        %get3A_319 = tpu.vector_load %arg16[%get3A_317, %get3A_318] {strides = array<i32>} : memref<128x16xf32, #tpu.memory_space<vmem>>, vector<1x16xf32>,
        %get3A_320 = vector.shape_cast %get3A_319 : vector<1x16xf32> to vector<16xf32>
        %get3A_321 = arith.index_cast %add3A_316 : i32 to index
        %get3A_322 = arith.constant 0 : index
        %get3A_323 = tpu.vector_load %arg17[%get3A_321, %get3A_322] {strides = array<i32>} : memref<128x16xf32, #tpu.memory_space<vmem>>, vector<1x16xf32>,
        %get3A_324 = vector.shape_cast %get3A_323 : vector<1x16xf32> to vector<16xf32>
        %add3A_325 = arith.addf %get3A_320, %get3A_324 : vector<16xf32>
        %slice3A_326 = vector.extract_strided_slice %get3A_65 {offsets = [9], sizes = [1], strides = [1]} : vector<16xf32> to vector<1xf32>
        %squeeze3A_327 = vector.extract %slice3A_326[0] : f32 from vector<1xf32>
        %mul3A_328 = vector.broadcast %squeeze3A_327 : f32 to vector<16xf32>
        %mul3A_329 = arith.mulf %mul3A_328, %get3A_4 : vector<16xf32>
        %add3A_330 = arith.addf %add3A_325, %mul3A_329 : vector<16xf32>
        %mul3A_331 = arith.constant 2.000000e-01 : f32
        %mul3A_332 = vector.broadcast %mul3A_331 : f32 to vector<16xf32>
        %mul3A_333 = arith.mulf %mul3A_332, %add3A_330 : vector<16xf32>
        %max3A_334 = arith.maximumf %add3A_330, %mul3A_333 : vector<16xf32>
        %exp3A_335 = math.exp %max3A_334 : vector<16xf32>
        %swap3A_336 = arith.index_cast %add3A_316 : i32 to index
        %swap3A_337 = arith.constant 0 : index
        %swap3A_338 = tpu.vector_load %arg19[%swap3A_336, %swap3A_337] {strides = array<i32>} : memref<128x16xf32, #tpu.memory_space<vmem>>, vector<1x16xf32>,
        %swap3A_339 = vector.shape_cast %swap3A_338 : vector<1x16xf32> to vector<16xf32>
        %swap3A_340 = vector.shape_cast %exp3A_335 : vector<16xf32> to vector<1x16xf32>
        tpu.vector_store %arg19[%swap3A_336, %swap3A_337], %swap3A_340 {strides = array<i32>} : memref<128x16xf32, #tpu.memory_space<vmem>>, vector<1x16xf32>,
        %mul3A_341 = arith.constant 16 : i32
        %mul3A_342 = arith.muli %scan3A_59, %mul3A_341 : i32
        %add3A_343 = arith.constant 10 : i32
        %add3A_344 = arith.addi %mul3A_342, %add3A_343 : i32
        %get3A_345 = arith.index_cast %add3A_344 : i32 to index
        %get3A_346 = arith.constant 0 : index
        %get3A_347 = tpu.vector_load %arg16[%get3A_345, %get3A_346] {strides = array<i32>} : memref<128x16xf32, #tpu.memory_space<vmem>>, vector<1x16xf32>,
        %get3A_348 = vector.shape_cast %get3A_347 : vector<1x16xf32> to vector<16xf32>
        %get3A_349 = arith.index_cast %add3A_344 : i32 to index
        %get3A_350 = arith.constant 0 : index
        %get3A_351 = tpu.vector_load %arg17[%get3A_349, %get3A_350] {strides = array<i32>} : memref<128x16xf32, #tpu.memory_space<vmem>>, vector<1x16xf32>,
        %get3A_352 = vector.shape_cast %get3A_351 : vector<1x16xf32> to vector<16xf32>
        %add3A_353 = arith.addf %get3A_348, %get3A_352 : vector<16xf32>
        %slice3A_354 = vector.extract_strided_slice %get3A_65 {offsets = [10], sizes = [1], strides = [1]} : vector<16xf32> to vector<1xf32>
        %squeeze3A_355 = vector.extract %slice3A_354[0] : f32 from vector<1xf32>
        %mul3A_356 = vector.broadcast %squeeze3A_355 : f32 to vector<16xf32>
        %mul3A_357 = arith.mulf %mul3A_356, %get3A_4 : vector<16xf32>
        %add3A_358 = arith.addf %add3A_353, %mul3A_357 : vector<16xf32>
        %mul3A_359 = arith.constant 2.000000e-01 : f32
        %mul3A_360 = vector.broadcast %mul3A_359 : f32 to vector<16xf32>
        %mul3A_361 = arith.mulf %mul3A_360, %add3A_358 : vector<16xf32>
        %max3A_362 = arith.maximumf %add3A_358, %mul3A_361 : vector<16xf32>
        %exp3A_363 = math.exp %max3A_362 : vector<16xf32>
        %swap3A_364 = arith.index_cast %add3A_344 : i32 to index
        %swap3A_365 = arith.constant 0 : index
        %swap3A_366 = tpu.vector_load %arg19[%swap3A_364, %swap3A_365] {strides = array<i32>} : memref<128x16xf32, #tpu.memory_space<vmem>>, vector<1x16xf32>,
        %swap3A_367 = vector.shape_cast %swap3A_366 : vector<1x16xf32> to vector<16xf32>
        %swap3A_368 = vector.shape_cast %exp3A_363 : vector<16xf32> to vector<1x16xf32>
        tpu.vector_store %arg19[%swap3A_364, %swap3A_365], %swap3A_368 {strides = array<i32>} : memref<128x16xf32, #tpu.memory_space<vmem>>, vector<1x16xf32>,
        %mul3A_369 = arith.constant 16 : i32
        %mul3A_370 = arith.muli %scan3A_59, %mul3A_369 : i32
        %add3A_371 = arith.constant 11 : i32
        %add3A_372 = arith.addi %mul3A_370, %add3A_371 : i32
        %get3A_373 = arith.index_cast %add3A_372 : i32 to index
        %get3A_374 = arith.constant 0 : index
        %get3A_375 = tpu.vector_load %arg16[%get3A_373, %get3A_374] {strides = array<i32>} : memref<128x16xf32, #tpu.memory_space<vmem>>, vector<1x16xf32>,
        %get3A_376 = vector.shape_cast %get3A_375 : vector<1x16xf32> to vector<16xf32>
        %get3A_377 = arith.index_cast %add3A_372 : i32 to index
        %get3A_378 = arith.constant 0 : index
        %get3A_379 = tpu.vector_load %arg17[%get3A_377, %get3A_378] {strides = array<i32>} : memref<128x16xf32, #tpu.memory_space<vmem>>, vector<1x16xf32>,
        %get3A_380 = vector.shape_cast %get3A_379 : vector<1x16xf32> to vector<16xf32>
        %add3A_381 = arith.addf %get3A_376, %get3A_380 : vector<16xf32>
        %slice3A_382 = vector.extract_strided_slice %get3A_65 {offsets = [11], sizes = [1], strides = [1]} : vector<16xf32> to vector<1xf32>
        %squeeze3A_383 = vector.extract %slice3A_382[0] : f32 from vector<1xf32>
        %mul3A_384 = vector.broadcast %squeeze3A_383 : f32 to vector<16xf32>
        %mul3A_385 = arith.mulf %mul3A_384, %get3A_4 : vector<16xf32>
        %add3A_386 = arith.addf %add3A_381, %mul3A_385 : vector<16xf32>
        %mul3A_387 = arith.constant 2.000000e-01 : f32
        %mul3A_388 = vector.broadcast %mul3A_387 : f32 to vector<16xf32>
        %mul3A_389 = arith.mulf %mul3A_388, %add3A_386 : vector<16xf32>
        %max3A_390 = arith.maximumf %add3A_386, %mul3A_389 : vector<16xf32>
        %exp3A_391 = math.exp %max3A_390 : vector<16xf32>
        %swap3A_392 = arith.index_cast %add3A_372 : i32 to index
        %swap3A_393 = arith.constant 0 : index
        %swap3A_394 = tpu.vector_load %arg19[%swap3A_392, %swap3A_393] {strides = array<i32>} : memref<128x16xf32, #tpu.memory_space<vmem>>, vector<1x16xf32>,
        %swap3A_395 = vector.shape_cast %swap3A_394 : vector<1x16xf32> to vector<16xf32>
        %swap3A_396 = vector.shape_cast %exp3A_391 : vector<16xf32> to vector<1x16xf32>
        tpu.vector_store %arg19[%swap3A_392, %swap3A_393], %swap3A_396 {strides = array<i32>} : memref<128x16xf32, #tpu.memory_space<vmem>>, vector<1x16xf32>,
        %mul3A_397 = arith.constant 16 : i32
        %mul3A_398 = arith.muli %scan3A_59, %mul3A_397 : i32
        %add3A_399 = arith.constant 12 : i32
        %add3A_400 = arith.addi %mul3A_398, %add3A_399 : i32
        %get3A_401 = arith.index_cast %add3A_400 : i32 to index
        %get3A_402 = arith.constant 0 : index
        %get3A_403 = tpu.vector_load %arg16[%get3A_401, %get3A_402] {strides = array<i32>} : memref<128x16xf32, #tpu.memory_space<vmem>>, vector<1x16xf32>,
        %get3A_404 = vector.shape_cast %get3A_403 : vector<1x16xf32> to vector<16xf32>
        %get3A_405 = arith.index_cast %add3A_400 : i32 to index
        %get3A_406 = arith.constant 0 : index
        %get3A_407 = tpu.vector_load %arg17[%get3A_405, %get3A_406] {strides = array<i32>} : memref<128x16xf32, #tpu.memory_space<vmem>>, vector<1x16xf32>,
        %get3A_408 = vector.shape_cast %get3A_407 : vector<1x16xf32> to vector<16xf32>
        %add3A_409 = arith.addf %get3A_404, %get3A_408 : vector<16xf32>
        %slice3A_410 = vector.extract_strided_slice %get3A_65 {offsets = [12], sizes = [1], strides = [1]} : vector<16xf32> to vector<1xf32>
        %squeeze3A_411 = vector.extract %slice3A_410[0] : f32 from vector<1xf32>
        %mul3A_412 = vector.broadcast %squeeze3A_411 : f32 to vector<16xf32>
        %mul3A_413 = arith.mulf %mul3A_412, %get3A_4 : vector<16xf32>
        %add3A_414 = arith.addf %add3A_409, %mul3A_413 : vector<16xf32>
        %mul3A_415 = arith.constant 2.000000e-01 : f32
        %mul3A_416 = vector.broadcast %mul3A_415 : f32 to vector<16xf32>
        %mul3A_417 = arith.mulf %mul3A_416, %add3A_414 : vector<16xf32>
        %max3A_418 = arith.maximumf %add3A_414, %mul3A_417 : vector<16xf32>
        %exp3A_419 = math.exp %max3A_418 : vector<16xf32>
        %swap3A_420 = arith.index_cast %add3A_400 : i32 to index
        %swap3A_421 = arith.constant 0 : index
        %swap3A_422 = tpu.vector_load %arg19[%swap3A_420, %swap3A_421] {strides = array<i32>} : memref<128x16xf32, #tpu.memory_space<vmem>>, vector<1x16xf32>,
        %swap3A_423 = vector.shape_cast %swap3A_422 : vector<1x16xf32> to vector<16xf32>
        %swap3A_424 = vector.shape_cast %exp3A_419 : vector<16xf32> to vector<1x16xf32>
        tpu.vector_store %arg19[%swap3A_420, %swap3A_421], %swap3A_424 {strides = array<i32>} : memref<128x16xf32, #tpu.memory_space<vmem>>, vector<1x16xf32>,
        %mul3A_425 = arith.constant 16 : i32
        %mul3A_426 = arith.muli %scan3A_59, %mul3A_425 : i32
        %add3A_427 = arith.constant 13 : i32
        %add3A_428 = arith.addi %mul3A_426, %add3A_427 : i32
        %get3A_429 = arith.index_cast %add3A_428 : i32 to index
        %get3A_430 = arith.constant 0 : index
        %get3A_431 = tpu.vector_load %arg16[%get3A_429, %get3A_430] {strides = array<i32>} : memref<128x16xf32, #tpu.memory_space<vmem>>, vector<1x16xf32>,
        %get3A_432 = vector.shape_cast %get3A_431 : vector<1x16xf32> to vector<16xf32>
        %get3A_433 = arith.index_cast %add3A_428 : i32 to index
        %get3A_434 = arith.constant 0 : index
        %get3A_435 = tpu.vector_load %arg17[%get3A_433, %get3A_434] {strides = array<i32>} : memref<128x16xf32, #tpu.memory_space<vmem>>, vector<1x16xf32>,
        %get3A_436 = vector.shape_cast %get3A_435 : vector<1x16xf32> to vector<16xf32>
        %add3A_437 = arith.addf %get3A_432, %get3A_436 : vector<16xf32>
        %slice3A_438 = vector.extract_strided_slice %get3A_65 {offsets = [13], sizes = [1], strides = [1]} : vector<16xf32> to vector<1xf32>
        %squeeze3A_439 = vector.extract %slice3A_438[0] : f32 from vector<1xf32>
        %mul3A_440 = vector.broadcast %squeeze3A_439 : f32 to vector<16xf32>
        %mul3A_441 = arith.mulf %mul3A_440, %get3A_4 : vector<16xf32>
        %add3A_442 = arith.addf %add3A_437, %mul3A_441 : vector<16xf32>
        %mul3A_443 = arith.constant 2.000000e-01 : f32
        %mul3A_444 = vector.broadcast %mul3A_443 : f32 to vector<16xf32>
        %mul3A_445 = arith.mulf %mul3A_444, %add3A_442 : vector<16xf32>
        %max3A_446 = arith.maximumf %add3A_442, %mul3A_445 : vector<16xf32>
        %exp3A_447 = math.exp %max3A_446 : vector<16xf32>
        %swap3A_448 = arith.index_cast %add3A_428 : i32 to index
        %swap3A_449 = arith.constant 0 : index
        %swap3A_450 = tpu.vector_load %arg19[%swap3A_448, %swap3A_449] {strides = array<i32>} : memref<128x16xf32, #tpu.memory_space<vmem>>, vector<1x16xf32>,
        %swap3A_451 = vector.shape_cast %swap3A_450 : vector<1x16xf32> to vector<16xf32>
        %swap3A_452 = vector.shape_cast %exp3A_447 : vector<16xf32> to vector<1x16xf32>
        tpu.vector_store %arg19[%swap3A_448, %swap3A_449], %swap3A_452 {strides = array<i32>} : memref<128x16xf32, #tpu.memory_space<vmem>>, vector<1x16xf32>,
        %mul3A_453 = arith.constant 16 : i32
        %mul3A_454 = arith.muli %scan3A_59, %mul3A_453 : i32
        %add3A_455 = arith.constant 14 : i32
        %add3A_456 = arith.addi %mul3A_454, %add3A_455 : i32
        %get3A_457 = arith.index_cast %add3A_456 : i32 to index
        %get3A_458 = arith.constant 0 : index
        %get3A_459 = tpu.vector_load %arg16[%get3A_457, %get3A_458] {strides = array<i32>} : memref<128x16xf32, #tpu.memory_space<vmem>>, vector<1x16xf32>,
        %get3A_460 = vector.shape_cast %get3A_459 : vector<1x16xf32> to vector<16xf32>
        %get3A_461 = arith.index_cast %add3A_456 : i32 to index
        %get3A_462 = arith.constant 0 : index
        %get3A_463 = tpu.vector_load %arg17[%get3A_461, %get3A_462] {strides = array<i32>} : memref<128x16xf32, #tpu.memory_space<vmem>>, vector<1x16xf32>,
        %get3A_464 = vector.shape_cast %get3A_463 : vector<1x16xf32> to vector<16xf32>
        %add3A_465 = arith.addf %get3A_460, %get3A_464 : vector<16xf32>
        %slice3A_466 = vector.extract_strided_slice %get3A_65 {offsets = [14], sizes = [1], strides = [1]} : vector<16xf32> to vector<1xf32>
        %squeeze3A_467 = vector.extract %slice3A_466[0] : f32 from vector<1xf32>
        %mul3A_468 = vector.broadcast %squeeze3A_467 : f32 to vector<16xf32>
        %mul3A_469 = arith.mulf %mul3A_468, %get3A_4 : vector<16xf32>
        %add3A_470 = arith.addf %add3A_465, %mul3A_469 : vector<16xf32>
        %mul3A_471 = arith.constant 2.000000e-01 : f32
        %mul3A_472 = vector.broadcast %mul3A_471 : f32 to vector<16xf32>
        %mul3A_473 = arith.mulf %mul3A_472, %add3A_470 : vector<16xf32>
        %max3A_474 = arith.maximumf %add3A_470, %mul3A_473 : vector<16xf32>
        %exp3A_475 = math.exp %max3A_474 : vector<16xf32>
        %swap3A_476 = arith.index_cast %add3A_456 : i32 to index
        %swap3A_477 = arith.constant 0 : index
        %swap3A_478 = tpu.vector_load %arg19[%swap3A_476, %swap3A_477] {strides = array<i32>} : memref<128x16xf32, #tpu.memory_space<vmem>>, vector<1x16xf32>,
        %swap3A_479 = vector.shape_cast %swap3A_478 : vector<1x16xf32> to vector<16xf32>
        %swap3A_480 = vector.shape_cast %exp3A_475 : vector<16xf32> to vector<1x16xf32>
        tpu.vector_store %arg19[%swap3A_476, %swap3A_477], %swap3A_480 {strides = array<i32>} : memref<128x16xf32, #tpu.memory_space<vmem>>, vector<1x16xf32>,
        %mul3A_481 = arith.constant 16 : i32
        %mul3A_482 = arith.muli %scan3A_59, %mul3A_481 : i32
        %add3A_483 = arith.constant 15 : i32
        %add3A_484 = arith.addi %mul3A_482, %add3A_483 : i32
        %get3A_485 = arith.index_cast %add3A_484 : i32 to index
        %get3A_486 = arith.constant 0 : index
        %get3A_487 = tpu.vector_load %arg16[%get3A_485, %get3A_486] {strides = array<i32>} : memref<128x16xf32, #tpu.memory_space<vmem>>, vector<1x16xf32>,
        %get3A_488 = vector.shape_cast %get3A_487 : vector<1x16xf32> to vector<16xf32>
        %get3A_489 = arith.index_cast %add3A_484 : i32 to index
        %get3A_490 = arith.constant 0 : index
        %get3A_491 = tpu.vector_load %arg17[%get3A_489, %get3A_490] {strides = array<i32>} : memref<128x16xf32, #tpu.memory_space<vmem>>, vector<1x16xf32>,
        %get3A_492 = vector.shape_cast %get3A_491 : vector<1x16xf32> to vector<16xf32>
        %add3A_493 = arith.addf %get3A_488, %get3A_492 : vector<16xf32>
        %slice3A_494 = vector.extract_strided_slice %get3A_65 {offsets = [15], sizes = [1], strides = [1]} : vector<16xf32> to vector<1xf32>
        %squeeze3A_495 = vector.extract %slice3A_494[0] : f32 from vector<1xf32>
        %mul3A_496 = vector.broadcast %squeeze3A_495 : f32 to vector<16xf32>
        %mul3A_497 = arith.mulf %mul3A_496, %get3A_4 : vector<16xf32>
        %add3A_498 = arith.addf %add3A_493, %mul3A_497 : vector<16xf32>
        %mul3A_499 = arith.constant 2.000000e-01 : f32
        %mul3A_500 = vector.broadcast %mul3A_499 : f32 to vector<16xf32>
        %mul3A_501 = arith.mulf %mul3A_500, %add3A_498 : vector<16xf32>
        %max3A_502 = arith.maximumf %add3A_498, %mul3A_501 : vector<16xf32>
        %exp3A_503 = math.exp %max3A_502 : vector<16xf32>
        %swap3A_504 = arith.index_cast %add3A_484 : i32 to index
        %swap3A_505 = arith.constant 0 : index
        %swap3A_506 = tpu.vector_load %arg19[%swap3A_504, %swap3A_505] {strides = array<i32>} : memref<128x16xf32, #tpu.memory_space<vmem>>, vector<1x16xf32>,
        %swap3A_507 = vector.shape_cast %swap3A_506 : vector<1x16xf32> to vector<16xf32>
        %swap3A_508 = vector.shape_cast %exp3A_503 : vector<16xf32> to vector<1x16xf32>
        tpu.vector_store %arg19[%swap3A_504, %swap3A_505], %swap3A_508 {strides = array<i32>} : memref<128x16xf32, #tpu.memory_space<vmem>>, vector<1x16xf32>,
        %scan3A_509 = arith.constant 0 : i32
        scf.yield %scan3A_509 : i32
      }
      %scan3A_51 = arith.constant 8 : i32
      %scan3A_52 = arith.constant 0 : i32
      %scan3A_53 = arith.constant 0 : i32
      %scan3A_54 = arith.constant 128 : i32
      %scan3A_55 = arith.addi %scan3A_53, %scan3A_54 : i32
      %scan3A_56 = arith.constant 2 : i32
      %scan3A_57 = scf.for %scan3A_59 = %scan3A_53 to %scan3A_55 step %scan3A_56 iter_args(%scan3A_60 = %scan3A_52) -> (i32)  : i32 {
        %get3A_61 = arith.index_cast %scan3A_59 : i32 to index
        %get3A_62 = arith.constant 0 : index
        %get3A_63 = tpu.vector_load %arg19[%get3A_61, %get3A_62] {strides = array<i32>} : memref<128x16xf32, #tpu.memory_space<vmem>>, vector<1x16xf32>,
        %get3A_64 = vector.shape_cast %get3A_63 : vector<1x16xf32> to vector<16xf32>
        %slice3A = vector.extract_strided_slice %get3A_64 {offsets = [0], sizes = [1], strides = [1]} : vector<16xf32> to vector<1xf32>
        %squeeze3A = vector.extract %slice3A[0] : f32 from vector<1xf32>
        %get3A_65 = arith.index_cast %scan3A_59 : i32 to index
        %get3A_66 = arith.constant 0 : index
        %get3A_67 = tpu.vector_load %arg18[%get3A_65, %get3A_66] {strides = array<i32>} : memref<128x128xf32, #tpu.memory_space<vmem>>, vector<1x16xf32>,
        %get3A_68 = vector.shape_cast %get3A_67 : vector<1x16xf32> to vector<16xf32>
        %mul3A_69 = vector.broadcast %squeeze3A : f32 to vector<16xf32>
        %mul3A_70 = arith.mulf %get3A_68, %mul3A_69 : vector<16xf32>
        %swap3A = arith.index_cast %scan3A_59 : i32 to index
        %swap3A_71 = arith.constant 0 : index
        %swap3A_72 = tpu.vector_load %arg18[%swap3A, %swap3A_71] {strides = array<i32>} : memref<128x128xf32, #tpu.memory_space<vmem>>, vector<1x16xf32>,
        %swap3A_73 = vector.shape_cast %swap3A_72 : vector<1x16xf32> to vector<16xf32>
        %swap3A_74 = vector.shape_cast %mul3A_70 : vector<16xf32> to vector<1x16xf32>
        tpu.vector_store %arg18[%swap3A, %swap3A_71], %swap3A_74 {strides = array<i32>} : memref<128x128xf32, #tpu.memory_space<vmem>>, vector<1x16xf32>,
        %get3A_75 = arith.index_cast %scan3A_59 : i32 to index
        %get3A_76 = arith.constant 16 : index
        %get3A_77 = tpu.vector_load %arg18[%get3A_75, %get3A_76] {strides = array<i32>} : memref<128x128xf32, #tpu.memory_space<vmem>>, vector<1x16xf32>,
        %get3A_78 = vector.shape_cast %get3A_77 : vector<1x16xf32> to vector<16xf32>
        %mul3A_79 = vector.broadcast %squeeze3A : f32 to vector<16xf32>
        %mul3A_80 = arith.mulf %get3A_78, %mul3A_79 : vector<16xf32>
        %swap3A_81 = arith.index_cast %scan3A_59 : i32 to index
        %swap3A_82 = arith.constant 16 : index
        %swap3A_83 = tpu.vector_load %arg18[%swap3A_81, %swap3A_82] {strides = array<i32>} : memref<128x128xf32, #tpu.memory_space<vmem>>, vector<1x16xf32>,
        %swap3A_84 = vector.shape_cast %swap3A_83 : vector<1x16xf32> to vector<16xf32>
        %swap3A_85 = vector.shape_cast %mul3A_80 : vector<16xf32> to vector<1x16xf32>
        tpu.vector_store %arg18[%swap3A_81, %swap3A_82], %swap3A_85 {strides = array<i32>} : memref<128x128xf32, #tpu.memory_space<vmem>>, vector<1x16xf32>,
        %slice3A_86 = vector.extract_strided_slice %get3A_64 {offsets = [1], sizes = [1], strides = [1]} : vector<16xf32> to vector<1xf32>
        %squeeze3A_87 = vector.extract %slice3A_86[0] : f32 from vector<1xf32>
        %get3A_88 = arith.index_cast %scan3A_59 : i32 to index
        %get3A_89 = arith.constant 32 : index
        %get3A_90 = tpu.vector_load %arg18[%get3A_88, %get3A_89] {strides = array<i32>} : memref<128x128xf32, #tpu.memory_space<vmem>>, vector<1x16xf32>,
        %get3A_91 = vector.shape_cast %get3A_90 : vector<1x16xf32> to vector<16xf32>
        %mul3A_92 = vector.broadcast %squeeze3A_87 : f32 to vector<16xf32>
        %mul3A_93 = arith.mulf %get3A_91, %mul3A_92 : vector<16xf32>
        %swap3A_94 = arith.index_cast %scan3A_59 : i32 to index
        %swap3A_95 = arith.constant 32 : index
        %swap3A_96 = tpu.vector_load %arg18[%swap3A_94, %swap3A_95] {strides = array<i32>} : memref<128x128xf32, #tpu.memory_space<vmem>>, vector<1x16xf32>,
        %swap3A_97 = vector.shape_cast %swap3A_96 : vector<1x16xf32> to vector<16xf32>
        %swap3A_98 = vector.shape_cast %mul3A_93 : vector<16xf32> to vector<1x16xf32>
        tpu.vector_store %arg18[%swap3A_94, %swap3A_95], %swap3A_98 {strides = array<i32>} : memref<128x128xf32, #tpu.memory_space<vmem>>, vector<1x16xf32>,
        %get3A_99 = arith.index_cast %scan3A_59 : i32 to index
        %get3A_100 = arith.constant 48 : index
        %get3A_101 = tpu.vector_load %arg18[%get3A_99, %get3A_100] {strides = array<i32>} : memref<128x128xf32, #tpu.memory_space<vmem>>, vector<1x16xf32>,
        %get3A_102 = vector.shape_cast %get3A_101 : vector<1x16xf32> to vector<16xf32>
        %mul3A_103 = vector.broadcast %squeeze3A_87 : f32 to vector<16xf32>
        %mul3A_104 = arith.mulf %get3A_102, %mul3A_103 : vector<16xf32>
        %swap3A_105 = arith.index_cast %scan3A_59 : i32 to index
        %swap3A_106 = arith.constant 48 : index
        %swap3A_107 = tpu.vector_load %arg18[%swap3A_105, %swap3A_106] {strides = array<i32>} : memref<128x128xf32, #tpu.memory_space<vmem>>, vector<1x16xf32>,
        %swap3A_108 = vector.shape_cast %swap3A_107 : vector<1x16xf32> to vector<16xf32>
        %swap3A_109 = vector.shape_cast %mul3A_104 : vector<16xf32> to vector<1x16xf32>
        tpu.vector_store %arg18[%swap3A_105, %swap3A_106], %swap3A_109 {strides = array<i32>} : memref<128x128xf32, #tpu.memory_space<vmem>>, vector<1x16xf32>,
        %slice3A_110 = vector.extract_strided_slice %get3A_64 {offsets = [2], sizes = [1], strides = [1]} : vector<16xf32> to vector<1xf32>
        %squeeze3A_111 = vector.extract %slice3A_110[0] : f32 from vector<1xf32>
        %get3A_112 = arith.index_cast %scan3A_59 : i32 to index
        %get3A_113 = arith.constant 64 : index
        %get3A_114 = tpu.vector_load %arg18[%get3A_112, %get3A_113] {strides = array<i32>} : memref<128x128xf32, #tpu.memory_space<vmem>>, vector<1x16xf32>,
        %get3A_115 = vector.shape_cast %get3A_114 : vector<1x16xf32> to vector<16xf32>
        %mul3A_116 = vector.broadcast %squeeze3A_111 : f32 to vector<16xf32>
        %mul3A_117 = arith.mulf %get3A_115, %mul3A_116 : vector<16xf32>
        %swap3A_118 = arith.index_cast %scan3A_59 : i32 to index
        %swap3A_119 = arith.constant 64 : index
        %swap3A_120 = tpu.vector_load %arg18[%swap3A_118, %swap3A_119] {strides = array<i32>} : memref<128x128xf32, #tpu.memory_space<vmem>>, vector<1x16xf32>,
        %swap3A_121 = vector.shape_cast %swap3A_120 : vector<1x16xf32> to vector<16xf32>
        %swap3A_122 = vector.shape_cast %mul3A_117 : vector<16xf32> to vector<1x16xf32>
        tpu.vector_store %arg18[%swap3A_118, %swap3A_119], %swap3A_122 {strides = array<i32>} : memref<128x128xf32, #tpu.memory_space<vmem>>, vector<1x16xf32>,
        %get3A_123 = arith.index_cast %scan3A_59 : i32 to index
        %get3A_124 = arith.constant 80 : index
        %get3A_125 = tpu.vector_load %arg18[%get3A_123, %get3A_124] {strides = array<i32>} : memref<128x128xf32, #tpu.memory_space<vmem>>, vector<1x16xf32>,
        %get3A_126 = vector.shape_cast %get3A_125 : vector<1x16xf32> to vector<16xf32>
        %mul3A_127 = vector.broadcast %squeeze3A_111 : f32 to vector<16xf32>
        %mul3A_128 = arith.mulf %get3A_126, %mul3A_127 : vector<16xf32>
        %swap3A_129 = arith.index_cast %scan3A_59 : i32 to index
        %swap3A_130 = arith.constant 80 : index
        %swap3A_131 = tpu.vector_load %arg18[%swap3A_129, %swap3A_130] {strides = array<i32>} : memref<128x128xf32, #tpu.memory_space<vmem>>, vector<1x16xf32>,
        %swap3A_132 = vector.shape_cast %swap3A_131 : vector<1x16xf32> to vector<16xf32>
        %swap3A_133 = vector.shape_cast %mul3A_128 : vector<16xf32> to vector<1x16xf32>
        tpu.vector_store %arg18[%swap3A_129, %swap3A_130], %swap3A_133 {strides = array<i32>} : memref<128x128xf32, #tpu.memory_space<vmem>>, vector<1x16xf32>,
        %slice3A_134 = vector.extract_strided_slice %get3A_64 {offsets = [3], sizes = [1], strides = [1]} : vector<16xf32> to vector<1xf32>
        %squeeze3A_135 = vector.extract %slice3A_134[0] : f32 from vector<1xf32>
        %get3A_136 = arith.index_cast %scan3A_59 : i32 to index
        %get3A_137 = arith.constant 96 : index
        %get3A_138 = tpu.vector_load %arg18[%get3A_136, %get3A_137] {strides = array<i32>} : memref<128x128xf32, #tpu.memory_space<vmem>>, vector<1x16xf32>,
        %get3A_139 = vector.shape_cast %get3A_138 : vector<1x16xf32> to vector<16xf32>
        %mul3A_140 = vector.broadcast %squeeze3A_135 : f32 to vector<16xf32>
        %mul3A_141 = arith.mulf %get3A_139, %mul3A_140 : vector<16xf32>
        %swap3A_142 = arith.index_cast %scan3A_59 : i32 to index
        %swap3A_143 = arith.constant 96 : index
        %swap3A_144 = tpu.vector_load %arg18[%swap3A_142, %swap3A_143] {strides = array<i32>} : memref<128x128xf32, #tpu.memory_space<vmem>>, vector<1x16xf32>,
        %swap3A_145 = vector.shape_cast %swap3A_144 : vector<1x16xf32> to vector<16xf32>
        %swap3A_146 = vector.shape_cast %mul3A_141 : vector<16xf32> to vector<1x16xf32>
        tpu.vector_store %arg18[%swap3A_142, %swap3A_143], %swap3A_146 {strides = array<i32>} : memref<128x128xf32, #tpu.memory_space<vmem>>, vector<1x16xf32>,
        %get3A_147 = arith.index_cast %scan3A_59 : i32 to index
        %get3A_148 = arith.constant 112 : index
        %get3A_149 = tpu.vector_load %arg18[%get3A_147, %get3A_148] {strides = array<i32>} : memref<128x128xf32, #tpu.memory_space<vmem>>, vector<1x16xf32>,
        %get3A_150 = vector.shape_cast %get3A_149 : vector<1x16xf32> to vector<16xf32>
        %mul3A_151 = vector.broadcast %squeeze3A_135 : f32 to vector<16xf32>
        %mul3A_152 = arith.mulf %get3A_150, %mul3A_151 : vector<16xf32>
        %swap3A_153 = arith.index_cast %scan3A_59 : i32 to index
        %swap3A_154 = arith.constant 112 : index
        %swap3A_155 = tpu.vector_load %arg18[%swap3A_153, %swap3A_154] {strides = array<i32>} : memref<128x128xf32, #tpu.memory_space<vmem>>, vector<1x16xf32>,
        %swap3A_156 = vector.shape_cast %swap3A_155 : vector<1x16xf32> to vector<16xf32>
        %swap3A_157 = vector.shape_cast %mul3A_152 : vector<16xf32> to vector<1x16xf32>
        tpu.vector_store %arg18[%swap3A_153, %swap3A_154], %swap3A_157 {strides = array<i32>} : memref<128x128xf32, #tpu.memory_space<vmem>>, vector<1x16xf32>,
        %scan3A_158 = arith.constant 0 : i32
        %scan3A_159 = arith.constant 1 : i32
        %scan3A_160 = arith.addi %scan3A_59, %scan3A_159 : i32
        %get3A_161 = arith.index_cast %scan3A_160 : i32 to index
        %get3A_162 = arith.constant 0 : index
        %get3A_163 = tpu.vector_load %arg19[%get3A_161, %get3A_162] {strides = array<i32>} : memref<128x16xf32, #tpu.memory_space<vmem>>, vector<1x16xf32>,
        %get3A_164 = vector.shape_cast %get3A_163 : vector<1x16xf32> to vector<16xf32>
        %slice3A_165 = vector.extract_strided_slice %get3A_164 {offsets = [0], sizes = [1], strides = [1]} : vector<16xf32> to vector<1xf32>
        %squeeze3A_166 = vector.extract %slice3A_165[0] : f32 from vector<1xf32>
        %get3A_167 = arith.index_cast %scan3A_160 : i32 to index
        %get3A_168 = arith.constant 0 : index
        %get3A_169 = tpu.vector_load %arg18[%get3A_167, %get3A_168] {strides = array<i32>} : memref<128x128xf32, #tpu.memory_space<vmem>>, vector<1x16xf32>,
        %get3A_170 = vector.shape_cast %get3A_169 : vector<1x16xf32> to vector<16xf32>
        %mul3A_171 = vector.broadcast %squeeze3A_166 : f32 to vector<16xf32>
        %mul3A_172 = arith.mulf %get3A_170, %mul3A_171 : vector<16xf32>
        %swap3A_173 = arith.index_cast %scan3A_160 : i32 to index
        %swap3A_174 = arith.constant 0 : index
        %swap3A_175 = tpu.vector_load %arg18[%swap3A_173, %swap3A_174] {strides = array<i32>} : memref<128x128xf32, #tpu.memory_space<vmem>>, vector<1x16xf32>,
        %swap3A_176 = vector.shape_cast %swap3A_175 : vector<1x16xf32> to vector<16xf32>
        %swap3A_177 = vector.shape_cast %mul3A_172 : vector<16xf32> to vector<1x16xf32>
        tpu.vector_store %arg18[%swap3A_173, %swap3A_174], %swap3A_177 {strides = array<i32>} : memref<128x128xf32, #tpu.memory_space<vmem>>, vector<1x16xf32>,
        %get3A_178 = arith.index_cast %scan3A_160 : i32 to index
        %get3A_179 = arith.constant 16 : index
        %get3A_180 = tpu.vector_load %arg18[%get3A_178, %get3A_179] {strides = array<i32>} : memref<128x128xf32, #tpu.memory_space<vmem>>, vector<1x16xf32>,
        %get3A_181 = vector.shape_cast %get3A_180 : vector<1x16xf32> to vector<16xf32>
        %mul3A_182 = vector.broadcast %squeeze3A_166 : f32 to vector<16xf32>
        %mul3A_183 = arith.mulf %get3A_181, %mul3A_182 : vector<16xf32>
        %swap3A_184 = arith.index_cast %scan3A_160 : i32 to index
        %swap3A_185 = arith.constant 16 : index
        %swap3A_186 = tpu.vector_load %arg18[%swap3A_184, %swap3A_185] {strides = array<i32>} : memref<128x128xf32, #tpu.memory_space<vmem>>, vector<1x16xf32>,
        %swap3A_187 = vector.shape_cast %swap3A_186 : vector<1x16xf32> to vector<16xf32>
        %swap3A_188 = vector.shape_cast %mul3A_183 : vector<16xf32> to vector<1x16xf32>
        tpu.vector_store %arg18[%swap3A_184, %swap3A_185], %swap3A_188 {strides = array<i32>} : memref<128x128xf32, #tpu.memory_space<vmem>>, vector<1x16xf32>,
        %slice3A_189 = vector.extract_strided_slice %get3A_164 {offsets = [1], sizes = [1], strides = [1]} : vector<16xf32> to vector<1xf32>
        %squeeze3A_190 = vector.extract %slice3A_189[0] : f32 from vector<1xf32>
        %get3A_191 = arith.index_cast %scan3A_160 : i32 to index
        %get3A_192 = arith.constant 32 : index
        %get3A_193 = tpu.vector_load %arg18[%get3A_191, %get3A_192] {strides = array<i32>} : memref<128x128xf32, #tpu.memory_space<vmem>>, vector<1x16xf32>,
        %get3A_194 = vector.shape_cast %get3A_193 : vector<1x16xf32> to vector<16xf32>
        %mul3A_195 = vector.broadcast %squeeze3A_190 : f32 to vector<16xf32>
        %mul3A_196 = arith.mulf %get3A_194, %mul3A_195 : vector<16xf32>
        %swap3A_197 = arith.index_cast %scan3A_160 : i32 to index
        %swap3A_198 = arith.constant 32 : index
        %swap3A_199 = tpu.vector_load %arg18[%swap3A_197, %swap3A_198] {strides = array<i32>} : memref<128x128xf32, #tpu.memory_space<vmem>>, vector<1x16xf32>,
        %swap3A_200 = vector.shape_cast %swap3A_199 : vector<1x16xf32> to vector<16xf32>
        %swap3A_201 = vector.shape_cast %mul3A_196 : vector<16xf32> to vector<1x16xf32>
        tpu.vector_store %arg18[%swap3A_197, %swap3A_198], %swap3A_201 {strides = array<i32>} : memref<128x128xf32, #tpu.memory_space<vmem>>, vector<1x16xf32>,
        %get3A_202 = arith.index_cast %scan3A_160 : i32 to index
        %get3A_203 = arith.constant 48 : index
        %get3A_204 = tpu.vector_load %arg18[%get3A_202, %get3A_203] {strides = array<i32>} : memref<128x128xf32, #tpu.memory_space<vmem>>, vector<1x16xf32>,
        %get3A_205 = vector.shape_cast %get3A_204 : vector<1x16xf32> to vector<16xf32>
        %mul3A_206 = vector.broadcast %squeeze3A_190 : f32 to vector<16xf32>
        %mul3A_207 = arith.mulf %get3A_205, %mul3A_206 : vector<16xf32>
        %swap3A_208 = arith.index_cast %scan3A_160 : i32 to index
        %swap3A_209 = arith.constant 48 : index
        %swap3A_210 = tpu.vector_load %arg18[%swap3A_208, %swap3A_209] {strides = array<i32>} : memref<128x128xf32, #tpu.memory_space<vmem>>, vector<1x16xf32>,
        %swap3A_211 = vector.shape_cast %swap3A_210 : vector<1x16xf32> to vector<16xf32>
        %swap3A_212 = vector.shape_cast %mul3A_207 : vector<16xf32> to vector<1x16xf32>
        tpu.vector_store %arg18[%swap3A_208, %swap3A_209], %swap3A_212 {strides = array<i32>} : memref<128x128xf32, #tpu.memory_space<vmem>>, vector<1x16xf32>,
        %slice3A_213 = vector.extract_strided_slice %get3A_164 {offsets = [2], sizes = [1], strides = [1]} : vector<16xf32> to vector<1xf32>
        %squeeze3A_214 = vector.extract %slice3A_213[0] : f32 from vector<1xf32>
        %get3A_215 = arith.index_cast %scan3A_160 : i32 to index
        %get3A_216 = arith.constant 64 : index
        %get3A_217 = tpu.vector_load %arg18[%get3A_215, %get3A_216] {strides = array<i32>} : memref<128x128xf32, #tpu.memory_space<vmem>>, vector<1x16xf32>,
        %get3A_218 = vector.shape_cast %get3A_217 : vector<1x16xf32> to vector<16xf32>
        %mul3A_219 = vector.broadcast %squeeze3A_214 : f32 to vector<16xf32>
        %mul3A_220 = arith.mulf %get3A_218, %mul3A_219 : vector<16xf32>
        %swap3A_221 = arith.index_cast %scan3A_160 : i32 to index
        %swap3A_222 = arith.constant 64 : index
        %swap3A_223 = tpu.vector_load %arg18[%swap3A_221, %swap3A_222] {strides = array<i32>} : memref<128x128xf32, #tpu.memory_space<vmem>>, vector<1x16xf32>,
        %swap3A_224 = vector.shape_cast %swap3A_223 : vector<1x16xf32> to vector<16xf32>
        %swap3A_225 = vector.shape_cast %mul3A_220 : vector<16xf32> to vector<1x16xf32>
        tpu.vector_store %arg18[%swap3A_221, %swap3A_222], %swap3A_225 {strides = array<i32>} : memref<128x128xf32, #tpu.memory_space<vmem>>, vector<1x16xf32>,
        %get3A_226 = arith.index_cast %scan3A_160 : i32 to index
        %get3A_227 = arith.constant 80 : index
        %get3A_228 = tpu.vector_load %arg18[%get3A_226, %get3A_227] {strides = array<i32>} : memref<128x128xf32, #tpu.memory_space<vmem>>, vector<1x16xf32>,
        %get3A_229 = vector.shape_cast %get3A_228 : vector<1x16xf32> to vector<16xf32>
        %mul3A_230 = vector.broadcast %squeeze3A_214 : f32 to vector<16xf32>
        %mul3A_231 = arith.mulf %get3A_229, %mul3A_230 : vector<16xf32>
        %swap3A_232 = arith.index_cast %scan3A_160 : i32 to index
        %swap3A_233 = arith.constant 80 : index
        %swap3A_234 = tpu.vector_load %arg18[%swap3A_232, %swap3A_233] {strides = array<i32>} : memref<128x128xf32, #tpu.memory_space<vmem>>, vector<1x16xf32>,
        %swap3A_235 = vector.shape_cast %swap3A_234 : vector<1x16xf32> to vector<16xf32>
        %swap3A_236 = vector.shape_cast %mul3A_231 : vector<16xf32> to vector<1x16xf32>
        tpu.vector_store %arg18[%swap3A_232, %swap3A_233], %swap3A_236 {strides = array<i32>} : memref<128x128xf32, #tpu.memory_space<vmem>>, vector<1x16xf32>,
        %slice3A_237 = vector.extract_strided_slice %get3A_164 {offsets = [3], sizes = [1], strides = [1]} : vector<16xf32> to vector<1xf32>
        %squeeze3A_238 = vector.extract %slice3A_237[0] : f32 from vector<1xf32>
        %get3A_239 = arith.index_cast %scan3A_160 : i32 to index
        %get3A_240 = arith.constant 96 : index
        %get3A_241 = tpu.vector_load %arg18[%get3A_239, %get3A_240] {strides = array<i32>} : memref<128x128xf32, #tpu.memory_space<vmem>>, vector<1x16xf32>,
        %get3A_242 = vector.shape_cast %get3A_241 : vector<1x16xf32> to vector<16xf32>
        %mul3A_243 = vector.broadcast %squeeze3A_238 : f32 to vector<16xf32>
        %mul3A_244 = arith.mulf %get3A_242, %mul3A_243 : vector<16xf32>
        %swap3A_245 = arith.index_cast %scan3A_160 : i32 to index
        %swap3A_246 = arith.constant 96 : index
        %swap3A_247 = tpu.vector_load %arg18[%swap3A_245, %swap3A_246] {strides = array<i32>} : memref<128x128xf32, #tpu.memory_space<vmem>>, vector<1x16xf32>,
        %swap3A_248 = vector.shape_cast %swap3A_247 : vector<1x16xf32> to vector<16xf32>
        %swap3A_249 = vector.shape_cast %mul3A_244 : vector<16xf32> to vector<1x16xf32>
        tpu.vector_store %arg18[%swap3A_245, %swap3A_246], %swap3A_249 {strides = array<i32>} : memref<128x128xf32, #tpu.memory_space<vmem>>, vector<1x16xf32>,
        %get3A_250 = arith.index_cast %scan3A_160 : i32 to index
        %get3A_251 = arith.constant 112 : index
        %get3A_252 = tpu.vector_load %arg18[%get3A_250, %get3A_251] {strides = array<i32>} : memref<128x128xf32, #tpu.memory_space<vmem>>, vector<1x16xf32>,
        %get3A_253 = vector.shape_cast %get3A_252 : vector<1x16xf32> to vector<16xf32>
        %mul3A_254 = vector.broadcast %squeeze3A_238 : f32 to vector<16xf32>
        %mul3A_255 = arith.mulf %get3A_253, %mul3A_254 : vector<16xf32>
        %swap3A_256 = arith.index_cast %scan3A_160 : i32 to index
        %swap3A_257 = arith.constant 112 : index
        %swap3A_258 = tpu.vector_load %arg18[%swap3A_256, %swap3A_257] {strides = array<i32>} : memref<128x128xf32, #tpu.memory_space<vmem>>, vector<1x16xf32>,
        %swap3A_259 = vector.shape_cast %swap3A_258 : vector<1x16xf32> to vector<16xf32>
        %swap3A_260 = vector.shape_cast %mul3A_255 : vector<16xf32> to vector<1x16xf32>
        tpu.vector_store %arg18[%swap3A_256, %swap3A_257], %swap3A_260 {strides = array<i32>} : memref<128x128xf32, #tpu.memory_space<vmem>>, vector<1x16xf32>,
        %scan3A_261 = arith.constant 0 : i32
        scf.yield %scan3A_261 : i32
      }
      %scan3A_58 = arith.constant 128 : i32
      "tpu.region"() ({
        %run_scoped3A = tpu.sem_alloc : memref<!tpu.dma_semaphore, #tpu.memory_space<semaphore_mem>>
        %dma_start3A_59 = arith.constant 0 : i32
        %dma_start3A_60 = arith.constant 0 : i32
        %dma_start3A_61 = tpu.memref_slice %arg21[%dma_start3A_59, %dma_start3A_60] : memref<10240x128xf32, #tpu.memory_space<vmem_shared>> -> memref<10240x128xf32, #tpu.memory_space<vmem_shared>>
        tpu.enqueue_indirect_dma source(%arg18 : memref<128x128xf32, #tpu.memory_space<vmem>>) target(%dma_start3A_61 : memref<10240x128xf32, #tpu.memory_space<vmem_shared>>) offsets(%arg14 : memref<128xi32, #tpu.memory_space<vmem>>) semaphore(%run_scoped3A : memref<!tpu.dma_semaphore, #tpu.memory_space<semaphore_mem>>) {add = true}
        %dma_wait3A_62 = arith.constant 0 : i32
        %dma_wait3A_63 = arith.constant 0 : i32
        %dma_wait3A_64 = tpu.memref_slice %arg21[%dma_wait3A_62, %dma_wait3A_63] : memref<10240x128xf32, #tpu.memory_space<vmem_shared>> -> memref<10240x128xf32, #tpu.memory_space<vmem_shared>>
        tpu.wait_indirect_dma semaphore(%run_scoped3A : memref<!tpu.dma_semaphore, #tpu.memory_space<semaphore_mem>>) src(%arg18 : memref<128x128xf32, #tpu.memory_space<vmem>>) dst(%dma_wait3A_64 : memref<10240x128xf32, #tpu.memory_space<vmem_shared>>)
        tpu.yield
      }) : () -> ()
      "tpu.region"() ({
        %run_scoped3A = tpu.sem_alloc : memref<!tpu.dma_semaphore, #tpu.memory_space<semaphore_mem>>
        %dma_start3A_59 = arith.constant 0 : i32
        %dma_start3A_60 = arith.constant 0 : i32
        %dma_start3A_61 = tpu.memref_slice %arg22[%dma_start3A_59, %dma_start3A_60] : memref<10240x16xf32, #tpu.memory_space<vmem_shared>> -> memref<10240x16xf32, #tpu.memory_space<vmem_shared>>
        tpu.enqueue_indirect_dma source(%arg19 : memref<128x16xf32, #tpu.memory_space<vmem>>) target(%dma_start3A_61 : memref<10240x16xf32, #tpu.memory_space<vmem_shared>>) offsets(%arg14 : memref<128xi32, #tpu.memory_space<vmem>>) semaphore(%run_scoped3A : memref<!tpu.dma_semaphore, #tpu.memory_space<semaphore_mem>>) {add = true}
        %dma_wait3A_62 = arith.constant 0 : i32
        %dma_wait3A_63 = arith.constant 0 : i32
        %dma_wait3A_64 = tpu.memref_slice %arg22[%dma_wait3A_62, %dma_wait3A_63] : memref<10240x16xf32, #tpu.memory_space<vmem_shared>> -> memref<10240x16xf32, #tpu.memory_space<vmem_shared>>
        tpu.wait_indirect_dma semaphore(%run_scoped3A : memref<!tpu.dma_semaphore, #tpu.memory_space<semaphore_mem>>) src(%arg19 : memref<128x16xf32, #tpu.memory_space<vmem>>) dst(%dma_wait3A_64 : memref<10240x16xf32, #tpu.memory_space<vmem_shared>>)
        tpu.yield
      }) : () -> ()
    }
    %scan3A_11 = arith.constant 157 : i32
    %barrier3A_12 = arith.constant 0 : index
    tpu.barrier barrier_id(%barrier3A_12)
    "tpu.region"() ({
      %run_scoped3A = tpu.sem_alloc : memref<!tpu.dma_semaphore, #tpu.memory_space<semaphore_mem>>
      %dma_start3A = arith.constant 0 : i32
      %dma_start3A_13 = tpu.memref_slice %arg11[%arg0, %mul3A_2, %dma_start3A] : memref<2x10240x128xf32, #tpu.memory_space<hbm>> -> memref<1x640x128xf32, #tpu.memory_space<hbm>>
      %dma_start3A_14 = tpu.memref_squeeze %dma_start3A_13 : memref<1x640x128xf32, #tpu.memory_space<hbm>> -> memref<640x128xf32, #tpu.memory_space<hbm>>
      %dma_start3A_15 = arith.constant 0 : i32
      %dma_start3A_16 = tpu.memref_slice %arg21[%mul3A_2, %dma_start3A_15] : memref<10240x128xf32, #tpu.memory_space<vmem_shared>> -> memref<640x128xf32, #tpu.memory_space<vmem_shared>>
      tpu.enqueue_dma source(%dma_start3A_16 : memref<640x128xf32, #tpu.memory_space<vmem_shared>>) target(%dma_start3A_14 : memref<640x128xf32, #tpu.memory_space<hbm>>) target_semaphore(%run_scoped3A : memref<!tpu.dma_semaphore, #tpu.memory_space<semaphore_mem>>)
      %dma_wait3A = arith.constant 0 : i32
      %dma_wait3A_17 = tpu.memref_slice %arg11[%arg0, %mul3A_2, %dma_wait3A] : memref<2x10240x128xf32, #tpu.memory_space<hbm>> -> memref<1x640x128xf32, #tpu.memory_space<hbm>>
      %dma_wait3A_18 = tpu.memref_squeeze %dma_wait3A_17 : memref<1x640x128xf32, #tpu.memory_space<hbm>> -> memref<640x128xf32, #tpu.memory_space<hbm>>
      %dma_wait3A_19 = arith.constant 0 : i32
      %dma_wait3A_20 = tpu.memref_slice %arg21[%mul3A_2, %dma_wait3A_19] : memref<10240x128xf32, #tpu.memory_space<vmem_shared>> -> memref<640x128xf32, #tpu.memory_space<vmem_shared>>
      tpu.wait_dma2 semaphore(%run_scoped3A : memref<!tpu.dma_semaphore, #tpu.memory_space<semaphore_mem>>) src(%dma_wait3A_20 : memref<640x128xf32, #tpu.memory_space<vmem_shared>>) dst(%dma_wait3A_18 : memref<640x128xf32, #tpu.memory_space<hbm>>)
      tpu.yield
    }) : () -> ()
    "tpu.region"() ({
      %run_scoped3A = tpu.sem_alloc : memref<!tpu.dma_semaphore, #tpu.memory_space<semaphore_mem>>
      %dma_start3A = arith.constant 0 : i32
      %dma_start3A_13 = tpu.memref_slice %arg12[%arg0, %mul3A_2, %dma_start3A] : memref<2x10240x16xf32, #tpu.memory_space<hbm>> -> memref<1x640x16xf32, #tpu.memory_space<hbm>>
      %dma_start3A_14 = tpu.memref_squeeze %dma_start3A_13 : memref<1x640x16xf32, #tpu.memory_space<hbm>> -> memref<640x16xf32, #tpu.memory_space<hbm>>
      %dma_start3A_15 = arith.constant 0 : i32
      %dma_start3A_16 = tpu.memref_slice %arg22[%mul3A_2, %dma_start3A_15] : memref<10240x16xf32, #tpu.memory_space<vmem_shared>> -> memref<640x16xf32, #tpu.memory_space<vmem_shared>>
      tpu.enqueue_dma source(%dma_start3A_16 : memref<640x16xf32, #tpu.memory_space<vmem_shared>>) target(%dma_start3A_14 : memref<640x16xf32, #tpu.memory_space<hbm>>) target_semaphore(%run_scoped3A : memref<!tpu.dma_semaphore, #tpu.memory_space<semaphore_mem>>)
      %dma_wait3A = arith.constant 0 : i32
      %dma_wait3A_17 = tpu.memref_slice %arg12[%arg0, %mul3A_2, %dma_wait3A] : memref<2x10240x16xf32, #tpu.memory_space<hbm>> -> memref<1x640x16xf32, #tpu.memory_space<hbm>>
      %dma_wait3A_18 = tpu.memref_squeeze %dma_wait3A_17 : memref<1x640x16xf32, #tpu.memory_space<hbm>> -> memref<640x16xf32, #tpu.memory_space<hbm>>
      %dma_wait3A_19 = arith.constant 0 : i32
      %dma_wait3A_20 = tpu.memref_slice %arg22[%mul3A_2, %dma_wait3A_19] : memref<10240x16xf32, #tpu.memory_space<vmem_shared>> -> memref<640x16xf32, #tpu.memory_space<vmem_shared>>
      tpu.wait_dma2 semaphore(%run_scoped3A : memref<!tpu.dma_semaphore, #tpu.memory_space<semaphore_mem>>) src(%dma_wait3A_20 : memref<640x16xf32, #tpu.memory_space<vmem_shared>>) dst(%dma_wait3A_18 : memref<640x16xf32, #tpu.memory_space<hbm>>)
      tpu.yield
    }) : () -> ()
    return
  }
}

#map = affine_map<(d0, d1) -> (0)>
#map1 = affine_map<(d0, d1) -> (0, 0)>
#map2 = affine_map<(d0, d1) -> (0, 0, 0)>
module attributes {stable_mosaic.version = 14 : i64} {
  func.func @_sc_edge_body(%arg0: i32, %arg1: i32, %arg2: memref<643072xi32, #tpu.memory_space<hbm>>, %arg3: memref<643072xi32, #tpu.memory_space<hbm>>, %arg4: memref<643072xf32, #tpu.memory_space<hbm>>, %arg5: memref<10240x16xf32, #tpu.memory_space<hbm>>, %arg6: memref<10240x16xf32, #tpu.memory_space<hbm>>, %arg7: memref<10240x128xf32, #tpu.memory_space<hbm>>, %arg8: memref<16xf32, #tpu.memory_space<hbm>>, %arg9: memref<10240x128xf32, #tpu.memory_space<hbm>>, %arg10: memref<10240x16xf32, #tpu.memory_space<hbm>>, %arg11: memref<2x10240x128xf32, #tpu.memory_space<hbm>>, %arg12: memref<2x10240x16xf32, #tpu.memory_space<hbm>>, %arg13: memref<128xi32, #tpu.memory_space<vmem>>, %arg14: memref<128xi32, #tpu.memory_space<vmem>>, %arg15: memref<128xf32, #tpu.memory_space<vmem>>, %arg16: memref<128x16xf32, #tpu.memory_space<vmem>>, %arg17: memref<128x16xf32, #tpu.memory_space<vmem>>, %arg18: memref<128x128xf32, #tpu.memory_space<vmem>>, %arg19: memref<128x16xf32, #tpu.memory_space<vmem>>, %arg20: memref<16xf32, #tpu.memory_space<vmem>>, %arg21: memref<10240x128xf32, #tpu.memory_space<vmem_shared>>, %arg22: memref<10240x16xf32, #tpu.memory_space<vmem_shared>>, %arg23: memref<!tpu.dma_semaphore, #tpu.memory_space<semaphore_mem>>, %arg24: memref<!tpu.dma_semaphore, #tpu.memory_space<semaphore_mem>>, %arg25: memref<!tpu.dma_semaphore, #tpu.memory_space<semaphore_mem>>) attributes {dimension_semantics = [#tpu.dimension_semantics<core_parallel>, #tpu.dimension_semantics<subcore_parallel>], iteration_bounds = array<i64: 2, 16>, scalar_prefetch = 0 : i64, scratch_operands = 13 : i64, tpu.core_type = #tpu.core_type<sc_vector_subcore>, window_params = [{transform_indices = #map}, {transform_indices = #map}, {transform_indices = #map}, {transform_indices = #map1}, {transform_indices = #map1}, {transform_indices = #map1}, {transform_indices = #map}, {transform_indices = #map1}, {transform_indices = #map1}, {transform_indices = #map2}, {transform_indices = #map2}]} {
    %mul3A = arith.constant 2 : i32
    %mul3A_0 = arith.muli %arg1, %mul3A : i32
    %add3A = arith.addi %mul3A_0, %arg0 : i32
    %mul3A_1 = arith.constant 640 : i32
    %mul3A_2 = arith.muli %arg1, %mul3A_1 : i32
    "tpu.region"() ({
      %run_scoped3A = tpu.sem_alloc : memref<!tpu.dma_semaphore, #tpu.memory_space<semaphore_mem>>
      %dma_start3A = arith.constant 0 : i32
      %dma_start3A_13 = tpu.memref_slice %arg21[%mul3A_2, %dma_start3A] : memref<10240x128xf32, #tpu.memory_space<vmem_shared>> -> memref<640x128xf32, #tpu.memory_space<vmem_shared>>
      %dma_start3A_14 = arith.constant 0 : i32
      %dma_start3A_15 = tpu.memref_slice %arg9[%mul3A_2, %dma_start3A_14] : memref<10240x128xf32, #tpu.memory_space<hbm>> -> memref<640x128xf32, #tpu.memory_space<hbm>>
      tpu.enqueue_dma source(%dma_start3A_15 : memref<640x128xf32, #tpu.memory_space<hbm>>) target(%dma_start3A_13 : memref<640x128xf32, #tpu.memory_space<vmem_shared>>) target_semaphore(%run_scoped3A : memref<!tpu.dma_semaphore, #tpu.memory_space<semaphore_mem>>)
      %dma_wait3A = arith.constant 0 : i32
      %dma_wait3A_16 = tpu.memref_slice %arg21[%mul3A_2, %dma_wait3A] : memref<10240x128xf32, #tpu.memory_space<vmem_shared>> -> memref<640x128xf32, #tpu.memory_space<vmem_shared>>
      %dma_wait3A_17 = arith.constant 0 : i32
      %dma_wait3A_18 = tpu.memref_slice %arg9[%mul3A_2, %dma_wait3A_17] : memref<10240x128xf32, #tpu.memory_space<hbm>> -> memref<640x128xf32, #tpu.memory_space<hbm>>
      tpu.wait_dma2 semaphore(%run_scoped3A : memref<!tpu.dma_semaphore, #tpu.memory_space<semaphore_mem>>) src(%dma_wait3A_18 : memref<640x128xf32, #tpu.memory_space<hbm>>) dst(%dma_wait3A_16 : memref<640x128xf32, #tpu.memory_space<vmem_shared>>)
      tpu.yield
    }) : () -> ()
    "tpu.region"() ({
      %run_scoped3A = tpu.sem_alloc : memref<!tpu.dma_semaphore, #tpu.memory_space<semaphore_mem>>
      %dma_start3A = arith.constant 0 : i32
      %dma_start3A_13 = tpu.memref_slice %arg22[%mul3A_2, %dma_start3A] : memref<10240x16xf32, #tpu.memory_space<vmem_shared>> -> memref<640x16xf32, #tpu.memory_space<vmem_shared>>
      %dma_start3A_14 = arith.constant 0 : i32
      %dma_start3A_15 = tpu.memref_slice %arg10[%mul3A_2, %dma_start3A_14] : memref<10240x16xf32, #tpu.memory_space<hbm>> -> memref<640x16xf32, #tpu.memory_space<hbm>>
      tpu.enqueue_dma source(%dma_start3A_15 : memref<640x16xf32, #tpu.memory_space<hbm>>) target(%dma_start3A_13 : memref<640x16xf32, #tpu.memory_space<vmem_shared>>) target_semaphore(%run_scoped3A : memref<!tpu.dma_semaphore, #tpu.memory_space<semaphore_mem>>)
      %dma_wait3A = arith.constant 0 : i32
      %dma_wait3A_16 = tpu.memref_slice %arg22[%mul3A_2, %dma_wait3A] : memref<10240x16xf32, #tpu.memory_space<vmem_shared>> -> memref<640x16xf32, #tpu.memory_space<vmem_shared>>
      %dma_wait3A_17 = arith.constant 0 : i32
      %dma_wait3A_18 = tpu.memref_slice %arg10[%mul3A_2, %dma_wait3A_17] : memref<10240x16xf32, #tpu.memory_space<hbm>> -> memref<640x16xf32, #tpu.memory_space<hbm>>
      tpu.wait_dma2 semaphore(%run_scoped3A : memref<!tpu.dma_semaphore, #tpu.memory_space<semaphore_mem>>) src(%dma_wait3A_18 : memref<640x16xf32, #tpu.memory_space<hbm>>) dst(%dma_wait3A_16 : memref<640x16xf32, #tpu.memory_space<vmem_shared>>)
      tpu.yield
    }) : () -> ()
    "tpu.region"() ({
      %run_scoped3A = tpu.sem_alloc : memref<!tpu.dma_semaphore, #tpu.memory_space<semaphore_mem>>
      tpu.enqueue_dma source(%arg8 : memref<16xf32, #tpu.memory_space<hbm>>) target(%arg20 : memref<16xf32, #tpu.memory_space<vmem>>) target_semaphore(%run_scoped3A : memref<!tpu.dma_semaphore, #tpu.memory_space<semaphore_mem>>)
      tpu.wait_dma2 semaphore(%run_scoped3A : memref<!tpu.dma_semaphore, #tpu.memory_space<semaphore_mem>>) src(%arg8 : memref<16xf32, #tpu.memory_space<hbm>>) dst(%arg20 : memref<16xf32, #tpu.memory_space<vmem>>)
      tpu.yield
    }) : () -> ()
    %barrier3A = arith.constant 0 : index
    tpu.barrier barrier_id(%barrier3A)
    %get3A = arith.constant 0 : index
    %get3A_3 = tpu.vector_load %arg20[%get3A] {strides = array<i32>} : memref<16xf32, #tpu.memory_space<vmem>>, vector<16xf32>,
    %get3A_4 = vector.shape_cast %get3A_3 : vector<16xf32> to vector<16xf32>
    %mul3A_5 = arith.constant 20096 : i32
    %mul3A_6 = arith.muli %add3A, %mul3A_5 : i32
    %scan3A = arith.constant 0 : i32
    %scan3A_7 = arith.constant 0 : i32
    %scan3A_8 = arith.constant 157 : i32
    %scan3A_9 = arith.addi %scan3A_7, %scan3A_8 : i32
    %scan3A_10 = arith.constant 1 : i32
    scf.for %scan3A_13 = %scan3A_7 to %scan3A_9 step %scan3A_10  : i32 {
      %mul3A_14 = arith.constant 128 : i32
      %mul3A_15 = arith.muli %scan3A_13, %mul3A_14 : i32
      %add3A_16 = arith.addi %mul3A_6, %mul3A_15 : i32
      %dma_start3A = tpu.memref_slice %arg2[%add3A_16] : memref<643072xi32, #tpu.memory_space<hbm>> -> memref<128xi32, #tpu.memory_space<hbm>>
      %dma_start3A_17 = tpu.memref_slice %arg2[%add3A_16] : memref<643072xi32, #tpu.memory_space<hbm>> -> memref<128xi32, #tpu.memory_space<hbm>>
      tpu.enqueue_dma source(%dma_start3A_17 : memref<128xi32, #tpu.memory_space<hbm>>) target(%arg13 : memref<128xi32, #tpu.memory_space<vmem>>) target_semaphore(%arg23 : memref<!tpu.dma_semaphore, #tpu.memory_space<semaphore_mem>>)
      %dma_start3A_18 = tpu.memref_slice %arg3[%add3A_16] : memref<643072xi32, #tpu.memory_space<hbm>> -> memref<128xi32, #tpu.memory_space<hbm>>
      %dma_start3A_19 = tpu.memref_slice %arg3[%add3A_16] : memref<643072xi32, #tpu.memory_space<hbm>> -> memref<128xi32, #tpu.memory_space<hbm>>
      tpu.enqueue_dma source(%dma_start3A_19 : memref<128xi32, #tpu.memory_space<hbm>>) target(%arg14 : memref<128xi32, #tpu.memory_space<vmem>>) target_semaphore(%arg24 : memref<!tpu.dma_semaphore, #tpu.memory_space<semaphore_mem>>)
      %dma_start3A_20 = tpu.memref_slice %arg4[%add3A_16] : memref<643072xf32, #tpu.memory_space<hbm>> -> memref<128xf32, #tpu.memory_space<hbm>>
      %dma_start3A_21 = tpu.memref_slice %arg4[%add3A_16] : memref<643072xf32, #tpu.memory_space<hbm>> -> memref<128xf32, #tpu.memory_space<hbm>>
      tpu.enqueue_dma source(%dma_start3A_21 : memref<128xf32, #tpu.memory_space<hbm>>) target(%arg15 : memref<128xf32, #tpu.memory_space<vmem>>) target_semaphore(%arg25 : memref<!tpu.dma_semaphore, #tpu.memory_space<semaphore_mem>>)
      %dma_wait3A = tpu.memref_slice %arg2[%add3A_16] : memref<643072xi32, #tpu.memory_space<hbm>> -> memref<128xi32, #tpu.memory_space<hbm>>
      %dma_wait3A_22 = tpu.memref_slice %arg2[%add3A_16] : memref<643072xi32, #tpu.memory_space<hbm>> -> memref<128xi32, #tpu.memory_space<hbm>>
      tpu.wait_dma2 semaphore(%arg23 : memref<!tpu.dma_semaphore, #tpu.memory_space<semaphore_mem>>) src(%dma_wait3A_22 : memref<128xi32, #tpu.memory_space<hbm>>) dst(%arg13 : memref<128xi32, #tpu.memory_space<vmem>>)
      %dma_wait3A_23 = tpu.memref_slice %arg3[%add3A_16] : memref<643072xi32, #tpu.memory_space<hbm>> -> memref<128xi32, #tpu.memory_space<hbm>>
      %dma_wait3A_24 = tpu.memref_slice %arg3[%add3A_16] : memref<643072xi32, #tpu.memory_space<hbm>> -> memref<128xi32, #tpu.memory_space<hbm>>
      tpu.wait_dma2 semaphore(%arg24 : memref<!tpu.dma_semaphore, #tpu.memory_space<semaphore_mem>>) src(%dma_wait3A_24 : memref<128xi32, #tpu.memory_space<hbm>>) dst(%arg14 : memref<128xi32, #tpu.memory_space<vmem>>)
      %dma_wait3A_25 = tpu.memref_slice %arg4[%add3A_16] : memref<643072xf32, #tpu.memory_space<hbm>> -> memref<128xf32, #tpu.memory_space<hbm>>
      %dma_wait3A_26 = tpu.memref_slice %arg4[%add3A_16] : memref<643072xf32, #tpu.memory_space<hbm>> -> memref<128xf32, #tpu.memory_space<hbm>>
      tpu.wait_dma2 semaphore(%arg25 : memref<!tpu.dma_semaphore, #tpu.memory_space<semaphore_mem>>) src(%dma_wait3A_26 : memref<128xf32, #tpu.memory_space<hbm>>) dst(%arg15 : memref<128xf32, #tpu.memory_space<vmem>>)
      %dma_start3A_27 = arith.constant 0 : i32
      %dma_start3A_28 = arith.constant 0 : i32
      %dma_start3A_29 = tpu.memref_slice %arg5[%dma_start3A_27, %dma_start3A_28] : memref<10240x16xf32, #tpu.memory_space<hbm>> -> memref<10240x16xf32, #tpu.memory_space<hbm>>
      tpu.enqueue_indirect_dma source(%dma_start3A_29 : memref<10240x16xf32, #tpu.memory_space<hbm>>) target(%arg16 : memref<128x16xf32, #tpu.memory_space<vmem>>) offsets(%arg13 : memref<128xi32, #tpu.memory_space<vmem>>) semaphore(%arg23 : memref<!tpu.dma_semaphore, #tpu.memory_space<semaphore_mem>>)
      %dma_start3A_30 = arith.constant 0 : i32
      %dma_start3A_31 = arith.constant 0 : i32
      %dma_start3A_32 = tpu.memref_slice %arg6[%dma_start3A_30, %dma_start3A_31] : memref<10240x16xf32, #tpu.memory_space<hbm>> -> memref<10240x16xf32, #tpu.memory_space<hbm>>
      tpu.enqueue_indirect_dma source(%dma_start3A_32 : memref<10240x16xf32, #tpu.memory_space<hbm>>) target(%arg17 : memref<128x16xf32, #tpu.memory_space<vmem>>) offsets(%arg14 : memref<128xi32, #tpu.memory_space<vmem>>) semaphore(%arg24 : memref<!tpu.dma_semaphore, #tpu.memory_space<semaphore_mem>>)
      %dma_start3A_33 = arith.constant 0 : i32
      %dma_start3A_34 = arith.constant 0 : i32
      %dma_start3A_35 = tpu.memref_slice %arg7[%dma_start3A_33, %dma_start3A_34] : memref<10240x128xf32, #tpu.memory_space<hbm>> -> memref<10240x128xf32, #tpu.memory_space<hbm>>
      tpu.enqueue_indirect_dma source(%dma_start3A_35 : memref<10240x128xf32, #tpu.memory_space<hbm>>) target(%arg18 : memref<128x128xf32, #tpu.memory_space<vmem>>) offsets(%arg13 : memref<128xi32, #tpu.memory_space<vmem>>) semaphore(%arg25 : memref<!tpu.dma_semaphore, #tpu.memory_space<semaphore_mem>>)
      %dma_wait3A_36 = arith.constant 0 : i32
      %dma_wait3A_37 = arith.constant 0 : i32
      %dma_wait3A_38 = tpu.memref_slice %arg5[%dma_wait3A_36, %dma_wait3A_37] : memref<10240x16xf32, #tpu.memory_space<hbm>> -> memref<10240x16xf32, #tpu.memory_space<hbm>>
      tpu.wait_indirect_dma semaphore(%arg23 : memref<!tpu.dma_semaphore, #tpu.memory_space<semaphore_mem>>) src(%dma_wait3A_38 : memref<10240x16xf32, #tpu.memory_space<hbm>>) dst(%arg16 : memref<128x16xf32, #tpu.memory_space<vmem>>)
      %dma_wait3A_39 = arith.constant 0 : i32
      %dma_wait3A_40 = arith.constant 0 : i32
      %dma_wait3A_41 = tpu.memref_slice %arg6[%dma_wait3A_39, %dma_wait3A_40] : memref<10240x16xf32, #tpu.memory_space<hbm>> -> memref<10240x16xf32, #tpu.memory_space<hbm>>
      tpu.wait_indirect_dma semaphore(%arg24 : memref<!tpu.dma_semaphore, #tpu.memory_space<semaphore_mem>>) src(%dma_wait3A_41 : memref<10240x16xf32, #tpu.memory_space<hbm>>) dst(%arg17 : memref<128x16xf32, #tpu.memory_space<vmem>>)
      %dma_wait3A_42 = arith.constant 0 : i32
      %dma_wait3A_43 = arith.constant 0 : i32
      %dma_wait3A_44 = tpu.memref_slice %arg7[%dma_wait3A_42, %dma_wait3A_43] : memref<10240x128xf32, #tpu.memory_space<hbm>> -> memref<10240x128xf32, #tpu.memory_space<hbm>>
      tpu.wait_indirect_dma semaphore(%arg25 : memref<!tpu.dma_semaphore, #tpu.memory_space<semaphore_mem>>) src(%dma_wait3A_44 : memref<10240x128xf32, #tpu.memory_space<hbm>>) dst(%arg18 : memref<128x128xf32, #tpu.memory_space<vmem>>)
      %scan3A_45 = arith.constant 0 : i32
      %scan3A_46 = arith.constant 0 : i32
      %scan3A_47 = arith.constant 8 : i32
      %scan3A_48 = arith.addi %scan3A_46, %scan3A_47 : i32
      %scan3A_49 = arith.constant 1 : i32
      %scan3A_50 = scf.for %scan3A_59 = %scan3A_46 to %scan3A_48 step %scan3A_49 iter_args(%scan3A_60 = %scan3A_45) -> (i32)  : i32 {
        %mul3A_61 = arith.constant 16 : i32
        %mul3A_62 = arith.muli %scan3A_59, %mul3A_61 : i32
        %get3A_63 = arith.index_cast %mul3A_62 : i32 to index
        %get3A_64 = tpu.vector_load %arg15[%get3A_63] {strides = array<i32>} : memref<128xf32, #tpu.memory_space<vmem>>, vector<16xf32>,
        %get3A_65 = vector.shape_cast %get3A_64 : vector<16xf32> to vector<16xf32>
        %mul3A_66 = arith.constant 16 : i32
        %mul3A_67 = arith.muli %scan3A_59, %mul3A_66 : i32
        %add3A_68 = arith.constant 0 : i32
        %add3A_69 = arith.addi %mul3A_67, %add3A_68 : i32
        %get3A_70 = arith.index_cast %add3A_69 : i32 to index
        %get3A_71 = arith.constant 0 : index
        %get3A_72 = tpu.vector_load %arg16[%get3A_70, %get3A_71] {strides = array<i32>} : memref<128x16xf32, #tpu.memory_space<vmem>>, vector<1x16xf32>,
        %get3A_73 = vector.shape_cast %get3A_72 : vector<1x16xf32> to vector<16xf32>
        %get3A_74 = arith.index_cast %add3A_69 : i32 to index
        %get3A_75 = arith.constant 0 : index
        %get3A_76 = tpu.vector_load %arg17[%get3A_74, %get3A_75] {strides = array<i32>} : memref<128x16xf32, #tpu.memory_space<vmem>>, vector<1x16xf32>,
        %get3A_77 = vector.shape_cast %get3A_76 : vector<1x16xf32> to vector<16xf32>
        %add3A_78 = arith.addf %get3A_73, %get3A_77 : vector<16xf32>
        %slice3A = vector.extract_strided_slice %get3A_65 {offsets = [0], sizes = [1], strides = [1]} : vector<16xf32> to vector<1xf32>
        %squeeze3A = vector.extract %slice3A[0] : f32 from vector<1xf32>
        %mul3A_79 = vector.broadcast %squeeze3A : f32 to vector<16xf32>
        %mul3A_80 = arith.mulf %mul3A_79, %get3A_4 : vector<16xf32>
        %add3A_81 = arith.addf %add3A_78, %mul3A_80 : vector<16xf32>
        %mul3A_82 = arith.constant 2.000000e-01 : f32
        %mul3A_83 = vector.broadcast %mul3A_82 : f32 to vector<16xf32>
        %mul3A_84 = arith.mulf %mul3A_83, %add3A_81 : vector<16xf32>
        %max3A = arith.maximumf %add3A_81, %mul3A_84 : vector<16xf32>
        %exp3A = math.exp %max3A : vector<16xf32>
        %swap3A = arith.index_cast %add3A_69 : i32 to index
        %swap3A_85 = arith.constant 0 : index
        %swap3A_86 = tpu.vector_load %arg19[%swap3A, %swap3A_85] {strides = array<i32>} : memref<128x16xf32, #tpu.memory_space<vmem>>, vector<1x16xf32>,
        %swap3A_87 = vector.shape_cast %swap3A_86 : vector<1x16xf32> to vector<16xf32>
        %swap3A_88 = vector.shape_cast %exp3A : vector<16xf32> to vector<1x16xf32>
        tpu.vector_store %arg19[%swap3A, %swap3A_85], %swap3A_88 {strides = array<i32>} : memref<128x16xf32, #tpu.memory_space<vmem>>, vector<1x16xf32>,
        %mul3A_89 = arith.constant 16 : i32
        %mul3A_90 = arith.muli %scan3A_59, %mul3A_89 : i32
        %add3A_91 = arith.constant 1 : i32
        %add3A_92 = arith.addi %mul3A_90, %add3A_91 : i32
        %get3A_93 = arith.index_cast %add3A_92 : i32 to index
        %get3A_94 = arith.constant 0 : index
        %get3A_95 = tpu.vector_load %arg16[%get3A_93, %get3A_94] {strides = array<i32>} : memref<128x16xf32, #tpu.memory_space<vmem>>, vector<1x16xf32>,
        %get3A_96 = vector.shape_cast %get3A_95 : vector<1x16xf32> to vector<16xf32>
        %get3A_97 = arith.index_cast %add3A_92 : i32 to index
        %get3A_98 = arith.constant 0 : index
        %get3A_99 = tpu.vector_load %arg17[%get3A_97, %get3A_98] {strides = array<i32>} : memref<128x16xf32, #tpu.memory_space<vmem>>, vector<1x16xf32>,
        %get3A_100 = vector.shape_cast %get3A_99 : vector<1x16xf32> to vector<16xf32>
        %add3A_101 = arith.addf %get3A_96, %get3A_100 : vector<16xf32>
        %slice3A_102 = vector.extract_strided_slice %get3A_65 {offsets = [1], sizes = [1], strides = [1]} : vector<16xf32> to vector<1xf32>
        %squeeze3A_103 = vector.extract %slice3A_102[0] : f32 from vector<1xf32>
        %mul3A_104 = vector.broadcast %squeeze3A_103 : f32 to vector<16xf32>
        %mul3A_105 = arith.mulf %mul3A_104, %get3A_4 : vector<16xf32>
        %add3A_106 = arith.addf %add3A_101, %mul3A_105 : vector<16xf32>
        %mul3A_107 = arith.constant 2.000000e-01 : f32
        %mul3A_108 = vector.broadcast %mul3A_107 : f32 to vector<16xf32>
        %mul3A_109 = arith.mulf %mul3A_108, %add3A_106 : vector<16xf32>
        %max3A_110 = arith.maximumf %add3A_106, %mul3A_109 : vector<16xf32>
        %exp3A_111 = math.exp %max3A_110 : vector<16xf32>
        %swap3A_112 = arith.index_cast %add3A_92 : i32 to index
        %swap3A_113 = arith.constant 0 : index
        %swap3A_114 = tpu.vector_load %arg19[%swap3A_112, %swap3A_113] {strides = array<i32>} : memref<128x16xf32, #tpu.memory_space<vmem>>, vector<1x16xf32>,
        %swap3A_115 = vector.shape_cast %swap3A_114 : vector<1x16xf32> to vector<16xf32>
        %swap3A_116 = vector.shape_cast %exp3A_111 : vector<16xf32> to vector<1x16xf32>
        tpu.vector_store %arg19[%swap3A_112, %swap3A_113], %swap3A_116 {strides = array<i32>} : memref<128x16xf32, #tpu.memory_space<vmem>>, vector<1x16xf32>,
        %mul3A_117 = arith.constant 16 : i32
        %mul3A_118 = arith.muli %scan3A_59, %mul3A_117 : i32
        %add3A_119 = arith.constant 2 : i32
        %add3A_120 = arith.addi %mul3A_118, %add3A_119 : i32
        %get3A_121 = arith.index_cast %add3A_120 : i32 to index
        %get3A_122 = arith.constant 0 : index
        %get3A_123 = tpu.vector_load %arg16[%get3A_121, %get3A_122] {strides = array<i32>} : memref<128x16xf32, #tpu.memory_space<vmem>>, vector<1x16xf32>,
        %get3A_124 = vector.shape_cast %get3A_123 : vector<1x16xf32> to vector<16xf32>
        %get3A_125 = arith.index_cast %add3A_120 : i32 to index
        %get3A_126 = arith.constant 0 : index
        %get3A_127 = tpu.vector_load %arg17[%get3A_125, %get3A_126] {strides = array<i32>} : memref<128x16xf32, #tpu.memory_space<vmem>>, vector<1x16xf32>,
        %get3A_128 = vector.shape_cast %get3A_127 : vector<1x16xf32> to vector<16xf32>
        %add3A_129 = arith.addf %get3A_124, %get3A_128 : vector<16xf32>
        %slice3A_130 = vector.extract_strided_slice %get3A_65 {offsets = [2], sizes = [1], strides = [1]} : vector<16xf32> to vector<1xf32>
        %squeeze3A_131 = vector.extract %slice3A_130[0] : f32 from vector<1xf32>
        %mul3A_132 = vector.broadcast %squeeze3A_131 : f32 to vector<16xf32>
        %mul3A_133 = arith.mulf %mul3A_132, %get3A_4 : vector<16xf32>
        %add3A_134 = arith.addf %add3A_129, %mul3A_133 : vector<16xf32>
        %mul3A_135 = arith.constant 2.000000e-01 : f32
        %mul3A_136 = vector.broadcast %mul3A_135 : f32 to vector<16xf32>
        %mul3A_137 = arith.mulf %mul3A_136, %add3A_134 : vector<16xf32>
        %max3A_138 = arith.maximumf %add3A_134, %mul3A_137 : vector<16xf32>
        %exp3A_139 = math.exp %max3A_138 : vector<16xf32>
        %swap3A_140 = arith.index_cast %add3A_120 : i32 to index
        %swap3A_141 = arith.constant 0 : index
        %swap3A_142 = tpu.vector_load %arg19[%swap3A_140, %swap3A_141] {strides = array<i32>} : memref<128x16xf32, #tpu.memory_space<vmem>>, vector<1x16xf32>,
        %swap3A_143 = vector.shape_cast %swap3A_142 : vector<1x16xf32> to vector<16xf32>
        %swap3A_144 = vector.shape_cast %exp3A_139 : vector<16xf32> to vector<1x16xf32>
        tpu.vector_store %arg19[%swap3A_140, %swap3A_141], %swap3A_144 {strides = array<i32>} : memref<128x16xf32, #tpu.memory_space<vmem>>, vector<1x16xf32>,
        %mul3A_145 = arith.constant 16 : i32
        %mul3A_146 = arith.muli %scan3A_59, %mul3A_145 : i32
        %add3A_147 = arith.constant 3 : i32
        %add3A_148 = arith.addi %mul3A_146, %add3A_147 : i32
        %get3A_149 = arith.index_cast %add3A_148 : i32 to index
        %get3A_150 = arith.constant 0 : index
        %get3A_151 = tpu.vector_load %arg16[%get3A_149, %get3A_150] {strides = array<i32>} : memref<128x16xf32, #tpu.memory_space<vmem>>, vector<1x16xf32>,
        %get3A_152 = vector.shape_cast %get3A_151 : vector<1x16xf32> to vector<16xf32>
        %get3A_153 = arith.index_cast %add3A_148 : i32 to index
        %get3A_154 = arith.constant 0 : index
        %get3A_155 = tpu.vector_load %arg17[%get3A_153, %get3A_154] {strides = array<i32>} : memref<128x16xf32, #tpu.memory_space<vmem>>, vector<1x16xf32>,
        %get3A_156 = vector.shape_cast %get3A_155 : vector<1x16xf32> to vector<16xf32>
        %add3A_157 = arith.addf %get3A_152, %get3A_156 : vector<16xf32>
        %slice3A_158 = vector.extract_strided_slice %get3A_65 {offsets = [3], sizes = [1], strides = [1]} : vector<16xf32> to vector<1xf32>
        %squeeze3A_159 = vector.extract %slice3A_158[0] : f32 from vector<1xf32>
        %mul3A_160 = vector.broadcast %squeeze3A_159 : f32 to vector<16xf32>
        %mul3A_161 = arith.mulf %mul3A_160, %get3A_4 : vector<16xf32>
        %add3A_162 = arith.addf %add3A_157, %mul3A_161 : vector<16xf32>
        %mul3A_163 = arith.constant 2.000000e-01 : f32
        %mul3A_164 = vector.broadcast %mul3A_163 : f32 to vector<16xf32>
        %mul3A_165 = arith.mulf %mul3A_164, %add3A_162 : vector<16xf32>
        %max3A_166 = arith.maximumf %add3A_162, %mul3A_165 : vector<16xf32>
        %exp3A_167 = math.exp %max3A_166 : vector<16xf32>
        %swap3A_168 = arith.index_cast %add3A_148 : i32 to index
        %swap3A_169 = arith.constant 0 : index
        %swap3A_170 = tpu.vector_load %arg19[%swap3A_168, %swap3A_169] {strides = array<i32>} : memref<128x16xf32, #tpu.memory_space<vmem>>, vector<1x16xf32>,
        %swap3A_171 = vector.shape_cast %swap3A_170 : vector<1x16xf32> to vector<16xf32>
        %swap3A_172 = vector.shape_cast %exp3A_167 : vector<16xf32> to vector<1x16xf32>
        tpu.vector_store %arg19[%swap3A_168, %swap3A_169], %swap3A_172 {strides = array<i32>} : memref<128x16xf32, #tpu.memory_space<vmem>>, vector<1x16xf32>,
        %mul3A_173 = arith.constant 16 : i32
        %mul3A_174 = arith.muli %scan3A_59, %mul3A_173 : i32
        %add3A_175 = arith.constant 4 : i32
        %add3A_176 = arith.addi %mul3A_174, %add3A_175 : i32
        %get3A_177 = arith.index_cast %add3A_176 : i32 to index
        %get3A_178 = arith.constant 0 : index
        %get3A_179 = tpu.vector_load %arg16[%get3A_177, %get3A_178] {strides = array<i32>} : memref<128x16xf32, #tpu.memory_space<vmem>>, vector<1x16xf32>,
        %get3A_180 = vector.shape_cast %get3A_179 : vector<1x16xf32> to vector<16xf32>
        %get3A_181 = arith.index_cast %add3A_176 : i32 to index
        %get3A_182 = arith.constant 0 : index
        %get3A_183 = tpu.vector_load %arg17[%get3A_181, %get3A_182] {strides = array<i32>} : memref<128x16xf32, #tpu.memory_space<vmem>>, vector<1x16xf32>,
        %get3A_184 = vector.shape_cast %get3A_183 : vector<1x16xf32> to vector<16xf32>
        %add3A_185 = arith.addf %get3A_180, %get3A_184 : vector<16xf32>
        %slice3A_186 = vector.extract_strided_slice %get3A_65 {offsets = [4], sizes = [1], strides = [1]} : vector<16xf32> to vector<1xf32>
        %squeeze3A_187 = vector.extract %slice3A_186[0] : f32 from vector<1xf32>
        %mul3A_188 = vector.broadcast %squeeze3A_187 : f32 to vector<16xf32>
        %mul3A_189 = arith.mulf %mul3A_188, %get3A_4 : vector<16xf32>
        %add3A_190 = arith.addf %add3A_185, %mul3A_189 : vector<16xf32>
        %mul3A_191 = arith.constant 2.000000e-01 : f32
        %mul3A_192 = vector.broadcast %mul3A_191 : f32 to vector<16xf32>
        %mul3A_193 = arith.mulf %mul3A_192, %add3A_190 : vector<16xf32>
        %max3A_194 = arith.maximumf %add3A_190, %mul3A_193 : vector<16xf32>
        %exp3A_195 = math.exp %max3A_194 : vector<16xf32>
        %swap3A_196 = arith.index_cast %add3A_176 : i32 to index
        %swap3A_197 = arith.constant 0 : index
        %swap3A_198 = tpu.vector_load %arg19[%swap3A_196, %swap3A_197] {strides = array<i32>} : memref<128x16xf32, #tpu.memory_space<vmem>>, vector<1x16xf32>,
        %swap3A_199 = vector.shape_cast %swap3A_198 : vector<1x16xf32> to vector<16xf32>
        %swap3A_200 = vector.shape_cast %exp3A_195 : vector<16xf32> to vector<1x16xf32>
        tpu.vector_store %arg19[%swap3A_196, %swap3A_197], %swap3A_200 {strides = array<i32>} : memref<128x16xf32, #tpu.memory_space<vmem>>, vector<1x16xf32>,
        %mul3A_201 = arith.constant 16 : i32
        %mul3A_202 = arith.muli %scan3A_59, %mul3A_201 : i32
        %add3A_203 = arith.constant 5 : i32
        %add3A_204 = arith.addi %mul3A_202, %add3A_203 : i32
        %get3A_205 = arith.index_cast %add3A_204 : i32 to index
        %get3A_206 = arith.constant 0 : index
        %get3A_207 = tpu.vector_load %arg16[%get3A_205, %get3A_206] {strides = array<i32>} : memref<128x16xf32, #tpu.memory_space<vmem>>, vector<1x16xf32>,
        %get3A_208 = vector.shape_cast %get3A_207 : vector<1x16xf32> to vector<16xf32>
        %get3A_209 = arith.index_cast %add3A_204 : i32 to index
        %get3A_210 = arith.constant 0 : index
        %get3A_211 = tpu.vector_load %arg17[%get3A_209, %get3A_210] {strides = array<i32>} : memref<128x16xf32, #tpu.memory_space<vmem>>, vector<1x16xf32>,
        %get3A_212 = vector.shape_cast %get3A_211 : vector<1x16xf32> to vector<16xf32>
        %add3A_213 = arith.addf %get3A_208, %get3A_212 : vector<16xf32>
        %slice3A_214 = vector.extract_strided_slice %get3A_65 {offsets = [5], sizes = [1], strides = [1]} : vector<16xf32> to vector<1xf32>
        %squeeze3A_215 = vector.extract %slice3A_214[0] : f32 from vector<1xf32>
        %mul3A_216 = vector.broadcast %squeeze3A_215 : f32 to vector<16xf32>
        %mul3A_217 = arith.mulf %mul3A_216, %get3A_4 : vector<16xf32>
        %add3A_218 = arith.addf %add3A_213, %mul3A_217 : vector<16xf32>
        %mul3A_219 = arith.constant 2.000000e-01 : f32
        %mul3A_220 = vector.broadcast %mul3A_219 : f32 to vector<16xf32>
        %mul3A_221 = arith.mulf %mul3A_220, %add3A_218 : vector<16xf32>
        %max3A_222 = arith.maximumf %add3A_218, %mul3A_221 : vector<16xf32>
        %exp3A_223 = math.exp %max3A_222 : vector<16xf32>
        %swap3A_224 = arith.index_cast %add3A_204 : i32 to index
        %swap3A_225 = arith.constant 0 : index
        %swap3A_226 = tpu.vector_load %arg19[%swap3A_224, %swap3A_225] {strides = array<i32>} : memref<128x16xf32, #tpu.memory_space<vmem>>, vector<1x16xf32>,
        %swap3A_227 = vector.shape_cast %swap3A_226 : vector<1x16xf32> to vector<16xf32>
        %swap3A_228 = vector.shape_cast %exp3A_223 : vector<16xf32> to vector<1x16xf32>
        tpu.vector_store %arg19[%swap3A_224, %swap3A_225], %swap3A_228 {strides = array<i32>} : memref<128x16xf32, #tpu.memory_space<vmem>>, vector<1x16xf32>,
        %mul3A_229 = arith.constant 16 : i32
        %mul3A_230 = arith.muli %scan3A_59, %mul3A_229 : i32
        %add3A_231 = arith.constant 6 : i32
        %add3A_232 = arith.addi %mul3A_230, %add3A_231 : i32
        %get3A_233 = arith.index_cast %add3A_232 : i32 to index
        %get3A_234 = arith.constant 0 : index
        %get3A_235 = tpu.vector_load %arg16[%get3A_233, %get3A_234] {strides = array<i32>} : memref<128x16xf32, #tpu.memory_space<vmem>>, vector<1x16xf32>,
        %get3A_236 = vector.shape_cast %get3A_235 : vector<1x16xf32> to vector<16xf32>
        %get3A_237 = arith.index_cast %add3A_232 : i32 to index
        %get3A_238 = arith.constant 0 : index
        %get3A_239 = tpu.vector_load %arg17[%get3A_237, %get3A_238] {strides = array<i32>} : memref<128x16xf32, #tpu.memory_space<vmem>>, vector<1x16xf32>,
        %get3A_240 = vector.shape_cast %get3A_239 : vector<1x16xf32> to vector<16xf32>
        %add3A_241 = arith.addf %get3A_236, %get3A_240 : vector<16xf32>
        %slice3A_242 = vector.extract_strided_slice %get3A_65 {offsets = [6], sizes = [1], strides = [1]} : vector<16xf32> to vector<1xf32>
        %squeeze3A_243 = vector.extract %slice3A_242[0] : f32 from vector<1xf32>
        %mul3A_244 = vector.broadcast %squeeze3A_243 : f32 to vector<16xf32>
        %mul3A_245 = arith.mulf %mul3A_244, %get3A_4 : vector<16xf32>
        %add3A_246 = arith.addf %add3A_241, %mul3A_245 : vector<16xf32>
        %mul3A_247 = arith.constant 2.000000e-01 : f32
        %mul3A_248 = vector.broadcast %mul3A_247 : f32 to vector<16xf32>
        %mul3A_249 = arith.mulf %mul3A_248, %add3A_246 : vector<16xf32>
        %max3A_250 = arith.maximumf %add3A_246, %mul3A_249 : vector<16xf32>
        %exp3A_251 = math.exp %max3A_250 : vector<16xf32>
        %swap3A_252 = arith.index_cast %add3A_232 : i32 to index
        %swap3A_253 = arith.constant 0 : index
        %swap3A_254 = tpu.vector_load %arg19[%swap3A_252, %swap3A_253] {strides = array<i32>} : memref<128x16xf32, #tpu.memory_space<vmem>>, vector<1x16xf32>,
        %swap3A_255 = vector.shape_cast %swap3A_254 : vector<1x16xf32> to vector<16xf32>
        %swap3A_256 = vector.shape_cast %exp3A_251 : vector<16xf32> to vector<1x16xf32>
        tpu.vector_store %arg19[%swap3A_252, %swap3A_253], %swap3A_256 {strides = array<i32>} : memref<128x16xf32, #tpu.memory_space<vmem>>, vector<1x16xf32>,
        %mul3A_257 = arith.constant 16 : i32
        %mul3A_258 = arith.muli %scan3A_59, %mul3A_257 : i32
        %add3A_259 = arith.constant 7 : i32
        %add3A_260 = arith.addi %mul3A_258, %add3A_259 : i32
        %get3A_261 = arith.index_cast %add3A_260 : i32 to index
        %get3A_262 = arith.constant 0 : index
        %get3A_263 = tpu.vector_load %arg16[%get3A_261, %get3A_262] {strides = array<i32>} : memref<128x16xf32, #tpu.memory_space<vmem>>, vector<1x16xf32>,
        %get3A_264 = vector.shape_cast %get3A_263 : vector<1x16xf32> to vector<16xf32>
        %get3A_265 = arith.index_cast %add3A_260 : i32 to index
        %get3A_266 = arith.constant 0 : index
        %get3A_267 = tpu.vector_load %arg17[%get3A_265, %get3A_266] {strides = array<i32>} : memref<128x16xf32, #tpu.memory_space<vmem>>, vector<1x16xf32>,
        %get3A_268 = vector.shape_cast %get3A_267 : vector<1x16xf32> to vector<16xf32>
        %add3A_269 = arith.addf %get3A_264, %get3A_268 : vector<16xf32>
        %slice3A_270 = vector.extract_strided_slice %get3A_65 {offsets = [7], sizes = [1], strides = [1]} : vector<16xf32> to vector<1xf32>
        %squeeze3A_271 = vector.extract %slice3A_270[0] : f32 from vector<1xf32>
        %mul3A_272 = vector.broadcast %squeeze3A_271 : f32 to vector<16xf32>
        %mul3A_273 = arith.mulf %mul3A_272, %get3A_4 : vector<16xf32>
        %add3A_274 = arith.addf %add3A_269, %mul3A_273 : vector<16xf32>
        %mul3A_275 = arith.constant 2.000000e-01 : f32
        %mul3A_276 = vector.broadcast %mul3A_275 : f32 to vector<16xf32>
        %mul3A_277 = arith.mulf %mul3A_276, %add3A_274 : vector<16xf32>
        %max3A_278 = arith.maximumf %add3A_274, %mul3A_277 : vector<16xf32>
        %exp3A_279 = math.exp %max3A_278 : vector<16xf32>
        %swap3A_280 = arith.index_cast %add3A_260 : i32 to index
        %swap3A_281 = arith.constant 0 : index
        %swap3A_282 = tpu.vector_load %arg19[%swap3A_280, %swap3A_281] {strides = array<i32>} : memref<128x16xf32, #tpu.memory_space<vmem>>, vector<1x16xf32>,
        %swap3A_283 = vector.shape_cast %swap3A_282 : vector<1x16xf32> to vector<16xf32>
        %swap3A_284 = vector.shape_cast %exp3A_279 : vector<16xf32> to vector<1x16xf32>
        tpu.vector_store %arg19[%swap3A_280, %swap3A_281], %swap3A_284 {strides = array<i32>} : memref<128x16xf32, #tpu.memory_space<vmem>>, vector<1x16xf32>,
        %mul3A_285 = arith.constant 16 : i32
        %mul3A_286 = arith.muli %scan3A_59, %mul3A_285 : i32
        %add3A_287 = arith.constant 8 : i32
        %add3A_288 = arith.addi %mul3A_286, %add3A_287 : i32
        %get3A_289 = arith.index_cast %add3A_288 : i32 to index
        %get3A_290 = arith.constant 0 : index
        %get3A_291 = tpu.vector_load %arg16[%get3A_289, %get3A_290] {strides = array<i32>} : memref<128x16xf32, #tpu.memory_space<vmem>>, vector<1x16xf32>,
        %get3A_292 = vector.shape_cast %get3A_291 : vector<1x16xf32> to vector<16xf32>
        %get3A_293 = arith.index_cast %add3A_288 : i32 to index
        %get3A_294 = arith.constant 0 : index
        %get3A_295 = tpu.vector_load %arg17[%get3A_293, %get3A_294] {strides = array<i32>} : memref<128x16xf32, #tpu.memory_space<vmem>>, vector<1x16xf32>,
        %get3A_296 = vector.shape_cast %get3A_295 : vector<1x16xf32> to vector<16xf32>
        %add3A_297 = arith.addf %get3A_292, %get3A_296 : vector<16xf32>
        %slice3A_298 = vector.extract_strided_slice %get3A_65 {offsets = [8], sizes = [1], strides = [1]} : vector<16xf32> to vector<1xf32>
        %squeeze3A_299 = vector.extract %slice3A_298[0] : f32 from vector<1xf32>
        %mul3A_300 = vector.broadcast %squeeze3A_299 : f32 to vector<16xf32>
        %mul3A_301 = arith.mulf %mul3A_300, %get3A_4 : vector<16xf32>
        %add3A_302 = arith.addf %add3A_297, %mul3A_301 : vector<16xf32>
        %mul3A_303 = arith.constant 2.000000e-01 : f32
        %mul3A_304 = vector.broadcast %mul3A_303 : f32 to vector<16xf32>
        %mul3A_305 = arith.mulf %mul3A_304, %add3A_302 : vector<16xf32>
        %max3A_306 = arith.maximumf %add3A_302, %mul3A_305 : vector<16xf32>
        %exp3A_307 = math.exp %max3A_306 : vector<16xf32>
        %swap3A_308 = arith.index_cast %add3A_288 : i32 to index
        %swap3A_309 = arith.constant 0 : index
        %swap3A_310 = tpu.vector_load %arg19[%swap3A_308, %swap3A_309] {strides = array<i32>} : memref<128x16xf32, #tpu.memory_space<vmem>>, vector<1x16xf32>,
        %swap3A_311 = vector.shape_cast %swap3A_310 : vector<1x16xf32> to vector<16xf32>
        %swap3A_312 = vector.shape_cast %exp3A_307 : vector<16xf32> to vector<1x16xf32>
        tpu.vector_store %arg19[%swap3A_308, %swap3A_309], %swap3A_312 {strides = array<i32>} : memref<128x16xf32, #tpu.memory_space<vmem>>, vector<1x16xf32>,
        %mul3A_313 = arith.constant 16 : i32
        %mul3A_314 = arith.muli %scan3A_59, %mul3A_313 : i32
        %add3A_315 = arith.constant 9 : i32
        %add3A_316 = arith.addi %mul3A_314, %add3A_315 : i32
        %get3A_317 = arith.index_cast %add3A_316 : i32 to index
        %get3A_318 = arith.constant 0 : index
        %get3A_319 = tpu.vector_load %arg16[%get3A_317, %get3A_318] {strides = array<i32>} : memref<128x16xf32, #tpu.memory_space<vmem>>, vector<1x16xf32>,
        %get3A_320 = vector.shape_cast %get3A_319 : vector<1x16xf32> to vector<16xf32>
        %get3A_321 = arith.index_cast %add3A_316 : i32 to index
        %get3A_322 = arith.constant 0 : index
        %get3A_323 = tpu.vector_load %arg17[%get3A_321, %get3A_322] {strides = array<i32>} : memref<128x16xf32, #tpu.memory_space<vmem>>, vector<1x16xf32>,
        %get3A_324 = vector.shape_cast %get3A_323 : vector<1x16xf32> to vector<16xf32>
        %add3A_325 = arith.addf %get3A_320, %get3A_324 : vector<16xf32>
        %slice3A_326 = vector.extract_strided_slice %get3A_65 {offsets = [9], sizes = [1], strides = [1]} : vector<16xf32> to vector<1xf32>
        %squeeze3A_327 = vector.extract %slice3A_326[0] : f32 from vector<1xf32>
        %mul3A_328 = vector.broadcast %squeeze3A_327 : f32 to vector<16xf32>
        %mul3A_329 = arith.mulf %mul3A_328, %get3A_4 : vector<16xf32>
        %add3A_330 = arith.addf %add3A_325, %mul3A_329 : vector<16xf32>
        %mul3A_331 = arith.constant 2.000000e-01 : f32
        %mul3A_332 = vector.broadcast %mul3A_331 : f32 to vector<16xf32>
        %mul3A_333 = arith.mulf %mul3A_332, %add3A_330 : vector<16xf32>
        %max3A_334 = arith.maximumf %add3A_330, %mul3A_333 : vector<16xf32>
        %exp3A_335 = math.exp %max3A_334 : vector<16xf32>
        %swap3A_336 = arith.index_cast %add3A_316 : i32 to index
        %swap3A_337 = arith.constant 0 : index
        %swap3A_338 = tpu.vector_load %arg19[%swap3A_336, %swap3A_337] {strides = array<i32>} : memref<128x16xf32, #tpu.memory_space<vmem>>, vector<1x16xf32>,
        %swap3A_339 = vector.shape_cast %swap3A_338 : vector<1x16xf32> to vector<16xf32>
        %swap3A_340 = vector.shape_cast %exp3A_335 : vector<16xf32> to vector<1x16xf32>
        tpu.vector_store %arg19[%swap3A_336, %swap3A_337], %swap3A_340 {strides = array<i32>} : memref<128x16xf32, #tpu.memory_space<vmem>>, vector<1x16xf32>,
        %mul3A_341 = arith.constant 16 : i32
        %mul3A_342 = arith.muli %scan3A_59, %mul3A_341 : i32
        %add3A_343 = arith.constant 10 : i32
        %add3A_344 = arith.addi %mul3A_342, %add3A_343 : i32
        %get3A_345 = arith.index_cast %add3A_344 : i32 to index
        %get3A_346 = arith.constant 0 : index
        %get3A_347 = tpu.vector_load %arg16[%get3A_345, %get3A_346] {strides = array<i32>} : memref<128x16xf32, #tpu.memory_space<vmem>>, vector<1x16xf32>,
        %get3A_348 = vector.shape_cast %get3A_347 : vector<1x16xf32> to vector<16xf32>
        %get3A_349 = arith.index_cast %add3A_344 : i32 to index
        %get3A_350 = arith.constant 0 : index
        %get3A_351 = tpu.vector_load %arg17[%get3A_349, %get3A_350] {strides = array<i32>} : memref<128x16xf32, #tpu.memory_space<vmem>>, vector<1x16xf32>,
        %get3A_352 = vector.shape_cast %get3A_351 : vector<1x16xf32> to vector<16xf32>
        %add3A_353 = arith.addf %get3A_348, %get3A_352 : vector<16xf32>
        %slice3A_354 = vector.extract_strided_slice %get3A_65 {offsets = [10], sizes = [1], strides = [1]} : vector<16xf32> to vector<1xf32>
        %squeeze3A_355 = vector.extract %slice3A_354[0] : f32 from vector<1xf32>
        %mul3A_356 = vector.broadcast %squeeze3A_355 : f32 to vector<16xf32>
        %mul3A_357 = arith.mulf %mul3A_356, %get3A_4 : vector<16xf32>
        %add3A_358 = arith.addf %add3A_353, %mul3A_357 : vector<16xf32>
        %mul3A_359 = arith.constant 2.000000e-01 : f32
        %mul3A_360 = vector.broadcast %mul3A_359 : f32 to vector<16xf32>
        %mul3A_361 = arith.mulf %mul3A_360, %add3A_358 : vector<16xf32>
        %max3A_362 = arith.maximumf %add3A_358, %mul3A_361 : vector<16xf32>
        %exp3A_363 = math.exp %max3A_362 : vector<16xf32>
        %swap3A_364 = arith.index_cast %add3A_344 : i32 to index
        %swap3A_365 = arith.constant 0 : index
        %swap3A_366 = tpu.vector_load %arg19[%swap3A_364, %swap3A_365] {strides = array<i32>} : memref<128x16xf32, #tpu.memory_space<vmem>>, vector<1x16xf32>,
        %swap3A_367 = vector.shape_cast %swap3A_366 : vector<1x16xf32> to vector<16xf32>
        %swap3A_368 = vector.shape_cast %exp3A_363 : vector<16xf32> to vector<1x16xf32>
        tpu.vector_store %arg19[%swap3A_364, %swap3A_365], %swap3A_368 {strides = array<i32>} : memref<128x16xf32, #tpu.memory_space<vmem>>, vector<1x16xf32>,
        %mul3A_369 = arith.constant 16 : i32
        %mul3A_370 = arith.muli %scan3A_59, %mul3A_369 : i32
        %add3A_371 = arith.constant 11 : i32
        %add3A_372 = arith.addi %mul3A_370, %add3A_371 : i32
        %get3A_373 = arith.index_cast %add3A_372 : i32 to index
        %get3A_374 = arith.constant 0 : index
        %get3A_375 = tpu.vector_load %arg16[%get3A_373, %get3A_374] {strides = array<i32>} : memref<128x16xf32, #tpu.memory_space<vmem>>, vector<1x16xf32>,
        %get3A_376 = vector.shape_cast %get3A_375 : vector<1x16xf32> to vector<16xf32>
        %get3A_377 = arith.index_cast %add3A_372 : i32 to index
        %get3A_378 = arith.constant 0 : index
        %get3A_379 = tpu.vector_load %arg17[%get3A_377, %get3A_378] {strides = array<i32>} : memref<128x16xf32, #tpu.memory_space<vmem>>, vector<1x16xf32>,
        %get3A_380 = vector.shape_cast %get3A_379 : vector<1x16xf32> to vector<16xf32>
        %add3A_381 = arith.addf %get3A_376, %get3A_380 : vector<16xf32>
        %slice3A_382 = vector.extract_strided_slice %get3A_65 {offsets = [11], sizes = [1], strides = [1]} : vector<16xf32> to vector<1xf32>
        %squeeze3A_383 = vector.extract %slice3A_382[0] : f32 from vector<1xf32>
        %mul3A_384 = vector.broadcast %squeeze3A_383 : f32 to vector<16xf32>
        %mul3A_385 = arith.mulf %mul3A_384, %get3A_4 : vector<16xf32>
        %add3A_386 = arith.addf %add3A_381, %mul3A_385 : vector<16xf32>
        %mul3A_387 = arith.constant 2.000000e-01 : f32
        %mul3A_388 = vector.broadcast %mul3A_387 : f32 to vector<16xf32>
        %mul3A_389 = arith.mulf %mul3A_388, %add3A_386 : vector<16xf32>
        %max3A_390 = arith.maximumf %add3A_386, %mul3A_389 : vector<16xf32>
        %exp3A_391 = math.exp %max3A_390 : vector<16xf32>
        %swap3A_392 = arith.index_cast %add3A_372 : i32 to index
        %swap3A_393 = arith.constant 0 : index
        %swap3A_394 = tpu.vector_load %arg19[%swap3A_392, %swap3A_393] {strides = array<i32>} : memref<128x16xf32, #tpu.memory_space<vmem>>, vector<1x16xf32>,
        %swap3A_395 = vector.shape_cast %swap3A_394 : vector<1x16xf32> to vector<16xf32>
        %swap3A_396 = vector.shape_cast %exp3A_391 : vector<16xf32> to vector<1x16xf32>
        tpu.vector_store %arg19[%swap3A_392, %swap3A_393], %swap3A_396 {strides = array<i32>} : memref<128x16xf32, #tpu.memory_space<vmem>>, vector<1x16xf32>,
        %mul3A_397 = arith.constant 16 : i32
        %mul3A_398 = arith.muli %scan3A_59, %mul3A_397 : i32
        %add3A_399 = arith.constant 12 : i32
        %add3A_400 = arith.addi %mul3A_398, %add3A_399 : i32
        %get3A_401 = arith.index_cast %add3A_400 : i32 to index
        %get3A_402 = arith.constant 0 : index
        %get3A_403 = tpu.vector_load %arg16[%get3A_401, %get3A_402] {strides = array<i32>} : memref<128x16xf32, #tpu.memory_space<vmem>>, vector<1x16xf32>,
        %get3A_404 = vector.shape_cast %get3A_403 : vector<1x16xf32> to vector<16xf32>
        %get3A_405 = arith.index_cast %add3A_400 : i32 to index
        %get3A_406 = arith.constant 0 : index
        %get3A_407 = tpu.vector_load %arg17[%get3A_405, %get3A_406] {strides = array<i32>} : memref<128x16xf32, #tpu.memory_space<vmem>>, vector<1x16xf32>,
        %get3A_408 = vector.shape_cast %get3A_407 : vector<1x16xf32> to vector<16xf32>
        %add3A_409 = arith.addf %get3A_404, %get3A_408 : vector<16xf32>
        %slice3A_410 = vector.extract_strided_slice %get3A_65 {offsets = [12], sizes = [1], strides = [1]} : vector<16xf32> to vector<1xf32>
        %squeeze3A_411 = vector.extract %slice3A_410[0] : f32 from vector<1xf32>
        %mul3A_412 = vector.broadcast %squeeze3A_411 : f32 to vector<16xf32>
        %mul3A_413 = arith.mulf %mul3A_412, %get3A_4 : vector<16xf32>
        %add3A_414 = arith.addf %add3A_409, %mul3A_413 : vector<16xf32>
        %mul3A_415 = arith.constant 2.000000e-01 : f32
        %mul3A_416 = vector.broadcast %mul3A_415 : f32 to vector<16xf32>
        %mul3A_417 = arith.mulf %mul3A_416, %add3A_414 : vector<16xf32>
        %max3A_418 = arith.maximumf %add3A_414, %mul3A_417 : vector<16xf32>
        %exp3A_419 = math.exp %max3A_418 : vector<16xf32>
        %swap3A_420 = arith.index_cast %add3A_400 : i32 to index
        %swap3A_421 = arith.constant 0 : index
        %swap3A_422 = tpu.vector_load %arg19[%swap3A_420, %swap3A_421] {strides = array<i32>} : memref<128x16xf32, #tpu.memory_space<vmem>>, vector<1x16xf32>,
        %swap3A_423 = vector.shape_cast %swap3A_422 : vector<1x16xf32> to vector<16xf32>
        %swap3A_424 = vector.shape_cast %exp3A_419 : vector<16xf32> to vector<1x16xf32>
        tpu.vector_store %arg19[%swap3A_420, %swap3A_421], %swap3A_424 {strides = array<i32>} : memref<128x16xf32, #tpu.memory_space<vmem>>, vector<1x16xf32>,
        %mul3A_425 = arith.constant 16 : i32
        %mul3A_426 = arith.muli %scan3A_59, %mul3A_425 : i32
        %add3A_427 = arith.constant 13 : i32
        %add3A_428 = arith.addi %mul3A_426, %add3A_427 : i32
        %get3A_429 = arith.index_cast %add3A_428 : i32 to index
        %get3A_430 = arith.constant 0 : index
        %get3A_431 = tpu.vector_load %arg16[%get3A_429, %get3A_430] {strides = array<i32>} : memref<128x16xf32, #tpu.memory_space<vmem>>, vector<1x16xf32>,
        %get3A_432 = vector.shape_cast %get3A_431 : vector<1x16xf32> to vector<16xf32>
        %get3A_433 = arith.index_cast %add3A_428 : i32 to index
        %get3A_434 = arith.constant 0 : index
        %get3A_435 = tpu.vector_load %arg17[%get3A_433, %get3A_434] {strides = array<i32>} : memref<128x16xf32, #tpu.memory_space<vmem>>, vector<1x16xf32>,
        %get3A_436 = vector.shape_cast %get3A_435 : vector<1x16xf32> to vector<16xf32>
        %add3A_437 = arith.addf %get3A_432, %get3A_436 : vector<16xf32>
        %slice3A_438 = vector.extract_strided_slice %get3A_65 {offsets = [13], sizes = [1], strides = [1]} : vector<16xf32> to vector<1xf32>
        %squeeze3A_439 = vector.extract %slice3A_438[0] : f32 from vector<1xf32>
        %mul3A_440 = vector.broadcast %squeeze3A_439 : f32 to vector<16xf32>
        %mul3A_441 = arith.mulf %mul3A_440, %get3A_4 : vector<16xf32>
        %add3A_442 = arith.addf %add3A_437, %mul3A_441 : vector<16xf32>
        %mul3A_443 = arith.constant 2.000000e-01 : f32
        %mul3A_444 = vector.broadcast %mul3A_443 : f32 to vector<16xf32>
        %mul3A_445 = arith.mulf %mul3A_444, %add3A_442 : vector<16xf32>
        %max3A_446 = arith.maximumf %add3A_442, %mul3A_445 : vector<16xf32>
        %exp3A_447 = math.exp %max3A_446 : vector<16xf32>
        %swap3A_448 = arith.index_cast %add3A_428 : i32 to index
        %swap3A_449 = arith.constant 0 : index
        %swap3A_450 = tpu.vector_load %arg19[%swap3A_448, %swap3A_449] {strides = array<i32>} : memref<128x16xf32, #tpu.memory_space<vmem>>, vector<1x16xf32>,
        %swap3A_451 = vector.shape_cast %swap3A_450 : vector<1x16xf32> to vector<16xf32>
        %swap3A_452 = vector.shape_cast %exp3A_447 : vector<16xf32> to vector<1x16xf32>
        tpu.vector_store %arg19[%swap3A_448, %swap3A_449], %swap3A_452 {strides = array<i32>} : memref<128x16xf32, #tpu.memory_space<vmem>>, vector<1x16xf32>,
        %mul3A_453 = arith.constant 16 : i32
        %mul3A_454 = arith.muli %scan3A_59, %mul3A_453 : i32
        %add3A_455 = arith.constant 14 : i32
        %add3A_456 = arith.addi %mul3A_454, %add3A_455 : i32
        %get3A_457 = arith.index_cast %add3A_456 : i32 to index
        %get3A_458 = arith.constant 0 : index
        %get3A_459 = tpu.vector_load %arg16[%get3A_457, %get3A_458] {strides = array<i32>} : memref<128x16xf32, #tpu.memory_space<vmem>>, vector<1x16xf32>,
        %get3A_460 = vector.shape_cast %get3A_459 : vector<1x16xf32> to vector<16xf32>
        %get3A_461 = arith.index_cast %add3A_456 : i32 to index
        %get3A_462 = arith.constant 0 : index
        %get3A_463 = tpu.vector_load %arg17[%get3A_461, %get3A_462] {strides = array<i32>} : memref<128x16xf32, #tpu.memory_space<vmem>>, vector<1x16xf32>,
        %get3A_464 = vector.shape_cast %get3A_463 : vector<1x16xf32> to vector<16xf32>
        %add3A_465 = arith.addf %get3A_460, %get3A_464 : vector<16xf32>
        %slice3A_466 = vector.extract_strided_slice %get3A_65 {offsets = [14], sizes = [1], strides = [1]} : vector<16xf32> to vector<1xf32>
        %squeeze3A_467 = vector.extract %slice3A_466[0] : f32 from vector<1xf32>
        %mul3A_468 = vector.broadcast %squeeze3A_467 : f32 to vector<16xf32>
        %mul3A_469 = arith.mulf %mul3A_468, %get3A_4 : vector<16xf32>
        %add3A_470 = arith.addf %add3A_465, %mul3A_469 : vector<16xf32>
        %mul3A_471 = arith.constant 2.000000e-01 : f32
        %mul3A_472 = vector.broadcast %mul3A_471 : f32 to vector<16xf32>
        %mul3A_473 = arith.mulf %mul3A_472, %add3A_470 : vector<16xf32>
        %max3A_474 = arith.maximumf %add3A_470, %mul3A_473 : vector<16xf32>
        %exp3A_475 = math.exp %max3A_474 : vector<16xf32>
        %swap3A_476 = arith.index_cast %add3A_456 : i32 to index
        %swap3A_477 = arith.constant 0 : index
        %swap3A_478 = tpu.vector_load %arg19[%swap3A_476, %swap3A_477] {strides = array<i32>} : memref<128x16xf32, #tpu.memory_space<vmem>>, vector<1x16xf32>,
        %swap3A_479 = vector.shape_cast %swap3A_478 : vector<1x16xf32> to vector<16xf32>
        %swap3A_480 = vector.shape_cast %exp3A_475 : vector<16xf32> to vector<1x16xf32>
        tpu.vector_store %arg19[%swap3A_476, %swap3A_477], %swap3A_480 {strides = array<i32>} : memref<128x16xf32, #tpu.memory_space<vmem>>, vector<1x16xf32>,
        %mul3A_481 = arith.constant 16 : i32
        %mul3A_482 = arith.muli %scan3A_59, %mul3A_481 : i32
        %add3A_483 = arith.constant 15 : i32
        %add3A_484 = arith.addi %mul3A_482, %add3A_483 : i32
        %get3A_485 = arith.index_cast %add3A_484 : i32 to index
        %get3A_486 = arith.constant 0 : index
        %get3A_487 = tpu.vector_load %arg16[%get3A_485, %get3A_486] {strides = array<i32>} : memref<128x16xf32, #tpu.memory_space<vmem>>, vector<1x16xf32>,
        %get3A_488 = vector.shape_cast %get3A_487 : vector<1x16xf32> to vector<16xf32>
        %get3A_489 = arith.index_cast %add3A_484 : i32 to index
        %get3A_490 = arith.constant 0 : index
        %get3A_491 = tpu.vector_load %arg17[%get3A_489, %get3A_490] {strides = array<i32>} : memref<128x16xf32, #tpu.memory_space<vmem>>, vector<1x16xf32>,
        %get3A_492 = vector.shape_cast %get3A_491 : vector<1x16xf32> to vector<16xf32>
        %add3A_493 = arith.addf %get3A_488, %get3A_492 : vector<16xf32>
        %slice3A_494 = vector.extract_strided_slice %get3A_65 {offsets = [15], sizes = [1], strides = [1]} : vector<16xf32> to vector<1xf32>
        %squeeze3A_495 = vector.extract %slice3A_494[0] : f32 from vector<1xf32>
        %mul3A_496 = vector.broadcast %squeeze3A_495 : f32 to vector<16xf32>
        %mul3A_497 = arith.mulf %mul3A_496, %get3A_4 : vector<16xf32>
        %add3A_498 = arith.addf %add3A_493, %mul3A_497 : vector<16xf32>
        %mul3A_499 = arith.constant 2.000000e-01 : f32
        %mul3A_500 = vector.broadcast %mul3A_499 : f32 to vector<16xf32>
        %mul3A_501 = arith.mulf %mul3A_500, %add3A_498 : vector<16xf32>
        %max3A_502 = arith.maximumf %add3A_498, %mul3A_501 : vector<16xf32>
        %exp3A_503 = math.exp %max3A_502 : vector<16xf32>
        %swap3A_504 = arith.index_cast %add3A_484 : i32 to index
        %swap3A_505 = arith.constant 0 : index
        %swap3A_506 = tpu.vector_load %arg19[%swap3A_504, %swap3A_505] {strides = array<i32>} : memref<128x16xf32, #tpu.memory_space<vmem>>, vector<1x16xf32>,
        %swap3A_507 = vector.shape_cast %swap3A_506 : vector<1x16xf32> to vector<16xf32>
        %swap3A_508 = vector.shape_cast %exp3A_503 : vector<16xf32> to vector<1x16xf32>
        tpu.vector_store %arg19[%swap3A_504, %swap3A_505], %swap3A_508 {strides = array<i32>} : memref<128x16xf32, #tpu.memory_space<vmem>>, vector<1x16xf32>,
        %scan3A_509 = arith.constant 0 : i32
        scf.yield %scan3A_509 : i32
      }
      %scan3A_51 = arith.constant 8 : i32
      %scan3A_52 = arith.constant 0 : i32
      %scan3A_53 = arith.constant 0 : i32
      %scan3A_54 = arith.constant 128 : i32
      %scan3A_55 = arith.addi %scan3A_53, %scan3A_54 : i32
      %scan3A_56 = arith.constant 2 : i32
      %scan3A_57 = scf.for %scan3A_59 = %scan3A_53 to %scan3A_55 step %scan3A_56 iter_args(%scan3A_60 = %scan3A_52) -> (i32)  : i32 {
        %get3A_61 = arith.index_cast %scan3A_59 : i32 to index
        %get3A_62 = arith.constant 0 : index
        %get3A_63 = tpu.vector_load %arg19[%get3A_61, %get3A_62] {strides = array<i32>} : memref<128x16xf32, #tpu.memory_space<vmem>>, vector<1x16xf32>,
        %get3A_64 = vector.shape_cast %get3A_63 : vector<1x16xf32> to vector<16xf32>
        %slice3A = vector.extract_strided_slice %get3A_64 {offsets = [0], sizes = [1], strides = [1]} : vector<16xf32> to vector<1xf32>
        %squeeze3A = vector.extract %slice3A[0] : f32 from vector<1xf32>
        %get3A_65 = arith.index_cast %scan3A_59 : i32 to index
        %get3A_66 = arith.constant 0 : index
        %get3A_67 = tpu.vector_load %arg18[%get3A_65, %get3A_66] {strides = array<i32>} : memref<128x128xf32, #tpu.memory_space<vmem>>, vector<1x16xf32>,
        %get3A_68 = vector.shape_cast %get3A_67 : vector<1x16xf32> to vector<16xf32>
        %mul3A_69 = vector.broadcast %squeeze3A : f32 to vector<16xf32>
        %mul3A_70 = arith.mulf %get3A_68, %mul3A_69 : vector<16xf32>
        %swap3A = arith.index_cast %scan3A_59 : i32 to index
        %swap3A_71 = arith.constant 0 : index
        %swap3A_72 = tpu.vector_load %arg18[%swap3A, %swap3A_71] {strides = array<i32>} : memref<128x128xf32, #tpu.memory_space<vmem>>, vector<1x16xf32>,
        %swap3A_73 = vector.shape_cast %swap3A_72 : vector<1x16xf32> to vector<16xf32>
        %swap3A_74 = vector.shape_cast %mul3A_70 : vector<16xf32> to vector<1x16xf32>
        tpu.vector_store %arg18[%swap3A, %swap3A_71], %swap3A_74 {strides = array<i32>} : memref<128x128xf32, #tpu.memory_space<vmem>>, vector<1x16xf32>,
        %get3A_75 = arith.index_cast %scan3A_59 : i32 to index
        %get3A_76 = arith.constant 16 : index
        %get3A_77 = tpu.vector_load %arg18[%get3A_75, %get3A_76] {strides = array<i32>} : memref<128x128xf32, #tpu.memory_space<vmem>>, vector<1x16xf32>,
        %get3A_78 = vector.shape_cast %get3A_77 : vector<1x16xf32> to vector<16xf32>
        %mul3A_79 = vector.broadcast %squeeze3A : f32 to vector<16xf32>
        %mul3A_80 = arith.mulf %get3A_78, %mul3A_79 : vector<16xf32>
        %swap3A_81 = arith.index_cast %scan3A_59 : i32 to index
        %swap3A_82 = arith.constant 16 : index
        %swap3A_83 = tpu.vector_load %arg18[%swap3A_81, %swap3A_82] {strides = array<i32>} : memref<128x128xf32, #tpu.memory_space<vmem>>, vector<1x16xf32>,
        %swap3A_84 = vector.shape_cast %swap3A_83 : vector<1x16xf32> to vector<16xf32>
        %swap3A_85 = vector.shape_cast %mul3A_80 : vector<16xf32> to vector<1x16xf32>
        tpu.vector_store %arg18[%swap3A_81, %swap3A_82], %swap3A_85 {strides = array<i32>} : memref<128x128xf32, #tpu.memory_space<vmem>>, vector<1x16xf32>,
        %slice3A_86 = vector.extract_strided_slice %get3A_64 {offsets = [1], sizes = [1], strides = [1]} : vector<16xf32> to vector<1xf32>
        %squeeze3A_87 = vector.extract %slice3A_86[0] : f32 from vector<1xf32>
        %get3A_88 = arith.index_cast %scan3A_59 : i32 to index
        %get3A_89 = arith.constant 32 : index
        %get3A_90 = tpu.vector_load %arg18[%get3A_88, %get3A_89] {strides = array<i32>} : memref<128x128xf32, #tpu.memory_space<vmem>>, vector<1x16xf32>,
        %get3A_91 = vector.shape_cast %get3A_90 : vector<1x16xf32> to vector<16xf32>
        %mul3A_92 = vector.broadcast %squeeze3A_87 : f32 to vector<16xf32>
        %mul3A_93 = arith.mulf %get3A_91, %mul3A_92 : vector<16xf32>
        %swap3A_94 = arith.index_cast %scan3A_59 : i32 to index
        %swap3A_95 = arith.constant 32 : index
        %swap3A_96 = tpu.vector_load %arg18[%swap3A_94, %swap3A_95] {strides = array<i32>} : memref<128x128xf32, #tpu.memory_space<vmem>>, vector<1x16xf32>,
        %swap3A_97 = vector.shape_cast %swap3A_96 : vector<1x16xf32> to vector<16xf32>
        %swap3A_98 = vector.shape_cast %mul3A_93 : vector<16xf32> to vector<1x16xf32>
        tpu.vector_store %arg18[%swap3A_94, %swap3A_95], %swap3A_98 {strides = array<i32>} : memref<128x128xf32, #tpu.memory_space<vmem>>, vector<1x16xf32>,
        %get3A_99 = arith.index_cast %scan3A_59 : i32 to index
        %get3A_100 = arith.constant 48 : index
        %get3A_101 = tpu.vector_load %arg18[%get3A_99, %get3A_100] {strides = array<i32>} : memref<128x128xf32, #tpu.memory_space<vmem>>, vector<1x16xf32>,
        %get3A_102 = vector.shape_cast %get3A_101 : vector<1x16xf32> to vector<16xf32>
        %mul3A_103 = vector.broadcast %squeeze3A_87 : f32 to vector<16xf32>
        %mul3A_104 = arith.mulf %get3A_102, %mul3A_103 : vector<16xf32>
        %swap3A_105 = arith.index_cast %scan3A_59 : i32 to index
        %swap3A_106 = arith.constant 48 : index
        %swap3A_107 = tpu.vector_load %arg18[%swap3A_105, %swap3A_106] {strides = array<i32>} : memref<128x128xf32, #tpu.memory_space<vmem>>, vector<1x16xf32>,
        %swap3A_108 = vector.shape_cast %swap3A_107 : vector<1x16xf32> to vector<16xf32>
        %swap3A_109 = vector.shape_cast %mul3A_104 : vector<16xf32> to vector<1x16xf32>
        tpu.vector_store %arg18[%swap3A_105, %swap3A_106], %swap3A_109 {strides = array<i32>} : memref<128x128xf32, #tpu.memory_space<vmem>>, vector<1x16xf32>,
        %slice3A_110 = vector.extract_strided_slice %get3A_64 {offsets = [2], sizes = [1], strides = [1]} : vector<16xf32> to vector<1xf32>
        %squeeze3A_111 = vector.extract %slice3A_110[0] : f32 from vector<1xf32>
        %get3A_112 = arith.index_cast %scan3A_59 : i32 to index
        %get3A_113 = arith.constant 64 : index
        %get3A_114 = tpu.vector_load %arg18[%get3A_112, %get3A_113] {strides = array<i32>} : memref<128x128xf32, #tpu.memory_space<vmem>>, vector<1x16xf32>,
        %get3A_115 = vector.shape_cast %get3A_114 : vector<1x16xf32> to vector<16xf32>
        %mul3A_116 = vector.broadcast %squeeze3A_111 : f32 to vector<16xf32>
        %mul3A_117 = arith.mulf %get3A_115, %mul3A_116 : vector<16xf32>
        %swap3A_118 = arith.index_cast %scan3A_59 : i32 to index
        %swap3A_119 = arith.constant 64 : index
        %swap3A_120 = tpu.vector_load %arg18[%swap3A_118, %swap3A_119] {strides = array<i32>} : memref<128x128xf32, #tpu.memory_space<vmem>>, vector<1x16xf32>,
        %swap3A_121 = vector.shape_cast %swap3A_120 : vector<1x16xf32> to vector<16xf32>
        %swap3A_122 = vector.shape_cast %mul3A_117 : vector<16xf32> to vector<1x16xf32>
        tpu.vector_store %arg18[%swap3A_118, %swap3A_119], %swap3A_122 {strides = array<i32>} : memref<128x128xf32, #tpu.memory_space<vmem>>, vector<1x16xf32>,
        %get3A_123 = arith.index_cast %scan3A_59 : i32 to index
        %get3A_124 = arith.constant 80 : index
        %get3A_125 = tpu.vector_load %arg18[%get3A_123, %get3A_124] {strides = array<i32>} : memref<128x128xf32, #tpu.memory_space<vmem>>, vector<1x16xf32>,
        %get3A_126 = vector.shape_cast %get3A_125 : vector<1x16xf32> to vector<16xf32>
        %mul3A_127 = vector.broadcast %squeeze3A_111 : f32 to vector<16xf32>
        %mul3A_128 = arith.mulf %get3A_126, %mul3A_127 : vector<16xf32>
        %swap3A_129 = arith.index_cast %scan3A_59 : i32 to index
        %swap3A_130 = arith.constant 80 : index
        %swap3A_131 = tpu.vector_load %arg18[%swap3A_129, %swap3A_130] {strides = array<i32>} : memref<128x128xf32, #tpu.memory_space<vmem>>, vector<1x16xf32>,
        %swap3A_132 = vector.shape_cast %swap3A_131 : vector<1x16xf32> to vector<16xf32>
        %swap3A_133 = vector.shape_cast %mul3A_128 : vector<16xf32> to vector<1x16xf32>
        tpu.vector_store %arg18[%swap3A_129, %swap3A_130], %swap3A_133 {strides = array<i32>} : memref<128x128xf32, #tpu.memory_space<vmem>>, vector<1x16xf32>,
        %slice3A_134 = vector.extract_strided_slice %get3A_64 {offsets = [3], sizes = [1], strides = [1]} : vector<16xf32> to vector<1xf32>
        %squeeze3A_135 = vector.extract %slice3A_134[0] : f32 from vector<1xf32>
        %get3A_136 = arith.index_cast %scan3A_59 : i32 to index
        %get3A_137 = arith.constant 96 : index
        %get3A_138 = tpu.vector_load %arg18[%get3A_136, %get3A_137] {strides = array<i32>} : memref<128x128xf32, #tpu.memory_space<vmem>>, vector<1x16xf32>,
        %get3A_139 = vector.shape_cast %get3A_138 : vector<1x16xf32> to vector<16xf32>
        %mul3A_140 = vector.broadcast %squeeze3A_135 : f32 to vector<16xf32>
        %mul3A_141 = arith.mulf %get3A_139, %mul3A_140 : vector<16xf32>
        %swap3A_142 = arith.index_cast %scan3A_59 : i32 to index
        %swap3A_143 = arith.constant 96 : index
        %swap3A_144 = tpu.vector_load %arg18[%swap3A_142, %swap3A_143] {strides = array<i32>} : memref<128x128xf32, #tpu.memory_space<vmem>>, vector<1x16xf32>,
        %swap3A_145 = vector.shape_cast %swap3A_144 : vector<1x16xf32> to vector<16xf32>
        %swap3A_146 = vector.shape_cast %mul3A_141 : vector<16xf32> to vector<1x16xf32>
        tpu.vector_store %arg18[%swap3A_142, %swap3A_143], %swap3A_146 {strides = array<i32>} : memref<128x128xf32, #tpu.memory_space<vmem>>, vector<1x16xf32>,
        %get3A_147 = arith.index_cast %scan3A_59 : i32 to index
        %get3A_148 = arith.constant 112 : index
        %get3A_149 = tpu.vector_load %arg18[%get3A_147, %get3A_148] {strides = array<i32>} : memref<128x128xf32, #tpu.memory_space<vmem>>, vector<1x16xf32>,
        %get3A_150 = vector.shape_cast %get3A_149 : vector<1x16xf32> to vector<16xf32>
        %mul3A_151 = vector.broadcast %squeeze3A_135 : f32 to vector<16xf32>
        %mul3A_152 = arith.mulf %get3A_150, %mul3A_151 : vector<16xf32>
        %swap3A_153 = arith.index_cast %scan3A_59 : i32 to index
        %swap3A_154 = arith.constant 112 : index
        %swap3A_155 = tpu.vector_load %arg18[%swap3A_153, %swap3A_154] {strides = array<i32>} : memref<128x128xf32, #tpu.memory_space<vmem>>, vector<1x16xf32>,
        %swap3A_156 = vector.shape_cast %swap3A_155 : vector<1x16xf32> to vector<16xf32>
        %swap3A_157 = vector.shape_cast %mul3A_152 : vector<16xf32> to vector<1x16xf32>
        tpu.vector_store %arg18[%swap3A_153, %swap3A_154], %swap3A_157 {strides = array<i32>} : memref<128x128xf32, #tpu.memory_space<vmem>>, vector<1x16xf32>,
        %scan3A_158 = arith.constant 0 : i32
        %scan3A_159 = arith.constant 1 : i32
        %scan3A_160 = arith.addi %scan3A_59, %scan3A_159 : i32
        %get3A_161 = arith.index_cast %scan3A_160 : i32 to index
        %get3A_162 = arith.constant 0 : index
        %get3A_163 = tpu.vector_load %arg19[%get3A_161, %get3A_162] {strides = array<i32>} : memref<128x16xf32, #tpu.memory_space<vmem>>, vector<1x16xf32>,
        %get3A_164 = vector.shape_cast %get3A_163 : vector<1x16xf32> to vector<16xf32>
        %slice3A_165 = vector.extract_strided_slice %get3A_164 {offsets = [0], sizes = [1], strides = [1]} : vector<16xf32> to vector<1xf32>
        %squeeze3A_166 = vector.extract %slice3A_165[0] : f32 from vector<1xf32>
        %get3A_167 = arith.index_cast %scan3A_160 : i32 to index
        %get3A_168 = arith.constant 0 : index
        %get3A_169 = tpu.vector_load %arg18[%get3A_167, %get3A_168] {strides = array<i32>} : memref<128x128xf32, #tpu.memory_space<vmem>>, vector<1x16xf32>,
        %get3A_170 = vector.shape_cast %get3A_169 : vector<1x16xf32> to vector<16xf32>
        %mul3A_171 = vector.broadcast %squeeze3A_166 : f32 to vector<16xf32>
        %mul3A_172 = arith.mulf %get3A_170, %mul3A_171 : vector<16xf32>
        %swap3A_173 = arith.index_cast %scan3A_160 : i32 to index
        %swap3A_174 = arith.constant 0 : index
        %swap3A_175 = tpu.vector_load %arg18[%swap3A_173, %swap3A_174] {strides = array<i32>} : memref<128x128xf32, #tpu.memory_space<vmem>>, vector<1x16xf32>,
        %swap3A_176 = vector.shape_cast %swap3A_175 : vector<1x16xf32> to vector<16xf32>
        %swap3A_177 = vector.shape_cast %mul3A_172 : vector<16xf32> to vector<1x16xf32>
        tpu.vector_store %arg18[%swap3A_173, %swap3A_174], %swap3A_177 {strides = array<i32>} : memref<128x128xf32, #tpu.memory_space<vmem>>, vector<1x16xf32>,
        %get3A_178 = arith.index_cast %scan3A_160 : i32 to index
        %get3A_179 = arith.constant 16 : index
        %get3A_180 = tpu.vector_load %arg18[%get3A_178, %get3A_179] {strides = array<i32>} : memref<128x128xf32, #tpu.memory_space<vmem>>, vector<1x16xf32>,
        %get3A_181 = vector.shape_cast %get3A_180 : vector<1x16xf32> to vector<16xf32>
        %mul3A_182 = vector.broadcast %squeeze3A_166 : f32 to vector<16xf32>
        %mul3A_183 = arith.mulf %get3A_181, %mul3A_182 : vector<16xf32>
        %swap3A_184 = arith.index_cast %scan3A_160 : i32 to index
        %swap3A_185 = arith.constant 16 : index
        %swap3A_186 = tpu.vector_load %arg18[%swap3A_184, %swap3A_185] {strides = array<i32>} : memref<128x128xf32, #tpu.memory_space<vmem>>, vector<1x16xf32>,
        %swap3A_187 = vector.shape_cast %swap3A_186 : vector<1x16xf32> to vector<16xf32>
        %swap3A_188 = vector.shape_cast %mul3A_183 : vector<16xf32> to vector<1x16xf32>
        tpu.vector_store %arg18[%swap3A_184, %swap3A_185], %swap3A_188 {strides = array<i32>} : memref<128x128xf32, #tpu.memory_space<vmem>>, vector<1x16xf32>,
        %slice3A_189 = vector.extract_strided_slice %get3A_164 {offsets = [1], sizes = [1], strides = [1]} : vector<16xf32> to vector<1xf32>
        %squeeze3A_190 = vector.extract %slice3A_189[0] : f32 from vector<1xf32>
        %get3A_191 = arith.index_cast %scan3A_160 : i32 to index
        %get3A_192 = arith.constant 32 : index
        %get3A_193 = tpu.vector_load %arg18[%get3A_191, %get3A_192] {strides = array<i32>} : memref<128x128xf32, #tpu.memory_space<vmem>>, vector<1x16xf32>,
        %get3A_194 = vector.shape_cast %get3A_193 : vector<1x16xf32> to vector<16xf32>
        %mul3A_195 = vector.broadcast %squeeze3A_190 : f32 to vector<16xf32>
        %mul3A_196 = arith.mulf %get3A_194, %mul3A_195 : vector<16xf32>
        %swap3A_197 = arith.index_cast %scan3A_160 : i32 to index
        %swap3A_198 = arith.constant 32 : index
        %swap3A_199 = tpu.vector_load %arg18[%swap3A_197, %swap3A_198] {strides = array<i32>} : memref<128x128xf32, #tpu.memory_space<vmem>>, vector<1x16xf32>,
        %swap3A_200 = vector.shape_cast %swap3A_199 : vector<1x16xf32> to vector<16xf32>
        %swap3A_201 = vector.shape_cast %mul3A_196 : vector<16xf32> to vector<1x16xf32>
        tpu.vector_store %arg18[%swap3A_197, %swap3A_198], %swap3A_201 {strides = array<i32>} : memref<128x128xf32, #tpu.memory_space<vmem>>, vector<1x16xf32>,
        %get3A_202 = arith.index_cast %scan3A_160 : i32 to index
        %get3A_203 = arith.constant 48 : index
        %get3A_204 = tpu.vector_load %arg18[%get3A_202, %get3A_203] {strides = array<i32>} : memref<128x128xf32, #tpu.memory_space<vmem>>, vector<1x16xf32>,
        %get3A_205 = vector.shape_cast %get3A_204 : vector<1x16xf32> to vector<16xf32>
        %mul3A_206 = vector.broadcast %squeeze3A_190 : f32 to vector<16xf32>
        %mul3A_207 = arith.mulf %get3A_205, %mul3A_206 : vector<16xf32>
        %swap3A_208 = arith.index_cast %scan3A_160 : i32 to index
        %swap3A_209 = arith.constant 48 : index
        %swap3A_210 = tpu.vector_load %arg18[%swap3A_208, %swap3A_209] {strides = array<i32>} : memref<128x128xf32, #tpu.memory_space<vmem>>, vector<1x16xf32>,
        %swap3A_211 = vector.shape_cast %swap3A_210 : vector<1x16xf32> to vector<16xf32>
        %swap3A_212 = vector.shape_cast %mul3A_207 : vector<16xf32> to vector<1x16xf32>
        tpu.vector_store %arg18[%swap3A_208, %swap3A_209], %swap3A_212 {strides = array<i32>} : memref<128x128xf32, #tpu.memory_space<vmem>>, vector<1x16xf32>,
        %slice3A_213 = vector.extract_strided_slice %get3A_164 {offsets = [2], sizes = [1], strides = [1]} : vector<16xf32> to vector<1xf32>
        %squeeze3A_214 = vector.extract %slice3A_213[0] : f32 from vector<1xf32>
        %get3A_215 = arith.index_cast %scan3A_160 : i32 to index
        %get3A_216 = arith.constant 64 : index
        %get3A_217 = tpu.vector_load %arg18[%get3A_215, %get3A_216] {strides = array<i32>} : memref<128x128xf32, #tpu.memory_space<vmem>>, vector<1x16xf32>,
        %get3A_218 = vector.shape_cast %get3A_217 : vector<1x16xf32> to vector<16xf32>
        %mul3A_219 = vector.broadcast %squeeze3A_214 : f32 to vector<16xf32>
        %mul3A_220 = arith.mulf %get3A_218, %mul3A_219 : vector<16xf32>
        %swap3A_221 = arith.index_cast %scan3A_160 : i32 to index
        %swap3A_222 = arith.constant 64 : index
        %swap3A_223 = tpu.vector_load %arg18[%swap3A_221, %swap3A_222] {strides = array<i32>} : memref<128x128xf32, #tpu.memory_space<vmem>>, vector<1x16xf32>,
        %swap3A_224 = vector.shape_cast %swap3A_223 : vector<1x16xf32> to vector<16xf32>
        %swap3A_225 = vector.shape_cast %mul3A_220 : vector<16xf32> to vector<1x16xf32>
        tpu.vector_store %arg18[%swap3A_221, %swap3A_222], %swap3A_225 {strides = array<i32>} : memref<128x128xf32, #tpu.memory_space<vmem>>, vector<1x16xf32>,
        %get3A_226 = arith.index_cast %scan3A_160 : i32 to index
        %get3A_227 = arith.constant 80 : index
        %get3A_228 = tpu.vector_load %arg18[%get3A_226, %get3A_227] {strides = array<i32>} : memref<128x128xf32, #tpu.memory_space<vmem>>, vector<1x16xf32>,
        %get3A_229 = vector.shape_cast %get3A_228 : vector<1x16xf32> to vector<16xf32>
        %mul3A_230 = vector.broadcast %squeeze3A_214 : f32 to vector<16xf32>
        %mul3A_231 = arith.mulf %get3A_229, %mul3A_230 : vector<16xf32>
        %swap3A_232 = arith.index_cast %scan3A_160 : i32 to index
        %swap3A_233 = arith.constant 80 : index
        %swap3A_234 = tpu.vector_load %arg18[%swap3A_232, %swap3A_233] {strides = array<i32>} : memref<128x128xf32, #tpu.memory_space<vmem>>, vector<1x16xf32>,
        %swap3A_235 = vector.shape_cast %swap3A_234 : vector<1x16xf32> to vector<16xf32>
        %swap3A_236 = vector.shape_cast %mul3A_231 : vector<16xf32> to vector<1x16xf32>
        tpu.vector_store %arg18[%swap3A_232, %swap3A_233], %swap3A_236 {strides = array<i32>} : memref<128x128xf32, #tpu.memory_space<vmem>>, vector<1x16xf32>,
        %slice3A_237 = vector.extract_strided_slice %get3A_164 {offsets = [3], sizes = [1], strides = [1]} : vector<16xf32> to vector<1xf32>
        %squeeze3A_238 = vector.extract %slice3A_237[0] : f32 from vector<1xf32>
        %get3A_239 = arith.index_cast %scan3A_160 : i32 to index
        %get3A_240 = arith.constant 96 : index
        %get3A_241 = tpu.vector_load %arg18[%get3A_239, %get3A_240] {strides = array<i32>} : memref<128x128xf32, #tpu.memory_space<vmem>>, vector<1x16xf32>,
        %get3A_242 = vector.shape_cast %get3A_241 : vector<1x16xf32> to vector<16xf32>
        %mul3A_243 = vector.broadcast %squeeze3A_238 : f32 to vector<16xf32>
        %mul3A_244 = arith.mulf %get3A_242, %mul3A_243 : vector<16xf32>
        %swap3A_245 = arith.index_cast %scan3A_160 : i32 to index
        %swap3A_246 = arith.constant 96 : index
        %swap3A_247 = tpu.vector_load %arg18[%swap3A_245, %swap3A_246] {strides = array<i32>} : memref<128x128xf32, #tpu.memory_space<vmem>>, vector<1x16xf32>,
        %swap3A_248 = vector.shape_cast %swap3A_247 : vector<1x16xf32> to vector<16xf32>
        %swap3A_249 = vector.shape_cast %mul3A_244 : vector<16xf32> to vector<1x16xf32>
        tpu.vector_store %arg18[%swap3A_245, %swap3A_246], %swap3A_249 {strides = array<i32>} : memref<128x128xf32, #tpu.memory_space<vmem>>, vector<1x16xf32>,
        %get3A_250 = arith.index_cast %scan3A_160 : i32 to index
        %get3A_251 = arith.constant 112 : index
        %get3A_252 = tpu.vector_load %arg18[%get3A_250, %get3A_251] {strides = array<i32>} : memref<128x128xf32, #tpu.memory_space<vmem>>, vector<1x16xf32>,
        %get3A_253 = vector.shape_cast %get3A_252 : vector<1x16xf32> to vector<16xf32>
        %mul3A_254 = vector.broadcast %squeeze3A_238 : f32 to vector<16xf32>
        %mul3A_255 = arith.mulf %get3A_253, %mul3A_254 : vector<16xf32>
        %swap3A_256 = arith.index_cast %scan3A_160 : i32 to index
        %swap3A_257 = arith.constant 112 : index
        %swap3A_258 = tpu.vector_load %arg18[%swap3A_256, %swap3A_257] {strides = array<i32>} : memref<128x128xf32, #tpu.memory_space<vmem>>, vector<1x16xf32>,
        %swap3A_259 = vector.shape_cast %swap3A_258 : vector<1x16xf32> to vector<16xf32>
        %swap3A_260 = vector.shape_cast %mul3A_255 : vector<16xf32> to vector<1x16xf32>
        tpu.vector_store %arg18[%swap3A_256, %swap3A_257], %swap3A_260 {strides = array<i32>} : memref<128x128xf32, #tpu.memory_space<vmem>>, vector<1x16xf32>,
        %scan3A_261 = arith.constant 0 : i32
        scf.yield %scan3A_261 : i32
      }
      %scan3A_58 = arith.constant 128 : i32
      "tpu.region"() ({
        %run_scoped3A = tpu.sem_alloc : memref<!tpu.dma_semaphore, #tpu.memory_space<semaphore_mem>>
        %dma_start3A_59 = arith.constant 0 : i32
        %dma_start3A_60 = arith.constant 0 : i32
        %dma_start3A_61 = tpu.memref_slice %arg21[%dma_start3A_59, %dma_start3A_60] : memref<10240x128xf32, #tpu.memory_space<vmem_shared>> -> memref<10240x128xf32, #tpu.memory_space<vmem_shared>>
        tpu.enqueue_indirect_dma source(%arg18 : memref<128x128xf32, #tpu.memory_space<vmem>>) target(%dma_start3A_61 : memref<10240x128xf32, #tpu.memory_space<vmem_shared>>) offsets(%arg14 : memref<128xi32, #tpu.memory_space<vmem>>) semaphore(%run_scoped3A : memref<!tpu.dma_semaphore, #tpu.memory_space<semaphore_mem>>) {add = true}
        %dma_wait3A_62 = arith.constant 0 : i32
        %dma_wait3A_63 = arith.constant 0 : i32
        %dma_wait3A_64 = tpu.memref_slice %arg21[%dma_wait3A_62, %dma_wait3A_63] : memref<10240x128xf32, #tpu.memory_space<vmem_shared>> -> memref<10240x128xf32, #tpu.memory_space<vmem_shared>>
        tpu.wait_indirect_dma semaphore(%run_scoped3A : memref<!tpu.dma_semaphore, #tpu.memory_space<semaphore_mem>>) src(%arg18 : memref<128x128xf32, #tpu.memory_space<vmem>>) dst(%dma_wait3A_64 : memref<10240x128xf32, #tpu.memory_space<vmem_shared>>)
        tpu.yield
      }) : () -> ()
      "tpu.region"() ({
        %run_scoped3A = tpu.sem_alloc : memref<!tpu.dma_semaphore, #tpu.memory_space<semaphore_mem>>
        %dma_start3A_59 = arith.constant 0 : i32
        %dma_start3A_60 = arith.constant 0 : i32
        %dma_start3A_61 = tpu.memref_slice %arg22[%dma_start3A_59, %dma_start3A_60] : memref<10240x16xf32, #tpu.memory_space<vmem_shared>> -> memref<10240x16xf32, #tpu.memory_space<vmem_shared>>
        tpu.enqueue_indirect_dma source(%arg19 : memref<128x16xf32, #tpu.memory_space<vmem>>) target(%dma_start3A_61 : memref<10240x16xf32, #tpu.memory_space<vmem_shared>>) offsets(%arg14 : memref<128xi32, #tpu.memory_space<vmem>>) semaphore(%run_scoped3A : memref<!tpu.dma_semaphore, #tpu.memory_space<semaphore_mem>>) {add = true}
        %dma_wait3A_62 = arith.constant 0 : i32
        %dma_wait3A_63 = arith.constant 0 : i32
        %dma_wait3A_64 = tpu.memref_slice %arg22[%dma_wait3A_62, %dma_wait3A_63] : memref<10240x16xf32, #tpu.memory_space<vmem_shared>> -> memref<10240x16xf32, #tpu.memory_space<vmem_shared>>
        tpu.wait_indirect_dma semaphore(%run_scoped3A : memref<!tpu.dma_semaphore, #tpu.memory_space<semaphore_mem>>) src(%arg19 : memref<128x16xf32, #tpu.memory_space<vmem>>) dst(%dma_wait3A_64 : memref<10240x16xf32, #tpu.memory_space<vmem_shared>>)
        tpu.yield
      }) : () -> ()
    }
    %scan3A_11 = arith.constant 157 : i32
    %barrier3A_12 = arith.constant 0 : index
    tpu.barrier barrier_id(%barrier3A_12)
    "tpu.region"() ({
      %run_scoped3A = tpu.sem_alloc : memref<!tpu.dma_semaphore, #tpu.memory_space<semaphore_mem>>
      %dma_start3A = arith.constant 0 : i32
      %dma_start3A_13 = tpu.memref_slice %arg11[%arg0, %mul3A_2, %dma_start3A] : memref<2x10240x128xf32, #tpu.memory_space<hbm>> -> memref<1x640x128xf32, #tpu.memory_space<hbm>>
      %dma_start3A_14 = tpu.memref_squeeze %dma_start3A_13 : memref<1x640x128xf32, #tpu.memory_space<hbm>> -> memref<640x128xf32, #tpu.memory_space<hbm>>
      %dma_start3A_15 = arith.constant 0 : i32
      %dma_start3A_16 = tpu.memref_slice %arg21[%mul3A_2, %dma_start3A_15] : memref<10240x128xf32, #tpu.memory_space<vmem_shared>> -> memref<640x128xf32, #tpu.memory_space<vmem_shared>>
      tpu.enqueue_dma source(%dma_start3A_16 : memref<640x128xf32, #tpu.memory_space<vmem_shared>>) target(%dma_start3A_14 : memref<640x128xf32, #tpu.memory_space<hbm>>) target_semaphore(%run_scoped3A : memref<!tpu.dma_semaphore, #tpu.memory_space<semaphore_mem>>)
      %dma_wait3A = arith.constant 0 : i32
      %dma_wait3A_17 = tpu.memref_slice %arg11[%arg0, %mul3A_2, %dma_wait3A] : memref<2x10240x128xf32, #tpu.memory_space<hbm>> -> memref<1x640x128xf32, #tpu.memory_space<hbm>>
      %dma_wait3A_18 = tpu.memref_squeeze %dma_wait3A_17 : memref<1x640x128xf32, #tpu.memory_space<hbm>> -> memref<640x128xf32, #tpu.memory_space<hbm>>
      %dma_wait3A_19 = arith.constant 0 : i32
      %dma_wait3A_20 = tpu.memref_slice %arg21[%mul3A_2, %dma_wait3A_19] : memref<10240x128xf32, #tpu.memory_space<vmem_shared>> -> memref<640x128xf32, #tpu.memory_space<vmem_shared>>
      tpu.wait_dma2 semaphore(%run_scoped3A : memref<!tpu.dma_semaphore, #tpu.memory_space<semaphore_mem>>) src(%dma_wait3A_20 : memref<640x128xf32, #tpu.memory_space<vmem_shared>>) dst(%dma_wait3A_18 : memref<640x128xf32, #tpu.memory_space<hbm>>)
      tpu.yield
    }) : () -> ()
    "tpu.region"() ({
      %run_scoped3A = tpu.sem_alloc : memref<!tpu.dma_semaphore, #tpu.memory_space<semaphore_mem>>
      %dma_start3A = arith.constant 0 : i32
      %dma_start3A_13 = tpu.memref_slice %arg12[%arg0, %mul3A_2, %dma_start3A] : memref<2x10240x16xf32, #tpu.memory_space<hbm>> -> memref<1x640x16xf32, #tpu.memory_space<hbm>>
      %dma_start3A_14 = tpu.memref_squeeze %dma_start3A_13 : memref<1x640x16xf32, #tpu.memory_space<hbm>> -> memref<640x16xf32, #tpu.memory_space<hbm>>
      %dma_start3A_15 = arith.constant 0 : i32
      %dma_start3A_16 = tpu.memref_slice %arg22[%mul3A_2, %dma_start3A_15] : memref<10240x16xf32, #tpu.memory_space<vmem_shared>> -> memref<640x16xf32, #tpu.memory_space<vmem_shared>>
      tpu.enqueue_dma source(%dma_start3A_16 : memref<640x16xf32, #tpu.memory_space<vmem_shared>>) target(%dma_start3A_14 : memref<640x16xf32, #tpu.memory_space<hbm>>) target_semaphore(%run_scoped3A : memref<!tpu.dma_semaphore, #tpu.memory_space<semaphore_mem>>)
      %dma_wait3A = arith.constant 0 : i32
      %dma_wait3A_17 = tpu.memref_slice %arg12[%arg0, %mul3A_2, %dma_wait3A] : memref<2x10240x16xf32, #tpu.memory_space<hbm>> -> memref<1x640x16xf32, #tpu.memory_space<hbm>>
      %dma_wait3A_18 = tpu.memref_squeeze %dma_wait3A_17 : memref<1x640x16xf32, #tpu.memory_space<hbm>> -> memref<640x16xf32, #tpu.memory_space<hbm>>
      %dma_wait3A_19 = arith.constant 0 : i32
      %dma_wait3A_20 = tpu.memref_slice %arg22[%mul3A_2, %dma_wait3A_19] : memref<10240x16xf32, #tpu.memory_space<vmem_shared>> -> memref<640x16xf32, #tpu.memory_space<vmem_shared>>
      tpu.wait_dma2 semaphore(%run_scoped3A : memref<!tpu.dma_semaphore, #tpu.memory_space<semaphore_mem>>) src(%dma_wait3A_20 : memref<640x16xf32, #tpu.memory_space<vmem_shared>>) dst(%dma_wait3A_18 : memref<640x16xf32, #tpu.memory_space<hbm>>)
      tpu.yield
    }) : () -> ()
    return
  }
}

module attributes {stable_mosaic.version = 14 : i64} {
  func.func @_ewsum_body(%arg0: i32, %arg1: memref<1000x128xf32, #tpu.memory_space<vmem>>, %arg2: memref<1x1xf32, #tpu.memory_space<vmem>>) attributes {dimension_semantics = [#tpu.dimension_semantics<arbitrary>], iteration_bounds = array<i64: 5>, scalar_prefetch = 0 : i64, scratch_operands = 0 : i64, tpu.core_type = #tpu.core_type<tc>, window_params = [{transform_indices = @transform_0, window_bounds = array<i64: 1000, 128>}, {pipeline_mode = #tpu.pipeline_mode<synchronous>, transform_indices = @transform_1, window_bounds = array<i64: 1, 1>}]} {
    %eq3A = arith.constant 0 : i32
    %eq3A_0 = arith.cmpi eq, %arg0, %eq3A : i32
    %convert_element_type3A = arith.extui %eq3A_0 : i1 to i32
    %cond3A = arith.constant 0 : i32
    %cond3A_1 = arith.cmpi ne, %convert_element_type3A, %cond3A : i32
    scf.if %cond3A_1 {
      %broadcast_in_dim3A = arith.constant 0.000000e+00 : f32
      %broadcast_in_dim3A_13 = vector.broadcast %broadcast_in_dim3A : f32 to vector<1x1xf32>
      %swap3A_14 = arith.constant 0 : index
      %swap3A_15 = arith.constant 0 : index
      %swap3A_16 = vector.load %arg2[%swap3A_14, %swap3A_15] : memref<1x1xf32, #tpu.memory_space<vmem>>, vector<1x1xf32>
      tpu.vector_store %arg2[%swap3A_14, %swap3A_15], %broadcast_in_dim3A_13 {strides = array<i32>} : memref<1x1xf32, #tpu.memory_space<vmem>>, vector<1x1xf32>,
    } else {
    }
    %get3A = arith.constant 0 : index
    %get3A_2 = arith.constant 0 : index
    %get3A_3 = vector.load %arg2[%get3A, %get3A_2] : memref<1x1xf32, #tpu.memory_space<vmem>>, vector<1x1xf32>
    %get3A_4 = arith.constant 0 : index
    %get3A_5 = arith.constant 0 : index
    %get3A_6 = vector.load %arg1[%get3A_4, %get3A_5] : memref<1000x128xf32, #tpu.memory_space<vmem>>, vector<1000x128xf32>
    %reduce_sum3A = vector.shape_cast %get3A_6 : vector<1000x128xf32> to vector<1x1000x128xf32>
    %reduce_sum3A_7 = arith.constant dense<0.000000e+00> : vector<1xf32>
    %reduce_sum3A_8 = vector.multi_reduction <add>, %reduce_sum3A, %reduce_sum3A_7 [1, 2] : vector<1x1000x128xf32> to vector<1xf32>
    %reduce_sum3A_9 = vector.shape_cast %reduce_sum3A_8 : vector<1xf32> to vector<1x1x1xf32>
    %reduce_sum3A_10 = vector.extract %reduce_sum3A_9[0, 0, 0] : f32 from vector<1x1x1xf32>
    %reshape3A = vector.broadcast %reduce_sum3A_10 : f32 to vector<1x1xf32>
    %add3A = arith.addf %get3A_3, %reshape3A : vector<1x1xf32>
    %swap3A = arith.constant 0 : index
    %swap3A_11 = arith.constant 0 : index
    %swap3A_12 = vector.load %arg2[%swap3A, %swap3A_11] : memref<1x1xf32, #tpu.memory_space<vmem>>, vector<1x1xf32>
    tpu.vector_store %arg2[%swap3A, %swap3A_11], %add3A {strides = array<i32>} : memref<1x1xf32, #tpu.memory_space<vmem>>, vector<1x1xf32>,
    return
  }
  func.func @transform_0(%arg0: i32) -> (i32, i32) {
    %c0_i32 = arith.constant 0 : i32
    %c0_i32_0 = arith.constant 0 : i32
    return %arg0, %c0_i32 : i32, i32
  }
  func.func @transform_1(%arg0: i32) -> (i32, i32) {
    %c0_i32 = arith.constant 0 : i32
    %c0_i32_0 = arith.constant 0 : i32
    %c0_i32_1 = arith.constant 0 : i32
    return %c0_i32, %c0_i32_0 : i32, i32
  }
}

module attributes {stable_mosaic.version = 14 : i64} {
  func.func @_prep_body(%arg0: i32, %arg1: memref<1280x128xf32, #tpu.memory_space<vmem>>, %arg2: memref<128x128xf32, #tpu.memory_space<vmem>>, %arg3: memref<128x8xf32, #tpu.memory_space<vmem>>, %arg4: memref<128x8xf32, #tpu.memory_space<vmem>>, %arg5: memref<1x128xf32, #tpu.memory_space<vmem>>, %arg6: memref<128x8xf32, #tpu.memory_space<vmem>>, %arg7: memref<1x1xf32, #tpu.memory_space<vmem>>, %arg8: memref<1280x128xf32, #tpu.memory_space<vmem>>, %arg9: memref<1280x16xf32, #tpu.memory_space<vmem>>, %arg10: memref<1280x16xf32, #tpu.memory_space<vmem>>, %arg11: memref<1x8xf32, #tpu.memory_space<vmem>>, %arg12: memref<1280x128xf32, #tpu.memory_space<vmem>>, %arg13: memref<1280x16xf32, #tpu.memory_space<vmem>>) attributes {dimension_semantics = [#tpu.dimension_semantics<arbitrary>], iteration_bounds = array<i64: 8>, scalar_prefetch = 0 : i64, scratch_operands = 0 : i64, tpu.core_type = #tpu.core_type<tc>, window_params = [{transform_indices = @transform_0, window_bounds = array<i64: 1280, 128>}, {pipeline_mode = #tpu.pipeline_mode<synchronous>, transform_indices = @transform_1, window_bounds = array<i64: 128, 128>}, {pipeline_mode = #tpu.pipeline_mode<synchronous>, transform_indices = @transform_2, window_bounds = array<i64: 128, 8>}, {pipeline_mode = #tpu.pipeline_mode<synchronous>, transform_indices = @transform_3, window_bounds = array<i64: 128, 8>}, {pipeline_mode = #tpu.pipeline_mode<synchronous>, transform_indices = @transform_4, window_bounds = array<i64: 1, 128>}, {pipeline_mode = #tpu.pipeline_mode<synchronous>, transform_indices = @transform_5, window_bounds = array<i64: 128, 8>}, {pipeline_mode = #tpu.pipeline_mode<synchronous>, transform_indices = @transform_6, window_bounds = array<i64: 1, 1>}, {transform_indices = @transform_7, window_bounds = array<i64: 1280, 128>}, {transform_indices = @transform_8, window_bounds = array<i64: 1280, 16>}, {transform_indices = @transform_9, window_bounds = array<i64: 1280, 16>}, {pipeline_mode = #tpu.pipeline_mode<synchronous>, transform_indices = @transform_10, window_bounds = array<i64: 1, 8>}, {transform_indices = @transform_11, window_bounds = array<i64: 1280, 128>}, {transform_indices = @transform_12, window_bounds = array<i64: 1280, 16>}]} {
    %get3A = arith.constant 0 : index
    %get3A_0 = arith.constant 0 : index
    %get3A_1 = vector.load %arg1[%get3A, %get3A_0] : memref<1280x128xf32, #tpu.memory_space<vmem>>, vector<1280x128xf32>
    %get3A_2 = arith.constant 0 : index
    %get3A_3 = arith.constant 0 : index
    %get3A_4 = vector.load %arg2[%get3A_2, %get3A_3] : memref<128x128xf32, #tpu.memory_space<vmem>>, vector<128x128xf32>
    %dot_general3A = arith.constant dense<0.000000e+00> : vector<1280x128xf32>
    %dot_general3A_5 = tpu.matmul %get3A_1, %get3A_4, %dot_general3A {dimension_numbers = #tpu.dot_dimension_numbers<[1], [0], [0], [1], [0, 0, 1, 1], [], []>, transpose_lhs_hint = false} : vector<1280x128xf32>, vector<128x128xf32>, vector<1280x128xf32> -> vector<1280x128xf32>
    %swap3A = arith.constant 0 : index
    %swap3A_6 = arith.constant 0 : index
    %swap3A_7 = vector.load %arg8[%swap3A, %swap3A_6] : memref<1280x128xf32, #tpu.memory_space<vmem>>, vector<1280x128xf32>
    tpu.vector_store %arg8[%swap3A, %swap3A_6], %dot_general3A_5 {strides = array<i32>} : memref<1280x128xf32, #tpu.memory_space<vmem>>, vector<1280x128xf32>,
    %get3A_8 = arith.constant 0 : index
    %get3A_9 = arith.constant 0 : index
    %get3A_10 = vector.load %arg3[%get3A_8, %get3A_9] : memref<128x8xf32, #tpu.memory_space<vmem>>, vector<128x8xf32>
    %dot_general3A_11 = arith.constant dense<0.000000e+00> : vector<1280x8xf32>
    %dot_general3A_12 = tpu.matmul %dot_general3A_5, %get3A_10, %dot_general3A_11 {dimension_numbers = #tpu.dot_dimension_numbers<[1], [0], [0], [1], [0, 0, 1, 1], [], []>, transpose_lhs_hint = false} : vector<1280x128xf32>, vector<128x8xf32>, vector<1280x8xf32> -> vector<1280x8xf32>
    %get3A_13 = arith.constant 0 : index
    %get3A_14 = arith.constant 0 : index
    %get3A_15 = vector.load %arg4[%get3A_13, %get3A_14] : memref<128x8xf32, #tpu.memory_space<vmem>>, vector<128x8xf32>
    %dot_general3A_16 = arith.constant dense<0.000000e+00> : vector<1280x8xf32>
    %dot_general3A_17 = tpu.matmul %dot_general3A_5, %get3A_15, %dot_general3A_16 {dimension_numbers = #tpu.dot_dimension_numbers<[1], [0], [0], [1], [0, 0, 1, 1], [], []>, transpose_lhs_hint = false} : vector<1280x128xf32>, vector<128x8xf32>, vector<1280x8xf32> -> vector<1280x8xf32>
    %concatenate3A = tpu.concatenate %dot_general3A_12, %dot_general3A_12 in 1 : vector<1280x8xf32>, vector<1280x8xf32> -> vector<1280x16xf32>
    %swap3A_18 = arith.constant 0 : index
    %swap3A_19 = arith.constant 0 : index
    %swap3A_20 = vector.load %arg9[%swap3A_18, %swap3A_19] : memref<1280x16xf32, #tpu.memory_space<vmem>>, vector<1280x16xf32>
    tpu.vector_store %arg9[%swap3A_18, %swap3A_19], %concatenate3A {strides = array<i32>} : memref<1280x16xf32, #tpu.memory_space<vmem>>, vector<1280x16xf32>,
    %concatenate3A_21 = tpu.concatenate %dot_general3A_17, %dot_general3A_17 in 1 : vector<1280x8xf32>, vector<1280x8xf32> -> vector<1280x16xf32>
    %swap3A_22 = arith.constant 0 : index
    %swap3A_23 = arith.constant 0 : index
    %swap3A_24 = vector.load %arg10[%swap3A_22, %swap3A_23] : memref<1280x16xf32, #tpu.memory_space<vmem>>, vector<1280x16xf32>
    tpu.vector_store %arg10[%swap3A_22, %swap3A_23], %concatenate3A_21 {strides = array<i32>} : memref<1280x16xf32, #tpu.memory_space<vmem>>, vector<1280x16xf32>,
    %get3A_25 = arith.constant 0 : index
    %get3A_26 = arith.constant 0 : index
    %get3A_27 = vector.load %arg5[%get3A_25, %get3A_26] : memref<1x128xf32, #tpu.memory_space<vmem>>, vector<1x128xf32>
    %get3A_28 = arith.constant 0 : index
    %get3A_29 = arith.constant 0 : index
    %get3A_30 = vector.load %arg6[%get3A_28, %get3A_29] : memref<128x8xf32, #tpu.memory_space<vmem>>, vector<128x8xf32>
    %dot_general3A_31 = arith.constant dense<0.000000e+00> : vector<1x8xf32>
    %dot_general3A_32 = tpu.matmul %get3A_27, %get3A_30, %dot_general3A_31 {dimension_numbers = #tpu.dot_dimension_numbers<[1], [0], [0], [1], [0, 0, 1, 1], [], []>, transpose_lhs_hint = false} : vector<1x128xf32>, vector<128x8xf32>, vector<1x8xf32> -> vector<1x8xf32>
    %swap3A_33 = arith.constant 0 : index
    %swap3A_34 = arith.constant 0 : index
    %swap3A_35 = vector.load %arg11[%swap3A_33, %swap3A_34] : memref<1x8xf32, #tpu.memory_space<vmem>>, vector<1x8xf32>
    tpu.vector_store %arg11[%swap3A_33, %swap3A_34], %dot_general3A_32 {strides = array<i32>} : memref<1x8xf32, #tpu.memory_space<vmem>>, vector<1x8xf32>,
    %add3A = arith.addf %dot_general3A_12, %dot_general3A_17 : vector<1280x8xf32>
    %get3A_36 = arith.constant 0 : index
    %get3A_37 = arith.constant 0 : index
    %get3A_38 = vector.load %arg7[%get3A_36, %get3A_37] : memref<1x1xf32, #tpu.memory_space<vmem>>, vector<1x1xf32>
    %get3A_39 = vector.extract %get3A_38[0, 0] : f32 from vector<1x1xf32>
    %mul3A = vector.broadcast %get3A_39 : f32 to vector<1x8xf32>
    %mul3A_40 = arith.mulf %mul3A, %dot_general3A_32 : vector<1x8xf32>
    %add3A_41 = vector.broadcast %mul3A_40 : vector<1x8xf32> to vector<1280x8xf32>
    %add3A_42 = arith.addf %add3A, %add3A_41 : vector<1280x8xf32>
    %mul3A_43 = arith.constant 2.000000e-01 : f32
    %mul3A_44 = vector.broadcast %mul3A_43 : f32 to vector<1280x8xf32>
    %mul3A_45 = arith.mulf %mul3A_44, %add3A_42 : vector<1280x8xf32>
    %max3A = arith.maximumf %add3A_42, %mul3A_45 : vector<1280x8xf32>
    %exp3A = math.exp %max3A : vector<1280x8xf32>
    %get3A_46 = arith.constant 0 : index
    %get3A_47 = arith.constant 0 : index
    %get3A_48 = vector.load %arg6[%get3A_46, %get3A_47] : memref<128x8xf32, #tpu.memory_space<vmem>>, vector<128x8xf32>
    %transpose3A = tpu.transpose %get3A_48, [1, 0] : vector<128x8xf32> -> vector<8x128xf32>
    %dot_general3A_49 = arith.constant dense<0.000000e+00> : vector<1280x128xf32>
    %dot_general3A_50 = tpu.matmul %exp3A, %transpose3A, %dot_general3A_49 {dimension_numbers = #tpu.dot_dimension_numbers<[1], [0], [0], [1], [0, 0, 1, 1], [], []>, transpose_lhs_hint = false} : vector<1280x8xf32>, vector<8x128xf32>, vector<1280x128xf32> -> vector<1280x128xf32>
    %mul3A_51 = arith.constant 5.000000e-01 : f32
    %mul3A_52 = vector.broadcast %mul3A_51 : f32 to vector<1280x128xf32>
    %mul3A_53 = arith.mulf %mul3A_52, %dot_general3A_5 : vector<1280x128xf32>
    %mul3A_54 = arith.mulf %mul3A_53, %dot_general3A_50 : vector<1280x128xf32>
    %swap3A_55 = arith.constant 0 : index
    %swap3A_56 = arith.constant 0 : index
    %swap3A_57 = vector.load %arg12[%swap3A_55, %swap3A_56] : memref<1280x128xf32, #tpu.memory_space<vmem>>, vector<1280x128xf32>
    tpu.vector_store %arg12[%swap3A_55, %swap3A_56], %mul3A_54 {strides = array<i32>} : memref<1280x128xf32, #tpu.memory_space<vmem>>, vector<1280x128xf32>,
    %concatenate3A_58 = tpu.concatenate %exp3A, %exp3A in 1 : vector<1280x8xf32>, vector<1280x8xf32> -> vector<1280x16xf32>
    %mul3A_59 = arith.constant 5.000000e-01 : f32
    %mul3A_60 = vector.broadcast %mul3A_59 : f32 to vector<1280x16xf32>
    %mul3A_61 = arith.mulf %mul3A_60, %concatenate3A_58 : vector<1280x16xf32>
    %swap3A_62 = arith.constant 0 : index
    %swap3A_63 = arith.constant 0 : index
    %swap3A_64 = vector.load %arg13[%swap3A_62, %swap3A_63] : memref<1280x16xf32, #tpu.memory_space<vmem>>, vector<1280x16xf32>
    tpu.vector_store %arg13[%swap3A_62, %swap3A_63], %mul3A_61 {strides = array<i32>} : memref<1280x16xf32, #tpu.memory_space<vmem>>, vector<1280x16xf32>,
    return
  }
  func.func @transform_0(%arg0: i32) -> (i32, i32) {
    %c0_i32 = arith.constant 0 : i32
    %c0_i32_0 = arith.constant 0 : i32
    return %arg0, %c0_i32 : i32, i32
  }
  func.func @transform_1(%arg0: i32) -> (i32, i32) {
    %c0_i32 = arith.constant 0 : i32
    %c0_i32_0 = arith.constant 0 : i32
    %c0_i32_1 = arith.constant 0 : i32
    return %c0_i32, %c0_i32_0 : i32, i32
  }
  func.func @transform_2(%arg0: i32) -> (i32, i32) {
    %c0_i32 = arith.constant 0 : i32
    %c0_i32_0 = arith.constant 0 : i32
    %c0_i32_1 = arith.constant 0 : i32
    return %c0_i32, %c0_i32_0 : i32, i32
  }
  func.func @transform_3(%arg0: i32) -> (i32, i32) {
    %c0_i32 = arith.constant 0 : i32
    %c0_i32_0 = arith.constant 0 : i32
    %c0_i32_1 = arith.constant 0 : i32
    return %c0_i32, %c0_i32_0 : i32, i32
  }
  func.func @transform_4(%arg0: i32) -> (i32, i32) {
    %c0_i32 = arith.constant 0 : i32
    %c0_i32_0 = arith.constant 0 : i32
    %c0_i32_1 = arith.constant 0 : i32
    return %c0_i32, %c0_i32_0 : i32, i32
  }
  func.func @transform_5(%arg0: i32) -> (i32, i32) {
    %c0_i32 = arith.constant 0 : i32
    %c0_i32_0 = arith.constant 0 : i32
    %c0_i32_1 = arith.constant 0 : i32
    return %c0_i32, %c0_i32_0 : i32, i32
  }
  func.func @transform_6(%arg0: i32) -> (i32, i32) {
    %c0_i32 = arith.constant 0 : i32
    %c0_i32_0 = arith.constant 0 : i32
    %c0_i32_1 = arith.constant 0 : i32
    return %c0_i32, %c0_i32_0 : i32, i32
  }
  func.func @transform_7(%arg0: i32) -> (i32, i32) {
    %c0_i32 = arith.constant 0 : i32
    %c0_i32_0 = arith.constant 0 : i32
    return %arg0, %c0_i32 : i32, i32
  }
  func.func @transform_8(%arg0: i32) -> (i32, i32) {
    %c0_i32 = arith.constant 0 : i32
    %c0_i32_0 = arith.constant 0 : i32
    return %arg0, %c0_i32 : i32, i32
  }
  func.func @transform_9(%arg0: i32) -> (i32, i32) {
    %c0_i32 = arith.constant 0 : i32
    %c0_i32_0 = arith.constant 0 : i32
    return %arg0, %c0_i32 : i32, i32
  }
  func.func @transform_10(%arg0: i32) -> (i32, i32) {
    %c0_i32 = arith.constant 0 : i32
    %c0_i32_0 = arith.constant 0 : i32
    %c0_i32_1 = arith.constant 0 : i32
    return %c0_i32, %c0_i32_0 : i32, i32
  }
  func.func @transform_11(%arg0: i32) -> (i32, i32) {
    %c0_i32 = arith.constant 0 : i32
    %c0_i32_0 = arith.constant 0 : i32
    return %arg0, %c0_i32 : i32, i32
  }
  func.func @transform_12(%arg0: i32) -> (i32, i32) {
    %c0_i32 = arith.constant 0 : i32
    %c0_i32_0 = arith.constant 0 : i32
    return %arg0, %c0_i32 : i32, i32
  }
}

module attributes {stable_mosaic.version = 14 : i64} {
  func.func @_combine_body(%arg0: i32, %arg1: memref<2x1280x128xf32, #tpu.memory_space<vmem>>, %arg2: memref<2x1280x16xf32, #tpu.memory_space<vmem>>, %arg3: memref<128x8xf32, #tpu.memory_space<vmem>>, %arg4: memref<1x128xf32, #tpu.memory_space<vmem>>, %arg5: memref<1280x128xf32, #tpu.memory_space<vmem>>) attributes {dimension_semantics = [#tpu.dimension_semantics<arbitrary>], iteration_bounds = array<i64: 8>, scalar_prefetch = 0 : i64, scratch_operands = 0 : i64, tpu.core_type = #tpu.core_type<tc>, window_params = [{transform_indices = @transform_0, window_bounds = array<i64: 2, 1280, 128>}, {transform_indices = @transform_1, window_bounds = array<i64: 2, 1280, 16>}, {pipeline_mode = #tpu.pipeline_mode<synchronous>, transform_indices = @transform_2, window_bounds = array<i64: 128, 8>}, {pipeline_mode = #tpu.pipeline_mode<synchronous>, transform_indices = @transform_3, window_bounds = array<i64: 1, 128>}, {transform_indices = @transform_4, window_bounds = array<i64: 1280, 128>}]} {
    %get3A = arith.constant 0 : index
    %get3A_0 = arith.constant 0 : index
    %get3A_1 = arith.constant 0 : index
    %get3A_2 = vector.load %arg2[%get3A, %get3A_0, %get3A_1] : memref<2x1280x16xf32, #tpu.memory_space<vmem>>, vector<1x1280x16xf32>
    %get3A_3 = vector.shape_cast %get3A_2 : vector<1x1280x16xf32> to vector<1280x16xf32>
    %get3A_4 = arith.constant 1 : index
    %get3A_5 = arith.constant 0 : index
    %get3A_6 = arith.constant 0 : index
    %get3A_7 = vector.load %arg2[%get3A_4, %get3A_5, %get3A_6] : memref<2x1280x16xf32, #tpu.memory_space<vmem>>, vector<1x1280x16xf32>
    %get3A_8 = vector.shape_cast %get3A_7 : vector<1x1280x16xf32> to vector<1280x16xf32>
    %add3A = arith.addf %get3A_3, %get3A_8 : vector<1280x16xf32>
    %slice3A = vector.extract_strided_slice %add3A {offsets = [0, 0], sizes = [1280, 8], strides = [1, 1]} : vector<1280x16xf32> to vector<1280x8xf32>
    %get3A_9 = arith.constant 0 : index
    %get3A_10 = arith.constant 0 : index
    %get3A_11 = vector.load %arg3[%get3A_9, %get3A_10] : memref<128x8xf32, #tpu.memory_space<vmem>>, vector<128x8xf32>
    %transpose3A = tpu.transpose %get3A_11, [1, 0] : vector<128x8xf32> -> vector<8x128xf32>
    %dot_general3A = arith.constant dense<0.000000e+00> : vector<1280x128xf32>
    %dot_general3A_12 = tpu.matmul %slice3A, %transpose3A, %dot_general3A {dimension_numbers = #tpu.dot_dimension_numbers<[1], [0], [0], [1], [0, 0, 1, 1], [], []>, transpose_lhs_hint = false} : vector<1280x8xf32>, vector<8x128xf32>, vector<1280x128xf32> -> vector<1280x128xf32>
    %get3A_13 = arith.constant 0 : index
    %get3A_14 = arith.constant 0 : index
    %get3A_15 = arith.constant 0 : index
    %get3A_16 = vector.load %arg1[%get3A_13, %get3A_14, %get3A_15] : memref<2x1280x128xf32, #tpu.memory_space<vmem>>, vector<1x1280x128xf32>
    %get3A_17 = vector.shape_cast %get3A_16 : vector<1x1280x128xf32> to vector<1280x128xf32>
    %get3A_18 = arith.constant 1 : index
    %get3A_19 = arith.constant 0 : index
    %get3A_20 = arith.constant 0 : index
    %get3A_21 = vector.load %arg1[%get3A_18, %get3A_19, %get3A_20] : memref<2x1280x128xf32, #tpu.memory_space<vmem>>, vector<1x1280x128xf32>
    %get3A_22 = vector.shape_cast %get3A_21 : vector<1x1280x128xf32> to vector<1280x128xf32>
    %add3A_23 = arith.addf %get3A_17, %get3A_22 : vector<1280x128xf32>
    %div3A = arith.divf %add3A_23, %dot_general3A_12 : vector<1280x128xf32>
    %get3A_24 = arith.constant 0 : index
    %get3A_25 = arith.constant 0 : index
    %get3A_26 = vector.load %arg4[%get3A_24, %get3A_25] : memref<1x128xf32, #tpu.memory_space<vmem>>, vector<1x128xf32>
    %add3A_27 = vector.broadcast %get3A_26 : vector<1x128xf32> to vector<1280x128xf32>
    %add3A_28 = arith.addf %div3A, %add3A_27 : vector<1280x128xf32>
    %swap3A = arith.constant 0 : index
    %swap3A_29 = arith.constant 0 : index
    %swap3A_30 = vector.load %arg5[%swap3A, %swap3A_29] : memref<1280x128xf32, #tpu.memory_space<vmem>>, vector<1280x128xf32>
    tpu.vector_store %arg5[%swap3A, %swap3A_29], %add3A_28 {strides = array<i32>} : memref<1280x128xf32, #tpu.memory_space<vmem>>, vector<1280x128xf32>,
    return
  }
  func.func @transform_0(%arg0: i32) -> (i32, i32, i32) {
    %c0_i32 = arith.constant 0 : i32
    %c0_i32_0 = arith.constant 0 : i32
    %c0_i32_1 = arith.constant 0 : i32
    return %c0_i32, %arg0, %c0_i32_0 : i32, i32, i32
  }
  func.func @transform_1(%arg0: i32) -> (i32, i32, i32) {
    %c0_i32 = arith.constant 0 : i32
    %c0_i32_0 = arith.constant 0 : i32
    %c0_i32_1 = arith.constant 0 : i32
    return %c0_i32, %arg0, %c0_i32_0 : i32, i32, i32
  }
  func.func @transform_2(%arg0: i32) -> (i32, i32) {
    %c0_i32 = arith.constant 0 : i32
    %c0_i32_0 = arith.constant 0 : i32
    %c0_i32_1 = arith.constant 0 : i32
    return %c0_i32, %c0_i32_0 : i32, i32
  }
  func.func @transform_3(%arg0: i32) -> (i32, i32) {
    %c0_i32 = arith.constant 0 : i32
    %c0_i32_0 = arith.constant 0 : i32
    %c0_i32_1 = arith.constant 0 : i32
    return %c0_i32, %c0_i32_0 : i32, i32
  }
  func.func @transform_4(%arg0: i32) -> (i32, i32) {
    %c0_i32 = arith.constant 0 : i32
    %c0_i32_0 = arith.constant 0 : i32
    return %arg0, %c0_i32 : i32, i32
  }
}

</mosaic_0001>

<sc_bundles>
// kernel: kernel.12.cloned.1.call-start
scs
__scs_entry_jumppad:
0x0: {  	(pc) =	sbr.rel $0x88, $3  }
0x1: {  	(tag) =	ssettag $0x0;
	lr =	simm.s32 $0x1  }
0x2: {  	[smem:$0x3F92] =	sst lr;
	_ =	strace $0xD0000000  }
0x3: {  	_ = 	snop  }
0x4: {  	_ = 	snop  }
0x5: {  	_ = 	snop  }
0x6: {  	_ = 	snop  }
0x7: {  	_ = 	snop  }
__scs_overlays_trampoline_lowered:
0x8: {  	[smem:$0x3FA1] =	sst s0  }
0x9: {  	[smem:$0x3FA2] =	sst s1  }
0xa: {  	[smem:$0x3FA3] =	sst s2  }
0xb: {  	[smem:$0x3FA4] =	sst s3  }
0xc: {  	[smem:$0x3FA5] =	sst s4  }
0xd: {  	[smem:$0x3FA6] =	sst s5  }
0xe: {  	[smem:$0x3FA7] =	sst s6  }
0xf: {  	[smem:$0x3FA8] =	sst s7  }
0x10: {  	[smem:$0x3FA9] =	sst s8  }
0x11: {  	[smem:$0x3FAA] =	sst s9;
	s0 =	simm.s32 @!p0 $0x0  }
0x12: {  	s1 =	sld [smem:$0x3F90];
	s0 =	simm.s32 @p0 $0x1  }
0x13: {  	[smem:$0x3FAB] =	sst s0;
	s0 =	simm.s32 @!p1 $0x0  }
0x14: {  	s2 =	sld [smem:$0x3F8F];
	s0 =	simm.s32 @p1 $0x1  }
0x15: {  	[smem:$0x3FAC] =	sst s0;
	s0 =	simm.s32 @!p2 $0x0  }
0x16: {  	s3 =	sld [smem:$0x3FDB];
	s0 =	simm.s32 @p2 $0x1  }
0x17: {  	s4 =	simm.s32 $0x1BF5;
	[smem:$0x3FAE] =	sst s0  }
0x18: {  	s0 =	sld [smem:$0x3F91];
	_ =	swait.ge [sflag:s4], $0x0  }
0x19: {  	s7 =	sld [smem:$0x3F92]  }
0x1a: {  	s8 =	sadd.s32 $0xFFFFE003, lr  }
0x1b: {  	s9 =	sadd.s32 $0xFFFFFEF7, lr;
	s5 =	simm.s32 $0xFFFFFFFF;
	p2 =	slt.u32 s8, $0xFFFFF086  }
0x1c: {  	p1 =	slt.u32 s9, $0xF7A;
	s5 =	simm.s32 @!p2 $0x0  }
0x1d: {  	s5 =	simm.s32 @p1 $0x1;
	p0 =	seq.s32 s7, s2  }
0x1e: {  	s7 =	smul.u32 @!p0 $0xF7A, s2;
	p2 =	seq.s32 @!p0 s5, $0x0  }
0x1f: {  	s9 =	smul.u32 $0xF7A, s1;
	s8 =	simm.s32 @!p0 $0x1BF5;
	p2 =	por !p2, p0  }
0x20: {  	[sflag:s8] =	ssyncset.s32 @!p0 $0xFFFFF086;
	s6 =	sadd.s32 @!p0 s3, s7;
	s7 =	simm.s32 @!p0 $0x108  }
0x21: {  	s3 =	sadd.s32 s3, s9;
	s6 =	sadd.s32 @!p0 $0x88, s6;
	s7 =	simm.s32 @p2 $0x1082  }
0x22: {  	[simem:s7], [sflag:s8] =	dma.local @!p0 [hbm:s6], $0xF7A  }
0x23: {  	s9 =	sor.u32 $0xD0000000, s2;
	s6 =	simm.s32 $0x108;
	_ =	swait.ge @!p0 [sflag:s8], $0x0  }
0x24: {  	s3 =	sadd.s32 $0x88, s3;
	s6 =	simm.s32 @!p1 $0x1082;
	[sflag:s4] =	ssyncset.s32 $0xFFFFF086  }
0x25: {  	[simem:s6], [sflag:s4] =	dma.local [hbm:s3], $0xF7A  }
0x26: {  	[smem:$0x3F92] =	sst s1;
	(tag) =	ssettag s2;
	_ =	strace s9  }
0x27: {  	s1 =	sld [smem:$0x3FA2]  }
0x28: {  	s2 =	sld [smem:$0x3FA3]  }
0x29: {  	s4 =	sld [smem:$0x3FA5]  }
0x2a: {  	p0 =	seq.s32 s5, $0x0;
	s5 =	sld [smem:$0x3FA6]  }
0x2b: {  	s6 =	sld [smem:$0x3FA7]  }
0x2c: {  	s7 =	sld [smem:$0x3FA8]  }
0x2d: {  	s3 =	simm.s32 $0x108;
	s8 =	sld [smem:$0x3FA9]  }
0x2e: {  	s3 =	simm.s32 @!p0 $0x1082;
	s9 =	sld [smem:$0x3FAA]  }
0x2f: {  	lr =	sadd.s32 s0, s3;
	s0 =	sld [smem:$0x3FA1]  }
0x30: {  	s3 =	sld [smem:$0x3FA4]  }
0x31: {  	[smem:$0x3FAD] =	sst s10  }
0x32: {  	s10 =	sld [smem:$0x3FAB];
	_ =	sdelay $0x3  }
0x33: {  	p0 =	seq.s32 s10, $0x1;
	s10 =	sld [smem:$0x3FAD];
	_ =	sdelay $0x3  }
0x34: {  	[smem:$0x3FAD] =	sst s10  }
0x35: {  	s10 =	sld [smem:$0x3FAC];
	_ =	sdelay $0x3  }
0x36: {  	p1 =	seq.s32 s10, $0x1;
	s10 =	sld [smem:$0x3FAD];
	_ =	sdelay $0x3  }
0x37: {  	[smem:$0x3FAD] =	sst s10  }
0x38: {  	s10 =	sld [smem:$0x3FAE]  }
0x39: {  	_ = 	snop;
	(pc) =	sbr.ind lr, $3  }
0x3a: {  	_ = 	snop  }
0x3b: {  	_ = 	snop  }
0x3c: {  	p2 =	seq.s32 s10, $0x1;
	s10 =	sld [smem:$0x3FAD]  }
0x3d: {  	_ =	shalt  }
0x3e: {  	_ =	shalt  }
0x3f: {  	_ =	shalt  }
0x40: {  	_ =	shalt  }
0x41: {  	_ =	shalt  }
0x42: {  	_ =	shalt  }
0x43: {  	_ =	shalt  }
0x44: {  	_ =	shalt  }
0x45: {  	_ =	shalt  }
0x46: {  	_ =	shalt  }
0x47: {  	_ =	shalt  }
0x48: {  	_ =	shalt  }
0x49: {  	_ =	shalt  }
0x4a: {  	_ =	shalt  }
0x4b: {  	_ =	shalt  }
0x4c: {  	_ =	shalt  }
0x4d: {  	_ =	shalt  }
0x4e: {  	_ =	shalt  }
0x4f: {  	_ =	shalt  }
0x50: {  	_ =	shalt  }
0x51: {  	_ =	shalt  }
0x52: {  	_ =	shalt  }
0x53: {  	_ =	shalt  }
0x54: {  	_ =	shalt  }
0x55: {  	_ =	shalt  }
0x56: {  	_ =	shalt  }
0x57: {  	_ =	shalt  }
0x58: {  	_ =	shalt  }
0x59: {  	_ =	shalt  }
0x5a: {  	_ =	shalt  }
0x5b: {  	_ =	shalt  }
0x5c: {  	_ =	shalt  }
0x5d: {  	_ =	shalt  }
0x5e: {  	_ =	shalt  }
0x5f: {  	_ =	shalt  }
0x60: {  	_ =	shalt  }
0x61: {  	_ =	shalt  }
0x62: {  	_ =	shalt  }
0x63: {  	_ =	shalt  }
0x64: {  	_ =	shalt  }
0x65: {  	_ =	shalt  }
0x66: {  	_ =	shalt  }
0x67: {  	_ =	shalt  }
0x68: {  	_ =	shalt  }
0x69: {  	_ =	shalt  }
0x6a: {  	_ =	shalt  }
0x6b: {  	_ =	shalt  }
0x6c: {  	_ =	shalt  }
0x6d: {  	_ =	shalt  }
0x6e: {  	_ =	shalt  }
0x6f: {  	_ =	shalt  }
0x70: {  	_ =	shalt  }
0x71: {  	_ =	shalt  }
0x72: {  	_ =	shalt  }
0x73: {  	_ =	shalt  }
0x74: {  	_ =	shalt  }
0x75: {  	_ =	shalt  }
0x76: {  	_ =	shalt  }
0x77: {  	_ =	shalt  }
0x78: {  	_ =	shalt  }
0x79: {  	_ =	shalt  }
0x7a: {  	_ =	shalt  }
0x7b: {  	_ =	shalt  }
0x7c: {  	_ =	shalt  }
0x7d: {  	_ =	shalt  }
0x7e: {  	_ =	shalt  }
0x7f: {  	_ =	shalt  }
0x80: {  	_ =	shalt  }
0x81: {  	_ =	shalt  }
0x82: {  	_ =	shalt  }
0x83: {  	_ =	shalt  }
0x84: {  	_ =	shalt  }
0x85: {  	_ =	shalt  }
0x86: {  	_ =	shalt  }
0x87: {  	_ =	shalt  }
.Lfunc_end0:
.L_simem_size_0:
called_computation.1_lowered:
.L_overlay_start_0:
0x88: {  	s2 =	sld [smem:$0x3FD9]  }
0x89: {  	s3 =	sld [smem:$0x3FFE];
	_ =	sdelay $0x1  }
0x8a: {  	s1 =	srdreg.scid  }
0x8b: {  	s0 =	sand.u32 $0x1, s1  }
0x8c: {  	s17 =	sshll.u32 s0, $0xA;
	s2 =	sadd.s32 s3, s2  }
0x8d: {  	s2 =	sadd.s32 s2, s17  }
0x8e: {  	[smem:$0x3FB9] =	sst s2  }
0x8f: {  	_ = 	snop  }
0x90: {  	s2 =	sld [smem:$0x3FD0];
	(tm) =	ssettm $0x1  }
0x91: {  	s18 =	sld [smem:$0x3FFB];
	_ =	sdelay $0x3  }
0x92: {  	_ =	strace s18  }
0x93: {  	s3 =	sld [smem:$0x3FFC];
	_ =	sdelay $0x3  }
0x94: {  	_ =	strace s3  }
0x95: {  	s3 =	sld [smem:$0x3FFD];
	_ =	sdelay $0x3  }
0x96: {  	_ =	strace s3  }
0x97: {  	_ =	strace $0x8FFFFFFF  }
0x98: {  	s19 =	sld [smem:$0x3FDB];
	_ =	sdelay $0x1  }
0x99: {  	s4 =	simm.s32 $_scs_section_size  }
0x9a: {  	s5 =	simm.s32 $_size__tile_overlayer_lowered;
	s6 =	simm.s32 $_tile_overlayer_lowered  }
0x9b: {  	s22 =	simm.s32 $0x1BFF;
	s21 =	sshll.u32 s6, $0x1;
	s3 =	sadd.s32 s4, s19  }
0x9c: {  	s7 =	simm.s32 $0x0;
	s20 =	sshll.u32 s5, $0x1;
	s5 =	sadd.s32 s21, s3  }
0x9d: {  	[timem:s7], [sflag:s22] =	dma.local [hbm:s5], s20  }
0x9e: {  	_ =	swait.ge [sflag:s22], s20  }
0x9f: {  	s4 =	ssub.s32 $0x0, s20;
	[sflag:s22] =	ssyncset.done $0x0  }
0xa0: {  	[sflag:s22] =	ssyncadd.s32 s4;
	_ =	sdelay $0x1  }
0xa1: {  	s23 =	simm.s32 $0x1B8B  }
0xa2: {  	_ =	swait.ge [sflag:s23], $0x1  }
0xa3: {  	[sflag:s23] =	ssyncset.done $0x0  }
0xa4: {  	s25 =	simm.s32 $0x1B8E;
	s24 =	sld [smem:$0x3FFE];
	[sflag:s23] =	ssyncadd.s32 $0xFFFFFFFF  }
0xa5: {  	s26 =	simm.s32 $execute0_lowered;
	[smem:$0x3FD2] =	sst s25  }
0xa6: {  	s5 =	sshll.u32 s26, $0x1;
	_ =	strace $0x80000049;
	[dreg:$0x1] =	wrdreg $0xFFFFFFFF  }
0xa7: {  	s28 =	simm.s32 $_size_execute0_lowered;
	s3 =	sadd.s32 s3, s5;
	[dreg:$0x0] =	wrdreg $0x0  }
0xa8: {  	s5 =	sshll.u32 s28, $0x1;
	[dreg:$0x2] =	wrdreg s3  }
0xa9: {  	[dreg:$0x3] =	wrdreg s5  }
0xaa: {  	[dreg:$0x4] =	wrdreg $0xC0  }
0xab: {  	_ =	task [dreg:s7], $0x5FFFF  }
0xac: {  	[dreg:$0x1] =	wrdreg $0xFFFFFFFF  }
0xad: {  	[dreg:$0x0] =	wrdreg $0x60  }
0xae: {  	[dreg:$0x2] =	wrdreg s2  }
0xaf: {  	[dreg:$0x3] =	wrdreg s24  }
0xb0: {  	[dreg:$0x4] =	wrdreg $0x59900  }
0xb1: {  	[dreg:$0x5] =	wrdreg $0x199900  }
0xb2: {  	[dreg:$0x6] =	wrdreg $0x9  }
0xb3: {  	_ =	task.clear_ibuf [dreg:s7], $0x7FFFF;
	_ =	strace $0x90000049  }
0xb4: {  	s29 =	simm.s32 $0x9;
	_ =	strace $0x8000004B  }
0xb5: {  	_ =	swait.ge [sflag:s29], $0x1  }
0xb6: {  	[sflag:s29] =	ssyncadd.s32 $0xFFFFFFFF  }
0xb7: {  	_ =	strace $0x9000004B  }
0xb8: {  	_ =	sfence  }
0xb9: {  	s30 =	sld [smem:$0x0];
	_ =	sdelay $0x2  }
0xba: {  	s31 =	sshll.u32 s1, $0xD;
	s1 =	sshrl.u32 s1, $0x2  }
0xbb: {  	s3 =	sand.u32 $0x4000, s31;
	s1 =	sadd.s32 s1, s30  }
0xbc: {  	s0 =	sor.u32 s3, s0;
	s1 =	sshll.u32 s1, $0x11  }
0xbd: {  	s0 =	sor.u32 s1, s0  }
0xbe: {  	s0 =	sadd.s32 $0x8F2B, s0  }
0xbf: {  	[sflag:s0] =	ssyncadd.remote.s32 $0x1  }
0xc0: {  	_ =	sfence.sel $0xFFFF  }
0xc1: {  	[dreg:$0x0] =	wrdreg $0xFFFFFFFF;
	(pc) =	sbr.abs _section_cstart, $3  }
0xc2: {  	[dreg:$0x1] =	wrdreg $0xFFFFFFFF  }
0xc3: {  	_ =	task.clear_ibuf [dreg:s7], $0x2FFFF;
	_ =	strace $0x9FFFFFFF  }
0xc4: {  	(tm) =	ssettm $0x7FFFFFFF  }
0xc5: {  	_ =	shalt  }
tec
execute0_lowered:
.L_overlay_start_1:
0x0: {  	(tag) =	ssettag $0x1  }
0x1: {  	s1 =	rddreg [dreg:$0x0]  }
0x2: {  	s0 =	rddreg [dreg:$0x1]  }
0x3: {  	s2 =	rddreg [dreg:$0x2]  }
0x4: {  	s3 =	rddreg [dreg:$0x3];
	s4 =	simm.s32 $0x0  }
0x5: {  	s19 =	stileid.u32;
	s5 =	srdreg.scid;
	s20 =	simm.s32 $0x4  }
0x6: {  	s28 =	simm.s32 $0x180;
	s29 =	simm.s32 $0x980;
	s30 =	simm.s32 $0x1180  }
0x7: {  	s31 =	simm.s32 $0x5180;
	[smem:$0x7FF] =	sst s4;
	s6 =	sadd.s32 $0x49E00, s0  }
0x8: {  	s7 =	sadd.s32 $0x4200, s0;
	s8 =	sadd.s32 $0x5D800, s0;
	s23 =	smul.u32 $0x14000, s19  }
0x9: {  	s9 =	sadd.s32 $0x44C00, s0;
	s11 =	smul.u32 $0x2800, s19;
	s5 =	sand.u32 $0x1, s5  }
0xa: {  	s10 =	sadd.s32 $0x17C00, s0;
	s12 =	sadd.s32 $0x49C00, s0;
	s25 =	sshll.u32 s19, $0x1  }
0xb: {  	s26 =	sshll.u32 s19, $0x6;
	_ =	strace $0x8000004A;
	s24 =	smul.u32 $0x140000, s5  }
0xc: {  	[dreg:$0x5] =	wrdreg s12;
	s15 =	smul.u32 $0x28000, s5;
	s16 =	ssub.s32 $0x2, s5  }
0xd: {  	s5 =	sor.u32 s5, s25;
	s25 =	simm.s32 $0x2;
	s13 =	sshrl.u32 s23, $0x3  }
0xe: {  	s14 =	sshrl.u32 s11, $0x3;
	s17 =	sshrl.u32 s16, $0x1;
	s4 =	sadd.s32 s23, s2  }
0xf: {  	s13 =	sadd.s32 s13, s0;
	s14 =	sadd.s32 s14, s0;
	s12 =	sadd.s32 s23, s24  }
0x10: {  	s15 =	sadd.s32 s11, s15;
	s18 =	ssub.s32 s16, s17;
	s11 =	sadd.s32 s11, s3  }
0x11: {  	s19 =	sshrl.u32 s4, $0x3;
	s23 =	simm.s32 $0x80;
	s24 =	simm.s32 $0x1  }
0x12: {  	s12 =	sshrl.u32 s12, $0x3;
	s15 =	sshrl.u32 s15, $0x3;
	s13 =	sadd.s32 $0x85800, s13  }
0x13: {  	s14 =	sadd.s32 $0x3FC00, s14;
	s18 =	smax.u32 s18, $0x1;
	s21 =	sshrl.u32 s11, $0x3  }
0x14: {  	s12 =	sadd.s32 s12, s0;
	s0 =	sadd.s32 s15, s0;
	[dreg:$0x6] =	wrdreg s13  }
0x15: {  	s13 =	sor.u32 $0x1C04, s26;
	s15 =	smul.u32 $0x4E80, s5;
	s26 =	simm.s32 $0x3  }
0x16: {  	s16 =	sadd.s32 $0xAD800, s12;
	s17 =	sadd.s32 $0x62800, s0;
	s0 =	simm.s32 $0x0  }
.LBB2_1:
0x17: {  	s4 =	rddreg [dreg:$0x6]  }
0x18: {  	[spmem:s19], [sflag:s13] =	dma.local [hbm:s4], $0x2800  }
0x19: {  	_ =	swait.ge [sflag:s20], $0x2800  }
0x1a: {  	[sflag:s20] =	ssyncset.done $0x0  }
0x1b: {  	[sflag:s20] =	ssyncadd.s32 $0xFFFFD800  }
0x1c: {  	[spmem:s21], [sflag:s13] =	dma.local [hbm:s14], $0x500  }
0x1d: {  	_ =	swait.ge [sflag:s20], $0x500  }
0x1e: {  	s22 =	simm.s32 $0x0;
	[sflag:s20] =	ssyncset.done $0x0  }
0x1f: {  	s11 =	simm.s32 $0x5980;
	s5 =	rddreg [dreg:$0x5];
	[sflag:s20] =	ssyncadd.s32 $0xFFFFFB00  }
0x20: {  	[tilespmem:s11], [sflag:$0x4] =	stream.linear.gather [hbm4b:s5+s22], $0x10, $0x38;
	[tilespmem:$0x1C190] =	vst v63  }
0x21: {  	_ =	swait.ge [sflag:s20], $0x10  }
0x22: {  	[sflag:s20] =	ssyncset.done $0x0  }
0x23: {  	[sflag:s20] =	ssyncadd.s32 $0xFFFFFFF0  }
0x24: {  	[bflag:$0x0] =	sbarrier.arrive $0xFFFF  }
0x25: {  	s5 =	simm.s32 $0x0;
	v0 =	vld [tilespmem:$0x5980]  }
.LBB2_2:
0x26: {  	s4 =	sshll.u32 s5, $0x7  }
0x27: {  	s4 =	sadd.s32 s15, s4  }
0x28: {  	s4 =	sshrl.u32 s4, $0x3  }
0x29: {  	s12 =	simm.s32 $0x0;
	s11 =	sadd.s32 s1, s4  }
0x2a: {  	[tilespmem:s12], [sflag:$0x1] =	stream.linear.gather [hbm4b:s11+s12], $0x80, $0x38;
	[tilespmem:$0x1C190] =	vst v63  }
0x2b: {  	s22 =	sadd.s32 s6, s4  }
0x2c: {  	[tilespmem:s23], [sflag:$0x2] =	stream.linear.gather [hbm4b:s22+s12], $0x80, $0x38;
	[tilespmem:$0x1C190] =	vst v63  }
0x2d: {  	s4 =	sadd.s32 s7, s4;
	s22 =	simm.s32 $0x100  }
0x2e: {  	[tilespmem:s22], [sflag:$0x3] =	stream.linear.gather [hbm4b:s4+s12], $0x80, $0x38;
	[tilespmem:$0x1C190] =	vst v63  }
0x2f: {  	_ =	swait.ge [sflag:s24], $0x80  }
0x30: {  	[sflag:s24] =	ssyncset.done $0x0  }
0x31: {  	[sflag:s24] =	ssyncadd.s32 $0xFFFFFF80  }
0x32: {  	_ =	swait.ge [sflag:s25], $0x80  }
0x33: {  	[sflag:s25] =	ssyncset.done $0x0  }
0x34: {  	[sflag:s25] =	ssyncadd.s32 $0xFFFFFF80  }
0x35: {  	_ =	swait.ge [sflag:s26], $0x80  }
0x36: {  	[sflag:s26] =	ssyncset.done $0x0  }
0x37: {  	[sflag:s26] =	ssyncadd.s32 $0xFFFFFF80  }
0x38: {  	[tilespmem:s28], [sflag:$0x1] =	stream.indirect.gather [hbm4b:s8+s23], $0x10, s12, s23, $0xb8;
	[tilespmem:$0x1C190] =	vst v63  }
0x39: {  	_ = 	snop  }
0x3a: {  	[tilespmem:s29], [sflag:$0x2] =	stream.indirect.gather [hbm4b:s9+s23], $0x10, s23, s23, $0xb8;
	[tilespmem:$0x1C190] =	vst v63  }
0x3b: {  	_ = 	snop  }
0x3c: {  	[tilespmem:s30], [sflag:$0x3] =	stream.indirect.gather [hbm4b:s10+s23], $0x80, s12, s23, $0xb8;
	[tilespmem:$0x1C190] =	vst v63  }
0x3d: {  	_ =	swait.ge [sflag:s24], $0x800  }
0x3e: {  	[sflag:s24] =	ssyncset.done $0x0  }
0x3f: {  	[sflag:s24] =	ssyncadd.s32 $0xFFFFF800  }
0x40: {  	_ =	swait.ge [sflag:s25], $0x800  }
0x41: {  	[sflag:s25] =	ssyncset.done $0x0  }
0x42: {  	[sflag:s25] =	ssyncadd.s32 $0xFFFFF800  }
0x43: {  	_ =	swait.ge [sflag:s26], $0x4000  }
0x44: {  	[sflag:s26] =	ssyncset.done $0x0  }
0x45: {  	s4 =	simm.s32 $0x0;
	[sflag:s26] =	ssyncadd.s32 $0xFFFFC000  }
0x46: {  	v4 =	vld [tilespmem:s4+$0x180]  }
0x47: {  	v6 =	vld [tilespmem:s4+$0x980]  }
0x48: {  	v3 =	vld [tilespmem:s4+$0x190]  }
0x49: {  	v5 =	vld [tilespmem:s4+$0x990]  }
0x4a: {  	v2 =	vld [tilespmem:s4+$0x1A0]  }
0x4b: {  	s11 =	simm.s32 $0x400;
	v1 =	vld [tilespmem:s22+$0x0]  }
.LBB2_3:
0x4c: {  	p0 =	sne.s32 s11, $0x1C00;
	v7 =	vld [tilespmem:s4+$0x9A0]  }
0x4d: {  	v8 =	vld [tilespmem:s4+$0x1B0]  }
0x4e: {  	v9 =	vld [tilespmem:s4+$0x9B0]  }
0x4f: {  	v10 =	vld [tilespmem:s4+$0x1C0]  }
0x50: {  	v4 =	vadd.f32 v6, v4;
	v6 =	vbroadcast v1, $0x0;
	v11 =	vbroadcast v1, $0x1;
	v12 =	vld [tilespmem:s4+$0x9C0]  }
0x51: {  	v3 =	vadd.f32 v5, v3;
	v5 =	vbroadcast v1, $0x2;
	v13 =	vbroadcast v1, $0x3;
	v14 =	vld [tilespmem:s4+$0x1D0]  }
0x52: {  	v2 =	vadd.f32 v7, v2;
	v6 =	vmul.f32 v6, v0;
	v11 =	vmul.f32 v11, v0;
	v7 =	vld [tilespmem:s4+$0x9D0]  }
0x53: {  	v5 =	vmul.f32 v5, v0;
	v8 =	vadd.f32 v9, v8;
	v9 =	vmul.f32 v13, v0;
	v13 =	vld [tilespmem:s4+$0x1E0]  }
0x54: {  	v4 =	vadd.f32 v4, v6;
	v3 =	vadd.f32 v3, v11;
	v6 =	vbroadcast v1, $0x4;
	v11 =	vld [tilespmem:s4+$0x9E0]  }
0x55: {  	v2 =	vadd.f32 v2, v5;
	v5 =	vadd.f32 v8, v9;
	v8 =	vbroadcast v1, $0x5;
	v9 =	vld [tilespmem:s4+$0x1F0]  }
0x56: {  	v10 =	vadd.f32 v12, v10;
	v15 =	vmul.f32 $2.000000030e-01, v4;
	v16 =	vmul.f32 $2.000000030e-01, v3;
	v12 =	vld [tilespmem:s4+$0x9F0]  }
0x57: {  	v17 =	vmul.f32 $2.000000030e-01, v2;
	v18 =	vmul.f32 $2.000000030e-01, v5;
	v7 =	vadd.f32 v7, v14;
	v14 =	vld [tilespmem:s4+$0x200]  }
0x58: {  	v6 =	vmul.f32 v6, v0;
	v4 =	vmax.f32 v4, v15;
	v3 =	vmax.f32 v3, v16;
	v15 =	vld [tilespmem:s4+$0xA00]  }
0x59: {  	v2 =	vmax.f32 v2, v17;
	v4 =	vmul.f32 $1.442695020e+00, v4;
	v3 =	vmul.f32 $1.442695020e+00, v3;
	v16 =	vld [tilespmem:s4+$0x210]  }
0x5a: {  	v6 =	vadd.f32 v10, v6;
	v2 =	vmul.f32 $1.442695020e+00, v2;
	v5 =	vmax.f32 v5, v18;
	v10 =	vld [tilespmem:s4+$0xA10]  }
0x5b: {  	v11 =	vadd.f32 v11, v13;
	v5 =	vmul.f32 $1.442695020e+00, v5;
	v13 =	vld [tilespmem:s4+$0x220];
	(erf) = vpow2.f32 v4  }
0x5c: {  	v4 =	vmul.f32 $2.000000030e-01, v6;
	v9 =	vadd.f32 v12, v9;
	v12 =	vld [tilespmem:s4+$0xA20];
	(erf) = vpow2.f32 v3  }
0x5d: {  	v3 =	vmul.f32 v8, v0;
	v8 =	vadd.f32 v15, v14;
	(erf) = vpow2.f32 v2  }
0x5e: {  	v2 =	vmax.f32 v6, v4;
	v4 =	vbroadcast v1, $0x6;
	(erf) = vpow2.f32 v5  }
0x5f: {  	v2 =	vmul.f32 $1.442695020e+00, v2;
	v3 =	vadd.f32 v7, v3;
	v5 =	vbroadcast v1, $0x7  }
0x60: {  	v6 =	vbroadcast v1, $0x8;
	v4 =	vmul.f32 v4, v0;
	v7 =	vadd.f32 v10, v16  }
0x61: {  	v10 =	vmul.f32 $2.000000030e-01, v3;
	v12 =	vadd.f32 v12, v13;
	(erf) = vpow2.f32 v2  }
0x62: {  	v2 =	vadd.f32 v11, v4;
	v4 =	vmul.f32 v5, v0;
	v5 =	vmul.f32 v6, v0  }
0x63: {  	v14 =	vbroadcast v1, $0xA;
	v6 =	vbroadcast v1, $0x9;
	v3 =	vmax.f32 v3, v10  }
0x64: {  	v3 =	vmul.f32 $1.442695020e+00, v3;
	v11 =	vmul.f32 $2.000000030e-01, v2;
	v4 =	vadd.f32 v9, v4;
	v9 =	vpop (erf)  }
0x65: {  	v5 =	vadd.f32 v8, v5;
	v6 =	vmul.f32 v6, v0;
	v8 =	vmul.f32 v14, v0;
	[tilespmem:s4+$0x5180] =	vst v9;
	v9 =	vld [tilespmem:s4+$0x230];
	v10 =	vpop (erf)  }
0x66: {  	v2 =	vmax.f32 v2, v11;
	[tilespmem:s4+$0x5190] =	vst v10;
	v10 =	vmul.f32 $2.000000030e-01, v4;
	v11 =	vld [tilespmem:s4+$0xA30];
	v13 =	vpop (erf);
	(erf) = vpow2.f32 v3  }
0x67: {  	v6 =	vadd.f32 v7, v6;
	v2 =	vmul.f32 $1.442695020e+00, v2;
	v3 =	vmul.f32 $2.000000030e-01, v5;
	[tilespmem:s4+$0x51A0] =	vst v13;
	v7 =	vpop (erf)  }
0x68: {  	[tilespmem:s4+$0x51B0] =	vst v7;
	v4 =	vmax.f32 v4, v10;
	v7 =	vadd.f32 v12, v8;
	v8 =	vbroadcast v1, $0xB;
	v10 =	vld [tilespmem:s4+$0x240]  }
0x69: {  	v3 =	vmax.f32 v5, v3;
	v4 =	vmul.f32 $1.442695020e+00, v4;
	v5 =	vld [tilespmem:s4+$0xA40];
	(erf) = vpow2.f32 v2  }
0x6a: {  	v2 =	vmul.f32 $1.442695020e+00, v3;
	v3 =	vmul.f32 $2.000000030e-01, v6;
	v12 =	vld [tilespmem:s4+$0x250];
	v13 =	vpop (erf)  }
0x6b: {  	[tilespmem:s4+$0x51C0] =	vst v13;
	v13 =	vmul.f32 $2.000000030e-01, v7;
	v9 =	vadd.f32 v11, v9;
	v11 =	vld [tilespmem:s4+$0xA50];
	(erf) = vpow2.f32 v4  }
0x6c: {  	v3 =	vmax.f32 v6, v3;
	v4 =	vmul.f32 v8, v0;
	v6 =	vld [tilespmem:s4+$0x260];
	(erf) = vpow2.f32 v2  }
0x6d: {  	v2 =	vmul.f32 $1.442695020e+00, v3;
	v3 =	vmax.f32 v7, v13;
	v7 =	vbroadcast v1, $0xC;
	v8 =	vld [tilespmem:s4+$0xA60]  }
0x6e: {  	v4 =	vadd.f32 v9, v4;
	v9 =	vbroadcast v1, $0xD;
	v3 =	vmul.f32 $1.442695020e+00, v3;
	v13 =	vld [tilespmem:s4+$0x270]  }
0x6f: {  	v5 =	vadd.f32 v5, v10;
	v7 =	vmul.f32 v7, v0;
	v10 =	vld [tilespmem:s4+$0xA70];
	v14 =	vpop (erf);
	(erf) = vpow2.f32 v2  }
0x70: {  	v2 =	vmul.f32 $2.000000030e-01, v4;
	[tilespmem:s4+$0x51D0] =	vst v14;
	v11 =	vadd.f32 v11, v12;
	(erf) = vpow2.f32 v3  }
0x71: {  	v3 =	vadd.f32 v5, v7;
	v5 =	vmul.f32 v9, v0;
	v7 =	vbroadcast v1, $0xE  }
0x72: {  	v2 =	vmax.f32 v4, v2;
	v1 =	vbroadcast v1, $0xF;
	v4 =	vadd.f32 v8, v6;
	v6 =	vpop (erf)  }
0x73: {  	v2 =	vmul.f32 $1.442695020e+00, v2;
	[tilespmem:s4+$0x51E0] =	vst v6;
	v6 =	vmul.f32 $2.000000030e-01, v3;
	v5 =	vadd.f32 v11, v5  }
0x74: {  	v7 =	vmul.f32 v7, v0;
	v1 =	vmul.f32 v1, v0;
	v8 =	vadd.f32 v10, v13;
	v9 =	vpop (erf)  }
0x75: {  	[tilespmem:s4+$0x51F0] =	vst v9;
	v3 =	vmax.f32 v3, v6;
	v6 =	vmul.f32 $2.000000030e-01, v5;
	v9 =	vpop (erf);
	(erf) = vpow2.f32 v2  }
0x76: {  	[tilespmem:s4+$0x5200] =	vst v9;
	v2 =	vmul.f32 $1.442695020e+00, v3;
	v3 =	vadd.f32 v4, v7;
	v1 =	vadd.f32 v8, v1  }
0x77: {  	v4 =	vmax.f32 v5, v6  }
0x78: {  	v4 =	vmul.f32 $1.442695020e+00, v4;
	v5 =	vpop (erf);
	(erf) = vpow2.f32 v2  }
0x79: {  	v2 =	vmul.f32 $2.000000030e-01, v3;
	[tilespmem:s4+$0x5210] =	vst v5;
	v5 =	vmul.f32 $2.000000030e-01, v1;
	v6 =	vpop (erf)  }
0x7a: {  	[tilespmem:s4+$0x5220] =	vst v6;
	(erf) = vpow2.f32 v4  }
0x7b: {  	v2 =	vmax.f32 v3, v2;
	v1 =	vmax.f32 v1, v5  }
0x7c: {  	v2 =	vmul.f32 $1.442695020e+00, v2;
	v1 =	vmul.f32 $1.442695020e+00, v1;
	_ =	sdelay $0x1  }
0x7d: {  	v3 =	vpop (erf);
	(erf) = vpow2.f32 v2  }
0x7e: {  	[tilespmem:s4+$0x5230] =	vst v3;
	(erf) = vpow2.f32 v1;
	_ =	sdelay $0x1  }
0x7f: {  	v1 =	vpop (erf)  }
0x80: {  	[tilespmem:s4+$0x5240] =	vst v1  }
0x81: {  	v1 =	vpop (erf)  }
0x82: {  	s12 =	sshra.s32 s11, $0x2;
	[tilespmem:s4+$0x5250] =	vst v1  }
0x83: {  	v4 =	vld [tilespmem:s12+$0x180]  }
.Ltmp0:
0x84: {  	v6 =	vld [tilespmem:s12+$0x980];
	(pc) =	sbr.rel @p0 .LBB2_3-.Ltmp0, $4  }
0x85: {  	v3 =	vld [tilespmem:s12+$0x190];
	v1 =	vpop (erf)  }
0x86: {  	v5 =	vld [tilespmem:s12+$0x990];
	[tilespmem:s4+$0x5260] =	vst v1;
	v1 =	vpop (erf)  }
0x87: {  	s22 =	sadd.s32 $0x10, s22;
	v2 =	vld [tilespmem:s12+$0x1A0];
	[tilespmem:s4+$0x5270] =	vst v1;
	s4 =	smov.u32 s12  }
0x88: {  	s11 =	sadd.s32 $0x400, s11;
	v1 =	vld [tilespmem:s22+$0x0]  }
0x89: {  	_ =	sdelay $0x3  }
0x8a: {  	v4 =	vadd.f32 v6, v4;
	v10 =	vbroadcast v1, $0x0;
	v6 =	vbroadcast v1, $0x1  }
0x8b: {  	v7 =	vld [tilespmem:s4+$0x9A0];
	v3 =	vadd.f32 v5, v3;
	v5 =	vbroadcast v1, $0x2;
	v13 =	vbroadcast v1, $0x3  }
0x8c: {  	v8 =	vld [tilespmem:s4+$0x1B0];
	v19 =	vbroadcast v1, $0x4;
	v27 =	vbroadcast v1, $0x6  }
0x8d: {  	v9 =	vld [tilespmem:s4+$0x9B0];
	v28 =	vbroadcast v1, $0x7;
	v30 =	vbroadcast v1, $0x8  }
0x8e: {  	v35 =	vbroadcast v1, $0x9;
	v36 =	vbroadcast v1, $0xA  }
0x8f: {  	v11 =	vld [tilespmem:s4+$0x1C0];
	v45 =	vbroadcast v1, $0xB;
	v50 =	vbroadcast v1, $0xC  }
0x90: {  	v12 =	vld [tilespmem:s4+$0x9C0];
	v52 =	vbroadcast v1, $0xD;
	v10 =	vmul.f32 v10, v0  }
0x91: {  	v54 =	vbroadcast v1, $0xE;
	v2 =	vadd.f32 v7, v2;
	v6 =	vmul.f32 v6, v0  }
0x92: {  	v7 =	vadd.f32 v9, v8;
	v5 =	vmul.f32 v5, v0;
	v4 =	vadd.f32 v4, v10  }
0x93: {  	v61 =	vld [tilespmem:s4+$0x1D0];
	v62 =	vmul.f32 v13, v0;
	v22 =	vmul.f32 v19, v0;
	v3 =	vadd.f32 v3, v6  }
0x94: {  	v63 =	vld [tilespmem:s4+$0x9D0];
	v34 =	vmul.f32 v30, v0;
	v2 =	vadd.f32 v2, v5;
	v6 =	vmul.f32 $2.000000030e-01, v4  }
0x95: {  	v14 =	vld [tilespmem:s4+$0x1F0];
	v11 =	vadd.f32 v12, v11;
	v41 =	vmul.f32 v36, v0;
	v20 =	vmul.f32 $2.000000030e-01, v3  }
0x96: {  	v23 =	vld [tilespmem:s4+$0x9F0];
	v7 =	vadd.f32 v7, v62;
	v21 =	vmul.f32 $2.000000030e-01, v2;
	v4 =	vmax.f32 v4, v6  }
0x97: {  	v24 =	vld [tilespmem:s4+$0xA00];
	v9 =	vadd.f32 v11, v22;
	v3 =	vmax.f32 v3, v20;
	v4 =	vmul.f32 $1.442695020e+00, v4  }
0x98: {  	v5 =	vld [tilespmem:s4+$0x1E0];
	v15 =	vmul.f32 $2.000000030e-01, v7;
	v2 =	vmax.f32 v2, v21;
	v3 =	vmul.f32 $1.442695020e+00, v3  }
0x99: {  	v6 =	vld [tilespmem:s4+$0x9E0];
	v2 =	vmul.f32 $1.442695020e+00, v2;
	(erf) = vpow2.f32 v4  }
0x9a: {  	v25 =	vld [tilespmem:s4+$0xA10];
	v26 =	vmul.f32 $2.000000030e-01, v9;
	(erf) = vpow2.f32 v3  }
0x9b: {  	v7 =	vmax.f32 v7, v15;
	v4 =	vld [tilespmem:s4+$0x200];
	(erf) = vpow2.f32 v2;
	v2 =	vbroadcast v1, $0x5  }
0x9c: {  	v16 =	vld [tilespmem:s4+$0x220];
	v10 =	vmul.f32 v27, v0;
	v9 =	vmax.f32 v9, v26;
	v7 =	vmul.f32 $1.442695020e+00, v7  }
0x9d: {  	v8 =	vadd.f32 v63, v61;
	v9 =	vmul.f32 $1.442695020e+00, v9;
	v3 =	vld [tilespmem:s4+$0x210];
	v2 =	vmul.f32 v2, v0  }
0x9e: {  	v5 =	vadd.f32 v6, v5;
	v6 =	vadd.f32 v23, v14;
	(erf) = vpow2.f32 v7;
	v7 =	vld [tilespmem:s4+$0xA20]  }
0x9f: {  	v1 =	vbroadcast v1, $0xF;
	v2 =	vadd.f32 v8, v2;
	v8 =	vmul.f32 v28, v0  }
0xa0: {  	v32 =	vld [tilespmem:s4+$0x230];
	(erf) = vpow2.f32 v9;
	v5 =	vadd.f32 v5, v10;
	v4 =	vadd.f32 v24, v4  }
0xa1: {  	v37 =	vld [tilespmem:s4+$0xA30];
	v9 =	vmul.f32 v35, v0;
	v31 =	vmul.f32 $2.000000030e-01, v2;
	v6 =	vadd.f32 v6, v8  }
0xa2: {  	v46 =	vld [tilespmem:s4+$0x250];
	v3 =	vadd.f32 v25, v3;
	v39 =	vmul.f32 $2.000000030e-01, v5;
	v4 =	vadd.f32 v4, v34  }
0xa3: {  	v51 =	vld [tilespmem:s4+$0x270];
	v7 =	vadd.f32 v7, v16;
	v2 =	vmax.f32 v2, v31;
	v42 =	vmul.f32 $2.000000030e-01, v6  }
0xa4: {  	v53 =	vld [tilespmem:s4+$0xA70];
	v5 =	vmax.f32 v5, v39;
	v43 =	vmul.f32 $2.000000030e-01, v4;
	v2 =	vmul.f32 $1.442695020e+00, v2  }
0xa5: {  	v48 =	vld [tilespmem:s4+$0xA50];
	v5 =	vmul.f32 $1.442695020e+00, v5;
	v7 =	vadd.f32 v7, v41;
	v6 =	vmax.f32 v6, v42  }
0xa6: {  	v44 =	vld [tilespmem:s4+$0xA40];
	v29 =	vpop (erf);
	v4 =	vmax.f32 v4, v43;
	(erf) = vpow2.f32 v2;
	v6 =	vmul.f32 $1.442695020e+00, v6  }
0xa7: {  	v3 =	vadd.f32 v3, v9;
	v33 =	vpop (erf);
	v4 =	vmul.f32 $1.442695020e+00, v4;
	v2 =	vld [tilespmem:s4+$0x240];
	(erf) = vpow2.f32 v5  }
0xa8: {  	v38 =	vpop (erf);
	v49 =	vmul.f32 $2.000000030e-01, v7;
	(erf) = vpow2.f32 v6;
	v6 =	vld [tilespmem:s4+$0x260]  }
0xa9: {  	v56 =	vadd.f32 v53, v51;
	v40 =	vpop (erf);
	v5 =	vmul.f32 $2.000000030e-01, v3;
	(erf) = vpow2.f32 v4;
	v4 =	vld [tilespmem:s4+$0xA60]  }
0xaa: {  	v11 =	vadd.f32 v37, v32;
	v10 =	vadd.f32 v48, v46;
	v1 =	vmul.f32 v1, v0  }
0xab: {  	v7 =	vmax.f32 v7, v49;
	v3 =	vmax.f32 v3, v5;
	v5 =	vmul.f32 v45, v0  }
0xac: {  	v8 =	vmul.f32 v50, v0;
	v7 =	vmul.f32 $1.442695020e+00, v7;
	v2 =	vadd.f32 v44, v2  }
0xad: {  	v3 =	vmul.f32 $1.442695020e+00, v3;
	v5 =	vadd.f32 v11, v5;
	v11 =	vmul.f32 v52, v0  }
0xae: {  	v2 =	vadd.f32 v2, v8;
	v4 =	vadd.f32 v4, v6;
	v6 =	vmul.f32 v54, v0  }
0xaf: {  	v47 =	vpop (erf);
	(erf) = vpow2.f32 v3;
	v3 =	vmul.f32 $2.000000030e-01, v5;
	v55 =	vadd.f32 v10, v11  }
0xb0: {  	(erf) = vpow2.f32 v7;
	v7 =	vmul.f32 $2.000000030e-01, v2;
	v4 =	vadd.f32 v4, v6  }
0xb1: {  	v1 =	vadd.f32 v56, v1;
	v3 =	vmax.f32 v5, v3;
	v5 =	vmul.f32 $2.000000030e-01, v55  }
0xb2: {  	v3 =	vmul.f32 $1.442695020e+00, v3;
	v2 =	vmax.f32 v2, v7;
	v6 =	vmul.f32 $2.000000030e-01, v4  }
0xb3: {  	v5 =	vmax.f32 v55, v5;
	v7 =	vmul.f32 $2.000000030e-01, v1;
	v2 =	vmul.f32 $1.442695020e+00, v2  }
0xb4: {  	[tilespmem:s4+$0x5180] =	vst v29;
	(erf) = vpow2.f32 v3;
	v3 =	vmul.f32 $1.442695020e+00, v5;
	v4 =	vmax.f32 v4, v6  }
0xb5: {  	[tilespmem:s4+$0x5190] =	vst v33;
	v1 =	vmax.f32 v1, v7;
	(erf) = vpow2.f32 v2;
	v2 =	vmul.f32 $1.442695020e+00, v4  }
0xb6: {  	[tilespmem:s4+$0x51A0] =	vst v38;
	v1 =	vmul.f32 $1.442695020e+00, v1  }
0xb7: {  	[tilespmem:s4+$0x51B0] =	vst v40;
	(erf) = vpow2.f32 v3  }
0xb8: {  	[tilespmem:s4+$0x51C0] =	vst v47;
	v3 =	vpop (erf);
	(erf) = vpow2.f32 v2  }
0xb9: {  	[tilespmem:s4+$0x51D0] =	vst v3;
	v2 =	vpop (erf);
	(erf) = vpow2.f32 v1  }
0xba: {  	v1 =	vpop (erf);
	[tilespmem:s4+$0x51E0] =	vst v2  }
0xbb: {  	v2 =	vpop (erf);
	[tilespmem:s4+$0x51F0] =	vst v1  }
0xbc: {  	v1 =	vpop (erf);
	[tilespmem:s4+$0x5200] =	vst v2  }
0xbd: {  	v2 =	vpop (erf);
	[tilespmem:s4+$0x5210] =	vst v1  }
0xbe: {  	[tilespmem:s4+$0x5220] =	vst v2;
	v1 =	vpop (erf)  }
0xbf: {  	[tilespmem:s4+$0x5230] =	vst v1;
	v1 =	vpop (erf)  }
0xc0: {  	[tilespmem:s4+$0x5240] =	vst v1;
	v1 =	vpop (erf)  }
0xc1: {  	[tilespmem:s4+$0x5250] =	vst v1;
	v1 =	vpop (erf)  }
0xc2: {  	[tilespmem:s4+$0x5260] =	vst v1;
	v1 =	vpop (erf)  }
0xc3: {  	s11 =	simm.s32 $0x5190;
	[tilespmem:s4+$0x5270] =	vst v1  }
0xc4: {  	v3 =	vld [tilespmem:s11+$0xFFFFFFF0]  }
0xc5: {  	s4 =	simm.s32 $0x1200  }
0xc6: {  	v2 =	vld [tilespmem:s4+$0xFFFFFF80]  }
0xc7: {  	v5 =	vld [tilespmem:s4+$0xFFFFFFE0]  }
0xc8: {  	v6 =	vld [tilespmem:s4+$0xFFFFFFA0]  }
0xc9: {  	v7 =	vld [tilespmem:s4+$0xFFFFFFF0];
	v57 =	vbroadcast v3, $0x0  }
0xca: {  	v4 =	vld [tilespmem:s4+$0xFFFFFFB0];
	v59 =	vbroadcast v3, $0x3  }
0xcb: {  	v58 =	vld [tilespmem:s4+$0xFFFFFF90];
	v61 =	vbroadcast v3, $0x1;
	v62 =	vmul.f32 v57, v2  }
0xcc: {  	v60 =	vld [tilespmem:s4+$0xFFFFFFD0];
	v5 =	vmul.f32 v5, v59  }
0xcd: {  	v63 =	vld [tilespmem:s4+$0xFFFFFFC0];
	v6 =	vmul.f32 v6, v61;
	[tilespmem:s4+$0xFFFFFF80] =	vst v62  }
0xce: {  	v7 =	vmul.f32 v7, v59;
	[tilespmem:s4+$0xFFFFFFE0] =	vst v5  }
0xcf: {  	v3 =	vbroadcast v3, $0x2;
	v4 =	vmul.f32 v4, v61;
	[tilespmem:s4+$0xFFFFFFA0] =	vst v6  }
0xd0: {  	v5 =	vmul.f32 v58, v57;
	[tilespmem:s4+$0xFFFFFFF0] =	vst v7  }
0xd1: {  	v6 =	vmul.f32 v60, v3;
	[tilespmem:s4+$0xFFFFFFB0] =	vst v4  }
0xd2: {  	v1 =	vld [tilespmem:s4+$0x0];
	v3 =	vmul.f32 v63, v3;
	[tilespmem:s4+$0xFFFFFF90] =	vst v5  }
0xd3: {  	v2 =	vld [tilespmem:s4+$0x10];
	[tilespmem:s4+$0xFFFFFFD0] =	vst v6  }
0xd4: {  	v4 =	vld [tilespmem:s4+$0x40];
	[tilespmem:s4+$0xFFFFFFC0] =	vst v3  }
0xd5: {  	v5 =	vld [tilespmem:s11+$0x0]  }
0xd6: {  	s22 =	simm.s32 $0x0;
	s12 =	simm.s32 $0x1200;
	v3 =	vld [tilespmem:s4+$0x70]  }
.LBB2_5:
0xd7: {  	s22 =	sadd.s32 $0x2, s22;
	v6 =	vld [tilespmem:s4+$0x60];
	s11 =	sadd.s32 $0x20, s11;
	s12 =	sadd.s32 $0x100, s12  }
0xd8: {  	p0 =	slt.u32 s22, $0x7E;
	v7 =	vld [tilespmem:s4+$0x50]  }
0xd9: {  	v8 =	vld [tilespmem:s4+$0x20]  }
0xda: {  	v9 =	vbroadcast v5, $0x0;
	v10 =	vbroadcast v5, $0x1;
	v11 =	vld [tilespmem:s4+$0x30]  }
0xdb: {  	v12 =	vbroadcast v5, $0x2;
	v5 =	vbroadcast v5, $0x3  }
0xdc: {  	v1 =	vmul.f32 v9, v1;
	v2 =	vmul.f32 v2, v9  }
0xdd: {  	v4 =	vmul.f32 v4, v12;
	v7 =	vmul.f32 v7, v12  }
0xde: {  	[tilespmem:s4+$0x0] =	vst v1;
	v8 =	vmul.f32 v8, v10;
	v1 =	vmul.f32 v6, v5  }
0xdf: {  	v3 =	vmul.f32 v3, v5;
	v6 =	vmul.f32 v11, v10;
	[tilespmem:s4+$0x40] =	vst v4  }
0xe0: {  	[tilespmem:s4+$0x60] =	vst v1  }
0xe1: {  	[tilespmem:s4+$0x70] =	vst v3  }
0xe2: {  	v1 =	vld [tilespmem:s12+$0x0];
	[tilespmem:s4+$0x20] =	vst v8  }
0xe3: {  	v3 =	vld [tilespmem:s12+$0xFFFFFFB0];
	[tilespmem:s4+$0x50] =	vst v7  }
0xe4: {  	v4 =	vld [tilespmem:s12+$0xFFFFFFD0];
	[tilespmem:s4+$0x10] =	vst v2  }
0xe5: {  	v5 =	vld [tilespmem:s12+$0xFFFFFFF0];
	[tilespmem:s4+$0x30] =	vst v6;
	s4 =	smov.u32 s12  }
0xe6: {  	v2 =	vld [tilespmem:s11+$0xFFFFFFF0]  }
0xe7: {  	v6 =	vld [tilespmem:s12+$0xFFFFFFE0]  }
0xe8: {  	v7 =	vld [tilespmem:s12+$0xFFFFFF80]  }
0xe9: {  	v8 =	vld [tilespmem:s12+$0xFFFFFFA0]  }
0xea: {  	v9 =	vld [tilespmem:s12+$0xFFFFFFC0]  }
0xeb: {  	v10 =	vbroadcast v2, $0x0;
	v11 =	vld [tilespmem:s12+$0xFFFFFF90];
	v12 =	vbroadcast v2, $0x3  }
0xec: {  	v13 =	vbroadcast v2, $0x1;
	v14 =	vbroadcast v2, $0x2;
	v2 =	vld [tilespmem:s12+$0x10]  }
0xed: {  	v7 =	vmul.f32 v10, v7;
	v6 =	vmul.f32 v6, v12  }
0xee: {  	v5 =	vmul.f32 v5, v12;
	v8 =	vmul.f32 v8, v13  }
0xef: {  	v4 =	vmul.f32 v4, v14;
	[tilespmem:s12+$0xFFFFFF80] =	vst v7;
	v7 =	vmul.f32 v9, v14  }
0xf0: {  	v3 =	vmul.f32 v3, v13;
	v9 =	vmul.f32 v11, v10;
	[tilespmem:s12+$0xFFFFFFE0] =	vst v6  }
0xf1: {  	[tilespmem:s12+$0xFFFFFFA0] =	vst v8  }
0xf2: {  	[tilespmem:s12+$0xFFFFFFF0] =	vst v5  }
0xf3: {  	[tilespmem:s12+$0xFFFFFF90] =	vst v9  }
.Ltmp1:
0xf4: {  	[tilespmem:s12+$0xFFFFFFD0] =	vst v4;
	(pc) =	sbr.rel @p0 .LBB2_5-.Ltmp1, $4  }
0xf5: {  	[tilespmem:s12+$0xFFFFFFB0] =	vst v3  }
0xf6: {  	[tilespmem:s12+$0xFFFFFFC0] =	vst v7;
	v4 =	vld [tilespmem:s12+$0x40]  }
0xf7: {  	v5 =	vld [tilespmem:s11+$0x0]  }
0xf8: {  	v3 =	vld [tilespmem:s12+$0x70]  }
0xf9: {  	_ =	sdelay $0x2  }
0xfa: {  	v8 =	vld [tilespmem:s4+$0x20];
	v7 =	vbroadcast v5, $0x0  }
0xfb: {  	v9 =	vbroadcast v5, $0x2  }
0xfc: {  	v6 =	vld [tilespmem:s4+$0x60];
	v11 =	vbroadcast v5, $0x3;
	v1 =	vmul.f32 v7, v1  }
0xfd: {  	v12 =	vld [tilespmem:s4+$0x30];
	v62 =	vbroadcast v5, $0x1;
	v4 =	vmul.f32 v4, v9  }
0xfe: {  	v10 =	vld [tilespmem:s4+$0x50];
	v3 =	vmul.f32 v3, v11;
	[tilespmem:s4+$0x0] =	vst v1  }
0xff: {  	v63 =	vmul.f32 v8, v62;
	[tilespmem:s4+$0x40] =	vst v4  }
0x100: {  	v2 =	vmul.f32 v2, v7;
	[tilespmem:s4+$0x70] =	vst v3  }
0x101: {  	v1 =	vmul.f32 v6, v11;
	[tilespmem:s4+$0x20] =	vst v63  }
0x102: {  	v3 =	vmul.f32 v12, v62;
	[tilespmem:s4+$0x10] =	vst v2  }
0x103: {  	[tilespmem:s4+$0x60] =	vst v1;
	v1 =	vmul.f32 v10, v9  }
0x104: {  	[tilespmem:s4+$0x30] =	vst v3  }
0x105: {  	[tilespmem:s4+$0x50] =	vst v1  }
0x106: {  	[spmem:s2] =	stream.indirect.scatter.add.f32 [tilespmem:s30], [sflag:$0x4], $0x80, s23, s23, $0xb8;
	[tilespmem:$0x1C190] =	vst v63  }
0x107: {  	s5 =	sadd.s32 $0x1, s5;
	_ =	swait.ge [sflag:s20], $0x4000  }
0x108: {  	p0 =	sne.s32 s5, $0x9D;
	[sflag:s20] =	ssyncset.done $0x0  }
.Ltmp2:
0x109: {  	[sflag:s20] =	ssyncadd.s32 $0xFFFFC000;
	(pc) =	sbr.rel @p0 .LBB2_2-.Ltmp2, $4  }
0x10a: {  	[spmem:s3] =	stream.indirect.scatter.add.f32 [tilespmem:s31], [sflag:$0x4], $0x10, s23, s23, $0xb8;
	[tilespmem:$0x1C190] =	vst v63  }
0x10b: {  	_ =	swait.ge [sflag:s20], $0x800  }
0x10c: {  	[sflag:s20] =	ssyncset.done $0x0  }
0x10d: {  	[sflag:s20] =	ssyncadd.s32 $0xFFFFF800  }
0x10e: {  	[bflag:$0x0] =	sbarrier.arrive $0xFFFF  }
0x10f: {  	[hbm:s16], [sflag:s13] =	dma.local [spmem:s19], $0x2800  }
0x110: {  	s0 =	sadd.s32 $0x1, s0;
	_ =	swait.ge [sflag:s20], $0x2800  }
0x111: {  	p0 =	sne.s32 s0, s18;
	[sflag:s20] =	ssyncset.done $0x0  }
.Ltmp3:
0x112: {  	[sflag:s20] =	ssyncadd.s32 $0xFFFFD800;
	(pc) =	sbr.rel @p0 .LBB2_1-.Ltmp3, $4  }
0x113: {  	[hbm:s17], [sflag:s13] =	dma.local [spmem:s21], $0x500  }
0x114: {  	_ =	swait.ge [sflag:s20], $0x500  }
0x115: {  	[sflag:s20] =	ssyncset.done $0x0  }
0x116: {  	[sflag:s20] =	ssyncadd.s32 $0xFFFFFB00  }
0x117: {  	_ =	sfence.sel $0x180000  }
0x118: {  	[bflag:$0x0] =	sbarrier.arrive $0xFFFF  }
0x119: {  	_ =	strace $0x9000004A  }
0x11a: {  	s0 =	stileid.u32;
	[bflag:$0x2] =	sbarrier.arrive $0xFFFF  }
0x11b: {  	p0 =	sne.s32 s0, $0x0;
	s0 =	rddreg [dreg:$0x4]  }
0x11c: {  	s0 =	sadd.s32 @!p0 $0x100000, s0  }
0x11d: {  	[sflag:s0] =	ssyncadd.tile.s32 @!p0 $0x1;
	_ =	shalt  }
.Lfunc_end2:
_tile_overlayer_lowered:
.L_overlay_start_2:
0x11e: {  	(tag) =	ssettag $0x2  }
0x11f: {  	s0 =	rddreg [dreg:$0x0];
	s2 =	stileid.u32  }
0x120: {  	s1 =	rddreg [dreg:$0x1];
	p0 =	sne.s32 s2, $0x0  }
0x121: {  	s3 =	rddreg [dreg:$0x2];
	[bflag:$0x3] =	sbarrier.arrive $0xFFFF;
	s2 =	simm.s32 @!p0 $0x1C04  }
0x122: {  	[timem:s3], [sflag:s2] =	dma.local @!p0 [hbm:s0], s1  }
0x123: {  	s0 =	simm.s32 @!p0 $0x4  }
0x124: {  	_ =	swait.ge @!p0 [sflag:s0], s1  }
0x125: {  	s1 =	ssub.s32 @!p0 $0x0, s1;
	[sflag:s0] =	ssyncset.done @!p0 $0x0  }
0x126: {  	[sflag:s0] =	ssyncadd.s32 @!p0 s1  }
0x127: {  	[bflag:$0x3] =	sbarrier.arrive $0xFFFF  }
0x128: {  	_ =	shalt  }

// kernel: kernel.9.cloned.1.call-start
scs
__scs_entry_jumppad:
0x0: {  	(pc) =	sbr.rel $0x88, $3  }
0x1: {  	(tag) =	ssettag $0x0;
	lr =	simm.s32 $0x1  }
0x2: {  	[smem:$0x3F92] =	sst lr;
	_ =	strace $0xD0000000  }
0x3: {  	_ = 	snop  }
0x4: {  	_ = 	snop  }
0x5: {  	_ = 	snop  }
0x6: {  	_ = 	snop  }
0x7: {  	_ = 	snop  }
__scs_overlays_trampoline_lowered:
0x8: {  	[smem:$0x3FA1] =	sst s0  }
0x9: {  	[smem:$0x3FA2] =	sst s1  }
0xa: {  	[smem:$0x3FA3] =	sst s2  }
0xb: {  	[smem:$0x3FA4] =	sst s3  }
0xc: {  	[smem:$0x3FA5] =	sst s4  }
0xd: {  	[smem:$0x3FA6] =	sst s5  }
0xe: {  	[smem:$0x3FA7] =	sst s6  }
0xf: {  	[smem:$0x3FA8] =	sst s7  }
0x10: {  	[smem:$0x3FA9] =	sst s8  }
0x11: {  	[smem:$0x3FAA] =	sst s9;
	s0 =	simm.s32 @!p0 $0x0  }
0x12: {  	s1 =	sld [smem:$0x3F90];
	s0 =	simm.s32 @p0 $0x1  }
0x13: {  	[smem:$0x3FAB] =	sst s0;
	s0 =	simm.s32 @!p1 $0x0  }
0x14: {  	s2 =	sld [smem:$0x3F8F];
	s0 =	simm.s32 @p1 $0x1  }
0x15: {  	[smem:$0x3FAC] =	sst s0;
	s0 =	simm.s32 @!p2 $0x0  }
0x16: {  	s3 =	sld [smem:$0x3FDB];
	s0 =	simm.s32 @p2 $0x1  }
0x17: {  	s4 =	simm.s32 $0x1BF5;
	[smem:$0x3FAE] =	sst s0  }
0x18: {  	s0 =	sld [smem:$0x3F91];
	_ =	swait.ge [sflag:s4], $0x0  }
0x19: {  	s7 =	sld [smem:$0x3F92]  }
0x1a: {  	s8 =	sadd.s32 $0xFFFFE003, lr  }
0x1b: {  	s9 =	sadd.s32 $0xFFFFFEF7, lr;
	s5 =	simm.s32 $0xFFFFFFFF;
	p2 =	slt.u32 s8, $0xFFFFF086  }
0x1c: {  	p1 =	slt.u32 s9, $0xF7A;
	s5 =	simm.s32 @!p2 $0x0  }
0x1d: {  	s5 =	simm.s32 @p1 $0x1;
	p0 =	seq.s32 s7, s2  }
0x1e: {  	s7 =	smul.u32 @!p0 $0xF7A, s2;
	p2 =	seq.s32 @!p0 s5, $0x0  }
0x1f: {  	s9 =	smul.u32 $0xF7A, s1;
	s8 =	simm.s32 @!p0 $0x1BF5;
	p2 =	por !p2, p0  }
0x20: {  	[sflag:s8] =	ssyncset.s32 @!p0 $0xFFFFF086;
	s6 =	sadd.s32 @!p0 s3, s7;
	s7 =	simm.s32 @!p0 $0x108  }
0x21: {  	s3 =	sadd.s32 s3, s9;
	s6 =	sadd.s32 @!p0 $0x88, s6;
	s7 =	simm.s32 @p2 $0x1082  }
0x22: {  	[simem:s7], [sflag:s8] =	dma.local @!p0 [hbm:s6], $0xF7A  }
0x23: {  	s9 =	sor.u32 $0xD0000000, s2;
	s6 =	simm.s32 $0x108;
	_ =	swait.ge @!p0 [sflag:s8], $0x0  }
0x24: {  	s3 =	sadd.s32 $0x88, s3;
	s6 =	simm.s32 @!p1 $0x1082;
	[sflag:s4] =	ssyncset.s32 $0xFFFFF086  }
0x25: {  	[simem:s6], [sflag:s4] =	dma.local [hbm:s3], $0xF7A  }
0x26: {  	[smem:$0x3F92] =	sst s1;
	(tag) =	ssettag s2;
	_ =	strace s9  }
0x27: {  	s1 =	sld [smem:$0x3FA2]  }
0x28: {  	s2 =	sld [smem:$0x3FA3]  }
0x29: {  	s4 =	sld [smem:$0x3FA5]  }
0x2a: {  	p0 =	seq.s32 s5, $0x0;
	s5 =	sld [smem:$0x3FA6]  }
0x2b: {  	s6 =	sld [smem:$0x3FA7]  }
0x2c: {  	s7 =	sld [smem:$0x3FA8]  }
0x2d: {  	s3 =	simm.s32 $0x108;
	s8 =	sld [smem:$0x3FA9]  }
0x2e: {  	s3 =	simm.s32 @!p0 $0x1082;
	s9 =	sld [smem:$0x3FAA]  }
0x2f: {  	lr =	sadd.s32 s0, s3;
	s0 =	sld [smem:$0x3FA1]  }
0x30: {  	s3 =	sld [smem:$0x3FA4]  }
0x31: {  	[smem:$0x3FAD] =	sst s10  }
0x32: {  	s10 =	sld [smem:$0x3FAB];
	_ =	sdelay $0x3  }
0x33: {  	p0 =	seq.s32 s10, $0x1;
	s10 =	sld [smem:$0x3FAD];
	_ =	sdelay $0x3  }
0x34: {  	[smem:$0x3FAD] =	sst s10  }
0x35: {  	s10 =	sld [smem:$0x3FAC];
	_ =	sdelay $0x3  }
0x36: {  	p1 =	seq.s32 s10, $0x1;
	s10 =	sld [smem:$0x3FAD];
	_ =	sdelay $0x3  }
0x37: {  	[smem:$0x3FAD] =	sst s10  }
0x38: {  	s10 =	sld [smem:$0x3FAE]  }
0x39: {  	_ = 	snop;
	(pc) =	sbr.ind lr, $3  }
0x3a: {  	_ = 	snop  }
0x3b: {  	_ = 	snop  }
0x3c: {  	p2 =	seq.s32 s10, $0x1;
	s10 =	sld [smem:$0x3FAD]  }
0x3d: {  	_ =	shalt  }
0x3e: {  	_ =	shalt  }
0x3f: {  	_ =	shalt  }
0x40: {  	_ =	shalt  }
0x41: {  	_ =	shalt  }
0x42: {  	_ =	shalt  }
0x43: {  	_ =	shalt  }
0x44: {  	_ =	shalt  }
0x45: {  	_ =	shalt  }
0x46: {  	_ =	shalt  }
0x47: {  	_ =	shalt  }
0x48: {  	_ =	shalt  }
0x49: {  	_ =	shalt  }
0x4a: {  	_ =	shalt  }
0x4b: {  	_ =	shalt  }
0x4c: {  	_ =	shalt  }
0x4d: {  	_ =	shalt  }
0x4e: {  	_ =	shalt  }
0x4f: {  	_ =	shalt  }
0x50: {  	_ =	shalt  }
0x51: {  	_ =	shalt  }
0x52: {  	_ =	shalt  }
0x53: {  	_ =	shalt  }
0x54: {  	_ =	shalt  }
0x55: {  	_ =	shalt  }
0x56: {  	_ =	shalt  }
0x57: {  	_ =	shalt  }
0x58: {  	_ =	shalt  }
0x59: {  	_ =	shalt  }
0x5a: {  	_ =	shalt  }
0x5b: {  	_ =	shalt  }
0x5c: {  	_ =	shalt  }
0x5d: {  	_ =	shalt  }
0x5e: {  	_ =	shalt  }
0x5f: {  	_ =	shalt  }
0x60: {  	_ =	shalt  }
0x61: {  	_ =	shalt  }
0x62: {  	_ =	shalt  }
0x63: {  	_ =	shalt  }
0x64: {  	_ =	shalt  }
0x65: {  	_ =	shalt  }
0x66: {  	_ =	shalt  }
0x67: {  	_ =	shalt  }
0x68: {  	_ =	shalt  }
0x69: {  	_ =	shalt  }
0x6a: {  	_ =	shalt  }
0x6b: {  	_ =	shalt  }
0x6c: {  	_ =	shalt  }
0x6d: {  	_ =	shalt  }
0x6e: {  	_ =	shalt  }
0x6f: {  	_ =	shalt  }
0x70: {  	_ =	shalt  }
0x71: {  	_ =	shalt  }
0x72: {  	_ =	shalt  }
0x73: {  	_ =	shalt  }
0x74: {  	_ =	shalt  }
0x75: {  	_ =	shalt  }
0x76: {  	_ =	shalt  }
0x77: {  	_ =	shalt  }
0x78: {  	_ =	shalt  }
0x79: {  	_ =	shalt  }
0x7a: {  	_ =	shalt  }
0x7b: {  	_ =	shalt  }
0x7c: {  	_ =	shalt  }
0x7d: {  	_ =	shalt  }
0x7e: {  	_ =	shalt  }
0x7f: {  	_ =	shalt  }
0x80: {  	_ =	shalt  }
0x81: {  	_ =	shalt  }
0x82: {  	_ =	shalt  }
0x83: {  	_ =	shalt  }
0x84: {  	_ =	shalt  }
0x85: {  	_ =	shalt  }
0x86: {  	_ =	shalt  }
0x87: {  	_ =	shalt  }
.Lfunc_end0:
.L_simem_size_0:
called_computation_lowered:
.L_overlay_start_0:
0x88: {  	s2 =	sld [smem:$0x3FD9]  }
0x89: {  	s3 =	sld [smem:$0x3FFE];
	_ =	sdelay $0x1  }
0x8a: {  	s1 =	srdreg.scid  }
0x8b: {  	s0 =	sand.u32 $0x1, s1  }
0x8c: {  	s17 =	sshll.u32 s0, $0xA;
	s2 =	sadd.s32 s3, s2  }
0x8d: {  	s2 =	sadd.s32 s2, s17  }
0x8e: {  	[smem:$0x3FB9] =	sst s2  }
0x8f: {  	_ = 	snop  }
0x90: {  	s2 =	sld [smem:$0x3FD0];
	(tm) =	ssettm $0x1  }
0x91: {  	s18 =	sld [smem:$0x3FFB];
	_ =	sdelay $0x3  }
0x92: {  	_ =	strace s18  }
0x93: {  	s3 =	sld [smem:$0x3FFC];
	_ =	sdelay $0x3  }
0x94: {  	_ =	strace s3  }
0x95: {  	s3 =	sld [smem:$0x3FFD];
	_ =	sdelay $0x3  }
0x96: {  	_ =	strace s3  }
0x97: {  	_ =	strace $0x8FFFFFFF  }
0x98: {  	s19 =	sld [smem:$0x3FDB];
	_ =	sdelay $0x1  }
0x99: {  	s4 =	simm.s32 $_scs_section_size  }
0x9a: {  	s5 =	simm.s32 $_size__tile_overlayer_lowered;
	s6 =	simm.s32 $_tile_overlayer_lowered  }
0x9b: {  	s22 =	simm.s32 $0x1BFF;
	s21 =	sshll.u32 s6, $0x1;
	s3 =	sadd.s32 s4, s19  }
0x9c: {  	s7 =	simm.s32 $0x0;
	s20 =	sshll.u32 s5, $0x1;
	s5 =	sadd.s32 s21, s3  }
0x9d: {  	[timem:s7], [sflag:s22] =	dma.local [hbm:s5], s20  }
0x9e: {  	_ =	swait.ge [sflag:s22], s20  }
0x9f: {  	s4 =	ssub.s32 $0x0, s20;
	[sflag:s22] =	ssyncset.done $0x0  }
0xa0: {  	[sflag:s22] =	ssyncadd.s32 s4;
	_ =	sdelay $0x1  }
0xa1: {  	s23 =	simm.s32 $0x1B8B  }
0xa2: {  	_ =	swait.ge [sflag:s23], $0x1  }
0xa3: {  	[sflag:s23] =	ssyncset.done $0x0  }
0xa4: {  	s25 =	simm.s32 $0x1B8E;
	s24 =	sld [smem:$0x3FFE];
	[sflag:s23] =	ssyncadd.s32 $0xFFFFFFFF  }
0xa5: {  	s26 =	simm.s32 $execute0_lowered;
	[smem:$0x3FD2] =	sst s25  }
0xa6: {  	s5 =	sshll.u32 s26, $0x1;
	_ =	strace $0x80000046;
	[dreg:$0x1] =	wrdreg $0xFFFFFFFF  }
0xa7: {  	s28 =	simm.s32 $_size_execute0_lowered;
	s3 =	sadd.s32 s3, s5;
	[dreg:$0x0] =	wrdreg $0x0  }
0xa8: {  	s5 =	sshll.u32 s28, $0x1;
	[dreg:$0x2] =	wrdreg s3  }
0xa9: {  	[dreg:$0x3] =	wrdreg s5  }
0xaa: {  	[dreg:$0x4] =	wrdreg $0xC0  }
0xab: {  	_ =	task [dreg:s7], $0x5FFFF  }
0xac: {  	[dreg:$0x1] =	wrdreg $0xFFFFFFFF  }
0xad: {  	[dreg:$0x0] =	wrdreg $0x60  }
0xae: {  	[dreg:$0x2] =	wrdreg s2  }
0xaf: {  	[dreg:$0x3] =	wrdreg s24  }
0xb0: {  	[dreg:$0x4] =	wrdreg $0x59900  }
0xb1: {  	[dreg:$0x5] =	wrdreg $0x199900  }
0xb2: {  	[dreg:$0x6] =	wrdreg $0x9  }
0xb3: {  	_ =	task.clear_ibuf [dreg:s7], $0x7FFFF;
	_ =	strace $0x90000046  }
0xb4: {  	s29 =	simm.s32 $0x9;
	_ =	strace $0x80000048  }
0xb5: {  	_ =	swait.ge [sflag:s29], $0x1  }
0xb6: {  	[sflag:s29] =	ssyncadd.s32 $0xFFFFFFFF  }
0xb7: {  	_ =	strace $0x90000048  }
0xb8: {  	_ =	sfence  }
0xb9: {  	s30 =	sld [smem:$0x0];
	_ =	sdelay $0x2  }
0xba: {  	s31 =	sshll.u32 s1, $0xD;
	s1 =	sshrl.u32 s1, $0x2  }
0xbb: {  	s3 =	sand.u32 $0x4000, s31;
	s1 =	sadd.s32 s1, s30  }
0xbc: {  	s0 =	sor.u32 s3, s0;
	s1 =	sshll.u32 s1, $0x11  }
0xbd: {  	s0 =	sor.u32 s1, s0  }
0xbe: {  	s0 =	sadd.s32 $0x8F2B, s0  }
0xbf: {  	[sflag:s0] =	ssyncadd.remote.s32 $0x1  }
0xc0: {  	_ =	sfence.sel $0xFFFF  }
0xc1: {  	[dreg:$0x0] =	wrdreg $0xFFFFFFFF;
	(pc) =	sbr.abs _section_cstart, $3  }
0xc2: {  	[dreg:$0x1] =	wrdreg $0xFFFFFFFF  }
0xc3: {  	_ =	task.clear_ibuf [dreg:s7], $0x2FFFF;
	_ =	strace $0x9FFFFFFF  }
0xc4: {  	(tm) =	ssettm $0x7FFFFFFF  }
0xc5: {  	_ =	shalt  }
tec
execute0_lowered:
.L_overlay_start_1:
0x0: {  	(tag) =	ssettag $0x1  }
0x1: {  	s1 =	rddreg [dreg:$0x0]  }
0x2: {  	s0 =	rddreg [dreg:$0x1]  }
0x3: {  	s2 =	rddreg [dreg:$0x2]  }
0x4: {  	s3 =	rddreg [dreg:$0x3];
	s4 =	simm.s32 $0x0  }
0x5: {  	s19 =	stileid.u32;
	s5 =	srdreg.scid;
	s20 =	simm.s32 $0x4  }
0x6: {  	s28 =	simm.s32 $0x180;
	s29 =	simm.s32 $0x980;
	s30 =	simm.s32 $0x1180  }
0x7: {  	s31 =	simm.s32 $0x5180;
	[smem:$0x7FF] =	sst s4;
	s6 =	sadd.s32 $0x49E00, s0  }
0x8: {  	s7 =	sadd.s32 $0x4200, s0;
	s8 =	sadd.s32 $0x44C00, s0;
	s23 =	smul.u32 $0x14000, s19  }
0x9: {  	s9 =	sadd.s32 $0x3FC00, s0;
	s11 =	smul.u32 $0x2800, s19;
	s5 =	sand.u32 $0x1, s5  }
0xa: {  	s10 =	sadd.s32 $0x17C00, s0;
	s12 =	sadd.s32 $0x49C00, s0;
	s25 =	sshll.u32 s19, $0x1  }
0xb: {  	s26 =	sshll.u32 s19, $0x6;
	_ =	strace $0x80000047;
	s24 =	smul.u32 $0x140000, s5  }
0xc: {  	[dreg:$0x5] =	wrdreg s12;
	s15 =	smul.u32 $0x28000, s5;
	s16 =	ssub.s32 $0x2, s5  }
0xd: {  	s5 =	sor.u32 s5, s25;
	s25 =	simm.s32 $0x2;
	s13 =	sshrl.u32 s23, $0x3  }
0xe: {  	s14 =	sshrl.u32 s11, $0x3;
	s17 =	sshrl.u32 s16, $0x1;
	s4 =	sadd.s32 s23, s2  }
0xf: {  	s13 =	sadd.s32 s13, s0;
	s14 =	sadd.s32 s14, s0;
	s12 =	sadd.s32 s23, s24  }
0x10: {  	s15 =	sadd.s32 s11, s15;
	s18 =	ssub.s32 s16, s17;
	s11 =	sadd.s32 s11, s3  }
0x11: {  	s19 =	sshrl.u32 s4, $0x3;
	s23 =	simm.s32 $0x80;
	s24 =	simm.s32 $0x1  }
0x12: {  	s12 =	sshrl.u32 s12, $0x3;
	s15 =	sshrl.u32 s15, $0x3;
	s13 =	sadd.s32 $0x67C00, s13  }
0x13: {  	s14 =	sadd.s32 $0x8FC00, s14;
	s18 =	smax.u32 s18, $0x1;
	s21 =	sshrl.u32 s11, $0x3  }
0x14: {  	s12 =	sadd.s32 s12, s0;
	s0 =	sadd.s32 s15, s0;
	[dreg:$0x6] =	wrdreg s13  }
0x15: {  	s13 =	sor.u32 $0x1C04, s26;
	s15 =	smul.u32 $0x4E80, s5;
	s26 =	simm.s32 $0x3  }
0x16: {  	s16 =	sadd.s32 $0x94C00, s12;
	s17 =	sadd.s32 $0x5D800, s0;
	s0 =	simm.s32 $0x0  }
.LBB2_1:
0x17: {  	s4 =	rddreg [dreg:$0x6]  }
0x18: {  	[spmem:s19], [sflag:s13] =	dma.local [hbm:s4], $0x2800  }
0x19: {  	_ =	swait.ge [sflag:s20], $0x2800  }
0x1a: {  	[sflag:s20] =	ssyncset.done $0x0  }
0x1b: {  	[sflag:s20] =	ssyncadd.s32 $0xFFFFD800  }
0x1c: {  	[spmem:s21], [sflag:s13] =	dma.local [hbm:s14], $0x500  }
0x1d: {  	_ =	swait.ge [sflag:s20], $0x500  }
0x1e: {  	s22 =	simm.s32 $0x0;
	[sflag:s20] =	ssyncset.done $0x0  }
0x1f: {  	s11 =	simm.s32 $0x5980;
	s5 =	rddreg [dreg:$0x5];
	[sflag:s20] =	ssyncadd.s32 $0xFFFFFB00  }
0x20: {  	[tilespmem:s11], [sflag:$0x4] =	stream.linear.gather [hbm4b:s5+s22], $0x10, $0x38;
	[tilespmem:$0x1C190] =	vst v63  }
0x21: {  	_ =	swait.ge [sflag:s20], $0x10  }
0x22: {  	[sflag:s20] =	ssyncset.done $0x0  }
0x23: {  	[sflag:s20] =	ssyncadd.s32 $0xFFFFFFF0  }
0x24: {  	[bflag:$0x0] =	sbarrier.arrive $0xFFFF  }
0x25: {  	s5 =	simm.s32 $0x0;
	v0 =	vld [tilespmem:$0x5980]  }
.LBB2_2:
0x26: {  	s4 =	sshll.u32 s5, $0x7  }
0x27: {  	s4 =	sadd.s32 s15, s4  }
0x28: {  	s4 =	sshrl.u32 s4, $0x3  }
0x29: {  	s12 =	simm.s32 $0x0;
	s11 =	sadd.s32 s1, s4  }
0x2a: {  	[tilespmem:s12], [sflag:$0x1] =	stream.linear.gather [hbm4b:s11+s12], $0x80, $0x38;
	[tilespmem:$0x1C190] =	vst v63  }
0x2b: {  	s22 =	sadd.s32 s6, s4  }
0x2c: {  	[tilespmem:s23], [sflag:$0x2] =	stream.linear.gather [hbm4b:s22+s12], $0x80, $0x38;
	[tilespmem:$0x1C190] =	vst v63  }
0x2d: {  	s4 =	sadd.s32 s7, s4;
	s22 =	simm.s32 $0x100  }
0x2e: {  	[tilespmem:s22], [sflag:$0x3] =	stream.linear.gather [hbm4b:s4+s12], $0x80, $0x38;
	[tilespmem:$0x1C190] =	vst v63  }
0x2f: {  	_ =	swait.ge [sflag:s24], $0x80  }
0x30: {  	[sflag:s24] =	ssyncset.done $0x0  }
0x31: {  	[sflag:s24] =	ssyncadd.s32 $0xFFFFFF80  }
0x32: {  	_ =	swait.ge [sflag:s25], $0x80  }
0x33: {  	[sflag:s25] =	ssyncset.done $0x0  }
0x34: {  	[sflag:s25] =	ssyncadd.s32 $0xFFFFFF80  }
0x35: {  	_ =	swait.ge [sflag:s26], $0x80  }
0x36: {  	[sflag:s26] =	ssyncset.done $0x0  }
0x37: {  	[sflag:s26] =	ssyncadd.s32 $0xFFFFFF80  }
0x38: {  	[tilespmem:s28], [sflag:$0x1] =	stream.indirect.gather [hbm4b:s8+s23], $0x10, s12, s23, $0xb8;
	[tilespmem:$0x1C190] =	vst v63  }
0x39: {  	_ = 	snop  }
0x3a: {  	[tilespmem:s29], [sflag:$0x2] =	stream.indirect.gather [hbm4b:s9+s23], $0x10, s23, s23, $0xb8;
	[tilespmem:$0x1C190] =	vst v63  }
0x3b: {  	_ = 	snop  }
0x3c: {  	[tilespmem:s30], [sflag:$0x3] =	stream.indirect.gather [hbm4b:s10+s23], $0x80, s12, s23, $0xb8;
	[tilespmem:$0x1C190] =	vst v63  }
0x3d: {  	_ =	swait.ge [sflag:s24], $0x800  }
0x3e: {  	[sflag:s24] =	ssyncset.done $0x0  }
0x3f: {  	[sflag:s24] =	ssyncadd.s32 $0xFFFFF800  }
0x40: {  	_ =	swait.ge [sflag:s25], $0x800  }
0x41: {  	[sflag:s25] =	ssyncset.done $0x0  }
0x42: {  	[sflag:s25] =	ssyncadd.s32 $0xFFFFF800  }
0x43: {  	_ =	swait.ge [sflag:s26], $0x4000  }
0x44: {  	[sflag:s26] =	ssyncset.done $0x0  }
0x45: {  	s4 =	simm.s32 $0x0;
	[sflag:s26] =	ssyncadd.s32 $0xFFFFC000  }
0x46: {  	v4 =	vld [tilespmem:s4+$0x180]  }
0x47: {  	v6 =	vld [tilespmem:s4+$0x980]  }
0x48: {  	v3 =	vld [tilespmem:s4+$0x190]  }
0x49: {  	v5 =	vld [tilespmem:s4+$0x990]  }
0x4a: {  	v2 =	vld [tilespmem:s4+$0x1A0]  }
0x4b: {  	s11 =	simm.s32 $0x400;
	v1 =	vld [tilespmem:s22+$0x0]  }
.LBB2_3:
0x4c: {  	p0 =	sne.s32 s11, $0x1C00;
	v7 =	vld [tilespmem:s4+$0x9A0]  }
0x4d: {  	v8 =	vld [tilespmem:s4+$0x1B0]  }
0x4e: {  	v9 =	vld [tilespmem:s4+$0x9B0]  }
0x4f: {  	v10 =	vld [tilespmem:s4+$0x1C0]  }
0x50: {  	v4 =	vadd.f32 v6, v4;
	v6 =	vbroadcast v1, $0x0;
	v11 =	vbroadcast v1, $0x1;
	v12 =	vld [tilespmem:s4+$0x9C0]  }
0x51: {  	v3 =	vadd.f32 v5, v3;
	v5 =	vbroadcast v1, $0x2;
	v13 =	vbroadcast v1, $0x3;
	v14 =	vld [tilespmem:s4+$0x1D0]  }
0x52: {  	v2 =	vadd.f32 v7, v2;
	v6 =	vmul.f32 v6, v0;
	v11 =	vmul.f32 v11, v0;
	v7 =	vld [tilespmem:s4+$0x9D0]  }
0x53: {  	v5 =	vmul.f32 v5, v0;
	v8 =	vadd.f32 v9, v8;
	v9 =	vmul.f32 v13, v0;
	v13 =	vld [tilespmem:s4+$0x1E0]  }
0x54: {  	v4 =	vadd.f32 v4, v6;
	v3 =	vadd.f32 v3, v11;
	v6 =	vbroadcast v1, $0x4;
	v11 =	vld [tilespmem:s4+$0x9E0]  }
0x55: {  	v2 =	vadd.f32 v2, v5;
	v5 =	vadd.f32 v8, v9;
	v8 =	vbroadcast v1, $0x5;
	v9 =	vld [tilespmem:s4+$0x1F0]  }
0x56: {  	v10 =	vadd.f32 v12, v10;
	v15 =	vmul.f32 $2.000000030e-01, v4;
	v16 =	vmul.f32 $2.000000030e-01, v3;
	v12 =	vld [tilespmem:s4+$0x9F0]  }
0x57: {  	v17 =	vmul.f32 $2.000000030e-01, v2;
	v18 =	vmul.f32 $2.000000030e-01, v5;
	v7 =	vadd.f32 v7, v14;
	v14 =	vld [tilespmem:s4+$0x200]  }
0x58: {  	v6 =	vmul.f32 v6, v0;
	v4 =	vmax.f32 v4, v15;
	v3 =	vmax.f32 v3, v16;
	v15 =	vld [tilespmem:s4+$0xA00]  }
0x59: {  	v2 =	vmax.f32 v2, v17;
	v4 =	vmul.f32 $1.442695020e+00, v4;
	v3 =	vmul.f32 $1.442695020e+00, v3;
	v16 =	vld [tilespmem:s4+$0x210]  }
0x5a: {  	v6 =	vadd.f32 v10, v6;
	v2 =	vmul.f32 $1.442695020e+00, v2;
	v5 =	vmax.f32 v5, v18;
	v10 =	vld [tilespmem:s4+$0xA10]  }
0x5b: {  	v11 =	vadd.f32 v11, v13;
	v5 =	vmul.f32 $1.442695020e+00, v5;
	v13 =	vld [tilespmem:s4+$0x220];
	(erf) = vpow2.f32 v4  }
0x5c: {  	v4 =	vmul.f32 $2.000000030e-01, v6;
	v9 =	vadd.f32 v12, v9;
	v12 =	vld [tilespmem:s4+$0xA20];
	(erf) = vpow2.f32 v3  }
0x5d: {  	v3 =	vmul.f32 v8, v0;
	v8 =	vadd.f32 v15, v14;
	(erf) = vpow2.f32 v2  }
0x5e: {  	v2 =	vmax.f32 v6, v4;
	v4 =	vbroadcast v1, $0x6;
	(erf) = vpow2.f32 v5  }
0x5f: {  	v2 =	vmul.f32 $1.442695020e+00, v2;
	v3 =	vadd.f32 v7, v3;
	v5 =	vbroadcast v1, $0x7  }
0x60: {  	v6 =	vbroadcast v1, $0x8;
	v4 =	vmul.f32 v4, v0;
	v7 =	vadd.f32 v10, v16  }
0x61: {  	v10 =	vmul.f32 $2.000000030e-01, v3;
	v12 =	vadd.f32 v12, v13;
	(erf) = vpow2.f32 v2  }
0x62: {  	v2 =	vadd.f32 v11, v4;
	v4 =	vmul.f32 v5, v0;
	v5 =	vmul.f32 v6, v0  }
0x63: {  	v14 =	vbroadcast v1, $0xA;
	v6 =	vbroadcast v1, $0x9;
	v3 =	vmax.f32 v3, v10  }
0x64: {  	v3 =	vmul.f32 $1.442695020e+00, v3;
	v11 =	vmul.f32 $2.000000030e-01, v2;
	v4 =	vadd.f32 v9, v4;
	v9 =	vpop (erf)  }
0x65: {  	v5 =	vadd.f32 v8, v5;
	v6 =	vmul.f32 v6, v0;
	v8 =	vmul.f32 v14, v0;
	[tilespmem:s4+$0x5180] =	vst v9;
	v9 =	vld [tilespmem:s4+$0x230];
	v10 =	vpop (erf)  }
0x66: {  	v2 =	vmax.f32 v2, v11;
	[tilespmem:s4+$0x5190] =	vst v10;
	v10 =	vmul.f32 $2.000000030e-01, v4;
	v11 =	vld [tilespmem:s4+$0xA30];
	v13 =	vpop (erf);
	(erf) = vpow2.f32 v3  }
0x67: {  	v6 =	vadd.f32 v7, v6;
	v2 =	vmul.f32 $1.442695020e+00, v2;
	v3 =	vmul.f32 $2.000000030e-01, v5;
	[tilespmem:s4+$0x51A0] =	vst v13;
	v7 =	vpop (erf)  }
0x68: {  	[tilespmem:s4+$0x51B0] =	vst v7;
	v4 =	vmax.f32 v4, v10;
	v7 =	vadd.f32 v12, v8;
	v8 =	vbroadcast v1, $0xB;
	v10 =	vld [tilespmem:s4+$0x240]  }
0x69: {  	v3 =	vmax.f32 v5, v3;
	v4 =	vmul.f32 $1.442695020e+00, v4;
	v5 =	vld [tilespmem:s4+$0xA40];
	(erf) = vpow2.f32 v2  }
0x6a: {  	v2 =	vmul.f32 $1.442695020e+00, v3;
	v3 =	vmul.f32 $2.000000030e-01, v6;
	v12 =	vld [tilespmem:s4+$0x250];
	v13 =	vpop (erf)  }
0x6b: {  	[tilespmem:s4+$0x51C0] =	vst v13;
	v13 =	vmul.f32 $2.000000030e-01, v7;
	v9 =	vadd.f32 v11, v9;
	v11 =	vld [tilespmem:s4+$0xA50];
	(erf) = vpow2.f32 v4  }
0x6c: {  	v3 =	vmax.f32 v6, v3;
	v4 =	vmul.f32 v8, v0;
	v6 =	vld [tilespmem:s4+$0x260];
	(erf) = vpow2.f32 v2  }
0x6d: {  	v2 =	vmul.f32 $1.442695020e+00, v3;
	v3 =	vmax.f32 v7, v13;
	v7 =	vbroadcast v1, $0xC;
	v8 =	vld [tilespmem:s4+$0xA60]  }
0x6e: {  	v4 =	vadd.f32 v9, v4;
	v9 =	vbroadcast v1, $0xD;
	v3 =	vmul.f32 $1.442695020e+00, v3;
	v13 =	vld [tilespmem:s4+$0x270]  }
0x6f: {  	v5 =	vadd.f32 v5, v10;
	v7 =	vmul.f32 v7, v0;
	v10 =	vld [tilespmem:s4+$0xA70];
	v14 =	vpop (erf);
	(erf) = vpow2.f32 v2  }
0x70: {  	v2 =	vmul.f32 $2.000000030e-01, v4;
	[tilespmem:s4+$0x51D0] =	vst v14;
	v11 =	vadd.f32 v11, v12;
	(erf) = vpow2.f32 v3  }
0x71: {  	v3 =	vadd.f32 v5, v7;
	v5 =	vmul.f32 v9, v0;
	v7 =	vbroadcast v1, $0xE  }
0x72: {  	v2 =	vmax.f32 v4, v2;
	v1 =	vbroadcast v1, $0xF;
	v4 =	vadd.f32 v8, v6;
	v6 =	vpop (erf)  }
0x73: {  	v2 =	vmul.f32 $1.442695020e+00, v2;
	[tilespmem:s4+$0x51E0] =	vst v6;
	v6 =	vmul.f32 $2.000000030e-01, v3;
	v5 =	vadd.f32 v11, v5  }
0x74: {  	v7 =	vmul.f32 v7, v0;
	v1 =	vmul.f32 v1, v0;
	v8 =	vadd.f32 v10, v13;
	v9 =	vpop (erf)  }
0x75: {  	[tilespmem:s4+$0x51F0] =	vst v9;
	v3 =	vmax.f32 v3, v6;
	v6 =	vmul.f32 $2.000000030e-01, v5;
	v9 =	vpop (erf);
	(erf) = vpow2.f32 v2  }
0x76: {  	[tilespmem:s4+$0x5200] =	vst v9;
	v2 =	vmul.f32 $1.442695020e+00, v3;
	v3 =	vadd.f32 v4, v7;
	v1 =	vadd.f32 v8, v1  }
0x77: {  	v4 =	vmax.f32 v5, v6  }
0x78: {  	v4 =	vmul.f32 $1.442695020e+00, v4;
	v5 =	vpop (erf);
	(erf) = vpow2.f32 v2  }
0x79: {  	v2 =	vmul.f32 $2.000000030e-01, v3;
	[tilespmem:s4+$0x5210] =	vst v5;
	v5 =	vmul.f32 $2.000000030e-01, v1;
	v6 =	vpop (erf)  }
0x7a: {  	[tilespmem:s4+$0x5220] =	vst v6;
	(erf) = vpow2.f32 v4  }
0x7b: {  	v2 =	vmax.f32 v3, v2;
	v1 =	vmax.f32 v1, v5  }
0x7c: {  	v2 =	vmul.f32 $1.442695020e+00, v2;
	v1 =	vmul.f32 $1.442695020e+00, v1;
	_ =	sdelay $0x1  }
0x7d: {  	v3 =	vpop (erf);
	(erf) = vpow2.f32 v2  }
0x7e: {  	[tilespmem:s4+$0x5230] =	vst v3;
	(erf) = vpow2.f32 v1;
	_ =	sdelay $0x1  }
0x7f: {  	v1 =	vpop (erf)  }
0x80: {  	[tilespmem:s4+$0x5240] =	vst v1  }
0x81: {  	v1 =	vpop (erf)  }
0x82: {  	s12 =	sshra.s32 s11, $0x2;
	[tilespmem:s4+$0x5250] =	vst v1  }
0x83: {  	v4 =	vld [tilespmem:s12+$0x180]  }
.Ltmp0:
0x84: {  	v6 =	vld [tilespmem:s12+$0x980];
	(pc) =	sbr.rel @p0 .LBB2_3-.Ltmp0, $4  }
0x85: {  	v3 =	vld [tilespmem:s12+$0x190];
	v1 =	vpop (erf)  }
0x86: {  	v5 =	vld [tilespmem:s12+$0x990];
	[tilespmem:s4+$0x5260] =	vst v1;
	v1 =	vpop (erf)  }
0x87: {  	s22 =	sadd.s32 $0x10, s22;
	v2 =	vld [tilespmem:s12+$0x1A0];
	[tilespmem:s4+$0x5270] =	vst v1;
	s4 =	smov.u32 s12  }
0x88: {  	s11 =	sadd.s32 $0x400, s11;
	v1 =	vld [tilespmem:s22+$0x0]  }
0x89: {  	_ =	sdelay $0x3  }
0x8a: {  	v4 =	vadd.f32 v6, v4;
	v10 =	vbroadcast v1, $0x0;
	v6 =	vbroadcast v1, $0x1  }
0x8b: {  	v7 =	vld [tilespmem:s4+$0x9A0];
	v3 =	vadd.f32 v5, v3;
	v5 =	vbroadcast v1, $0x2;
	v13 =	vbroadcast v1, $0x3  }
0x8c: {  	v8 =	vld [tilespmem:s4+$0x1B0];
	v19 =	vbroadcast v1, $0x4;
	v27 =	vbroadcast v1, $0x6  }
0x8d: {  	v9 =	vld [tilespmem:s4+$0x9B0];
	v28 =	vbroadcast v1, $0x7;
	v30 =	vbroadcast v1, $0x8  }
0x8e: {  	v35 =	vbroadcast v1, $0x9;
	v36 =	vbroadcast v1, $0xA  }
0x8f: {  	v11 =	vld [tilespmem:s4+$0x1C0];
	v45 =	vbroadcast v1, $0xB;
	v50 =	vbroadcast v1, $0xC  }
0x90: {  	v12 =	vld [tilespmem:s4+$0x9C0];
	v52 =	vbroadcast v1, $0xD;
	v10 =	vmul.f32 v10, v0  }
0x91: {  	v54 =	vbroadcast v1, $0xE;
	v2 =	vadd.f32 v7, v2;
	v6 =	vmul.f32 v6, v0  }
0x92: {  	v7 =	vadd.f32 v9, v8;
	v5 =	vmul.f32 v5, v0;
	v4 =	vadd.f32 v4, v10  }
0x93: {  	v61 =	vld [tilespmem:s4+$0x1D0];
	v62 =	vmul.f32 v13, v0;
	v22 =	vmul.f32 v19, v0;
	v3 =	vadd.f32 v3, v6  }
0x94: {  	v63 =	vld [tilespmem:s4+$0x9D0];
	v34 =	vmul.f32 v30, v0;
	v2 =	vadd.f32 v2, v5;
	v6 =	vmul.f32 $2.000000030e-01, v4  }
0x95: {  	v14 =	vld [tilespmem:s4+$0x1F0];
	v11 =	vadd.f32 v12, v11;
	v41 =	vmul.f32 v36, v0;
	v20 =	vmul.f32 $2.000000030e-01, v3  }
0x96: {  	v23 =	vld [tilespmem:s4+$0x9F0];
	v7 =	vadd.f32 v7, v62;
	v21 =	vmul.f32 $2.000000030e-01, v2;
	v4 =	vmax.f32 v4, v6  }
0x97: {  	v24 =	vld [tilespmem:s4+$0xA00];
	v9 =	vadd.f32 v11, v22;
	v3 =	vmax.f32 v3, v20;
	v4 =	vmul.f32 $1.442695020e+00, v4  }
0x98: {  	v5 =	vld [tilespmem:s4+$0x1E0];
	v15 =	vmul.f32 $2.000000030e-01, v7;
	v2 =	vmax.f32 v2, v21;
	v3 =	vmul.f32 $1.442695020e+00, v3  }
0x99: {  	v6 =	vld [tilespmem:s4+$0x9E0];
	v2 =	vmul.f32 $1.442695020e+00, v2;
	(erf) = vpow2.f32 v4  }
0x9a: {  	v25 =	vld [tilespmem:s4+$0xA10];
	v26 =	vmul.f32 $2.000000030e-01, v9;
	(erf) = vpow2.f32 v3  }
0x9b: {  	v7 =	vmax.f32 v7, v15;
	v4 =	vld [tilespmem:s4+$0x200];
	(erf) = vpow2.f32 v2;
	v2 =	vbroadcast v1, $0x5  }
0x9c: {  	v16 =	vld [tilespmem:s4+$0x220];
	v10 =	vmul.f32 v27, v0;
	v9 =	vmax.f32 v9, v26;
	v7 =	vmul.f32 $1.442695020e+00, v7  }
0x9d: {  	v8 =	vadd.f32 v63, v61;
	v9 =	vmul.f32 $1.442695020e+00, v9;
	v3 =	vld [tilespmem:s4+$0x210];
	v2 =	vmul.f32 v2, v0  }
0x9e: {  	v5 =	vadd.f32 v6, v5;
	v6 =	vadd.f32 v23, v14;
	(erf) = vpow2.f32 v7;
	v7 =	vld [tilespmem:s4+$0xA20]  }
0x9f: {  	v1 =	vbroadcast v1, $0xF;
	v2 =	vadd.f32 v8, v2;
	v8 =	vmul.f32 v28, v0  }
0xa0: {  	v32 =	vld [tilespmem:s4+$0x230];
	(erf) = vpow2.f32 v9;
	v5 =	vadd.f32 v5, v10;
	v4 =	vadd.f32 v24, v4  }
0xa1: {  	v37 =	vld [tilespmem:s4+$0xA30];
	v9 =	vmul.f32 v35, v0;
	v31 =	vmul.f32 $2.000000030e-01, v2;
	v6 =	vadd.f32 v6, v8  }
0xa2: {  	v46 =	vld [tilespmem:s4+$0x250];
	v3 =	vadd.f32 v25, v3;
	v39 =	vmul.f32 $2.000000030e-01, v5;
	v4 =	vadd.f32 v4, v34  }
0xa3: {  	v51 =	vld [tilespmem:s4+$0x270];
	v7 =	vadd.f32 v7, v16;
	v2 =	vmax.f32 v2, v31;
	v42 =	vmul.f32 $2.000000030e-01, v6  }
0xa4: {  	v53 =	vld [tilespmem:s4+$0xA70];
	v5 =	vmax.f32 v5, v39;
	v43 =	vmul.f32 $2.000000030e-01, v4;
	v2 =	vmul.f32 $1.442695020e+00, v2  }
0xa5: {  	v48 =	vld [tilespmem:s4+$0xA50];
	v5 =	vmul.f32 $1.442695020e+00, v5;
	v7 =	vadd.f32 v7, v41;
	v6 =	vmax.f32 v6, v42  }
0xa6: {  	v44 =	vld [tilespmem:s4+$0xA40];
	v29 =	vpop (erf);
	v4 =	vmax.f32 v4, v43;
	(erf) = vpow2.f32 v2;
	v6 =	vmul.f32 $1.442695020e+00, v6  }
0xa7: {  	v3 =	vadd.f32 v3, v9;
	v33 =	vpop (erf);
	v4 =	vmul.f32 $1.442695020e+00, v4;
	v2 =	vld [tilespmem:s4+$0x240];
	(erf) = vpow2.f32 v5  }
0xa8: {  	v38 =	vpop (erf);
	v49 =	vmul.f32 $2.000000030e-01, v7;
	(erf) = vpow2.f32 v6;
	v6 =	vld [tilespmem:s4+$0x260]  }
0xa9: {  	v56 =	vadd.f32 v53, v51;
	v40 =	vpop (erf);
	v5 =	vmul.f32 $2.000000030e-01, v3;
	(erf) = vpow2.f32 v4;
	v4 =	vld [tilespmem:s4+$0xA60]  }
0xaa: {  	v11 =	vadd.f32 v37, v32;
	v10 =	vadd.f32 v48, v46;
	v1 =	vmul.f32 v1, v0  }
0xab: {  	v7 =	vmax.f32 v7, v49;
	v3 =	vmax.f32 v3, v5;
	v5 =	vmul.f32 v45, v0  }
0xac: {  	v8 =	vmul.f32 v50, v0;
	v7 =	vmul.f32 $1.442695020e+00, v7;
	v2 =	vadd.f32 v44, v2  }
0xad: {  	v3 =	vmul.f32 $1.442695020e+00, v3;
	v5 =	vadd.f32 v11, v5;
	v11 =	vmul.f32 v52, v0  }
0xae: {  	v2 =	vadd.f32 v2, v8;
	v4 =	vadd.f32 v4, v6;
	v6 =	vmul.f32 v54, v0  }
0xaf: {  	v47 =	vpop (erf);
	(erf) = vpow2.f32 v3;
	v3 =	vmul.f32 $2.000000030e-01, v5;
	v55 =	vadd.f32 v10, v11  }
0xb0: {  	(erf) = vpow2.f32 v7;
	v7 =	vmul.f32 $2.000000030e-01, v2;
	v4 =	vadd.f32 v4, v6  }
0xb1: {  	v1 =	vadd.f32 v56, v1;
	v3 =	vmax.f32 v5, v3;
	v5 =	vmul.f32 $2.000000030e-01, v55  }
0xb2: {  	v3 =	vmul.f32 $1.442695020e+00, v3;
	v2 =	vmax.f32 v2, v7;
	v6 =	vmul.f32 $2.000000030e-01, v4  }
0xb3: {  	v5 =	vmax.f32 v55, v5;
	v7 =	vmul.f32 $2.000000030e-01, v1;
	v2 =	vmul.f32 $1.442695020e+00, v2  }
0xb4: {  	[tilespmem:s4+$0x5180] =	vst v29;
	(erf) = vpow2.f32 v3;
	v3 =	vmul.f32 $1.442695020e+00, v5;
	v4 =	vmax.f32 v4, v6  }
0xb5: {  	[tilespmem:s4+$0x5190] =	vst v33;
	v1 =	vmax.f32 v1, v7;
	(erf) = vpow2.f32 v2;
	v2 =	vmul.f32 $1.442695020e+00, v4  }
0xb6: {  	[tilespmem:s4+$0x51A0] =	vst v38;
	v1 =	vmul.f32 $1.442695020e+00, v1  }
0xb7: {  	[tilespmem:s4+$0x51B0] =	vst v40;
	(erf) = vpow2.f32 v3  }
0xb8: {  	[tilespmem:s4+$0x51C0] =	vst v47;
	v3 =	vpop (erf);
	(erf) = vpow2.f32 v2  }
0xb9: {  	[tilespmem:s4+$0x51D0] =	vst v3;
	v2 =	vpop (erf);
	(erf) = vpow2.f32 v1  }
0xba: {  	v1 =	vpop (erf);
	[tilespmem:s4+$0x51E0] =	vst v2  }
0xbb: {  	v2 =	vpop (erf);
	[tilespmem:s4+$0x51F0] =	vst v1  }
0xbc: {  	v1 =	vpop (erf);
	[tilespmem:s4+$0x5200] =	vst v2  }
0xbd: {  	v2 =	vpop (erf);
	[tilespmem:s4+$0x5210] =	vst v1  }
0xbe: {  	[tilespmem:s4+$0x5220] =	vst v2;
	v1 =	vpop (erf)  }
0xbf: {  	[tilespmem:s4+$0x5230] =	vst v1;
	v1 =	vpop (erf)  }
0xc0: {  	[tilespmem:s4+$0x5240] =	vst v1;
	v1 =	vpop (erf)  }
0xc1: {  	[tilespmem:s4+$0x5250] =	vst v1;
	v1 =	vpop (erf)  }
0xc2: {  	[tilespmem:s4+$0x5260] =	vst v1;
	v1 =	vpop (erf)  }
0xc3: {  	s11 =	simm.s32 $0x5190;
	[tilespmem:s4+$0x5270] =	vst v1  }
0xc4: {  	v3 =	vld [tilespmem:s11+$0xFFFFFFF0]  }
0xc5: {  	s4 =	simm.s32 $0x1200  }
0xc6: {  	v2 =	vld [tilespmem:s4+$0xFFFFFF80]  }
0xc7: {  	v5 =	vld [tilespmem:s4+$0xFFFFFFE0]  }
0xc8: {  	v6 =	vld [tilespmem:s4+$0xFFFFFFA0]  }
0xc9: {  	v7 =	vld [tilespmem:s4+$0xFFFFFFF0];
	v57 =	vbroadcast v3, $0x0  }
0xca: {  	v4 =	vld [tilespmem:s4+$0xFFFFFFB0];
	v59 =	vbroadcast v3, $0x3  }
0xcb: {  	v58 =	vld [tilespmem:s4+$0xFFFFFF90];
	v61 =	vbroadcast v3, $0x1;
	v62 =	vmul.f32 v57, v2  }
0xcc: {  	v60 =	vld [tilespmem:s4+$0xFFFFFFD0];
	v5 =	vmul.f32 v5, v59  }
0xcd: {  	v63 =	vld [tilespmem:s4+$0xFFFFFFC0];
	v6 =	vmul.f32 v6, v61;
	[tilespmem:s4+$0xFFFFFF80] =	vst v62  }
0xce: {  	v7 =	vmul.f32 v7, v59;
	[tilespmem:s4+$0xFFFFFFE0] =	vst v5  }
0xcf: {  	v3 =	vbroadcast v3, $0x2;
	v4 =	vmul.f32 v4, v61;
	[tilespmem:s4+$0xFFFFFFA0] =	vst v6  }
0xd0: {  	v5 =	vmul.f32 v58, v57;
	[tilespmem:s4+$0xFFFFFFF0] =	vst v7  }
0xd1: {  	v6 =	vmul.f32 v60, v3;
	[tilespmem:s4+$0xFFFFFFB0] =	vst v4  }
0xd2: {  	v1 =	vld [tilespmem:s4+$0x0];
	v3 =	vmul.f32 v63, v3;
	[tilespmem:s4+$0xFFFFFF90] =	vst v5  }
0xd3: {  	v2 =	vld [tilespmem:s4+$0x10];
	[tilespmem:s4+$0xFFFFFFD0] =	vst v6  }
0xd4: {  	v4 =	vld [tilespmem:s4+$0x40];
	[tilespmem:s4+$0xFFFFFFC0] =	vst v3  }
0xd5: {  	v5 =	vld [tilespmem:s11+$0x0]  }
0xd6: {  	s22 =	simm.s32 $0x0;
	s12 =	simm.s32 $0x1200;
	v3 =	vld [tilespmem:s4+$0x70]  }
.LBB2_5:
0xd7: {  	s22 =	sadd.s32 $0x2, s22;
	v6 =	vld [tilespmem:s4+$0x60];
	s11 =	sadd.s32 $0x20, s11;
	s12 =	sadd.s32 $0x100, s12  }
0xd8: {  	p0 =	slt.u32 s22, $0x7E;
	v7 =	vld [tilespmem:s4+$0x50]  }
0xd9: {  	v8 =	vld [tilespmem:s4+$0x20]  }
0xda: {  	v9 =	vbroadcast v5, $0x0;
	v10 =	vbroadcast v5, $0x1;
	v11 =	vld [tilespmem:s4+$0x30]  }
0xdb: {  	v12 =	vbroadcast v5, $0x2;
	v5 =	vbroadcast v5, $0x3  }
0xdc: {  	v1 =	vmul.f32 v9, v1;
	v2 =	vmul.f32 v2, v9  }
0xdd: {  	v4 =	vmul.f32 v4, v12;
	v7 =	vmul.f32 v7, v12  }
0xde: {  	[tilespmem:s4+$0x0] =	vst v1;
	v8 =	vmul.f32 v8, v10;
	v1 =	vmul.f32 v6, v5  }
0xdf: {  	v3 =	vmul.f32 v3, v5;
	v6 =	vmul.f32 v11, v10;
	[tilespmem:s4+$0x40] =	vst v4  }
0xe0: {  	[tilespmem:s4+$0x60] =	vst v1  }
0xe1: {  	[tilespmem:s4+$0x70] =	vst v3  }
0xe2: {  	v1 =	vld [tilespmem:s12+$0x0];
	[tilespmem:s4+$0x20] =	vst v8  }
0xe3: {  	v3 =	vld [tilespmem:s12+$0xFFFFFFB0];
	[tilespmem:s4+$0x50] =	vst v7  }
0xe4: {  	v4 =	vld [tilespmem:s12+$0xFFFFFFD0];
	[tilespmem:s4+$0x10] =	vst v2  }
0xe5: {  	v5 =	vld [tilespmem:s12+$0xFFFFFFF0];
	[tilespmem:s4+$0x30] =	vst v6;
	s4 =	smov.u32 s12  }
0xe6: {  	v2 =	vld [tilespmem:s11+$0xFFFFFFF0]  }
0xe7: {  	v6 =	vld [tilespmem:s12+$0xFFFFFFE0]  }
0xe8: {  	v7 =	vld [tilespmem:s12+$0xFFFFFF80]  }
0xe9: {  	v8 =	vld [tilespmem:s12+$0xFFFFFFA0]  }
0xea: {  	v9 =	vld [tilespmem:s12+$0xFFFFFFC0]  }
0xeb: {  	v10 =	vbroadcast v2, $0x0;
	v11 =	vld [tilespmem:s12+$0xFFFFFF90];
	v12 =	vbroadcast v2, $0x3  }
0xec: {  	v13 =	vbroadcast v2, $0x1;
	v14 =	vbroadcast v2, $0x2;
	v2 =	vld [tilespmem:s12+$0x10]  }
0xed: {  	v7 =	vmul.f32 v10, v7;
	v6 =	vmul.f32 v6, v12  }
0xee: {  	v5 =	vmul.f32 v5, v12;
	v8 =	vmul.f32 v8, v13  }
0xef: {  	v4 =	vmul.f32 v4, v14;
	[tilespmem:s12+$0xFFFFFF80] =	vst v7;
	v7 =	vmul.f32 v9, v14  }
0xf0: {  	v3 =	vmul.f32 v3, v13;
	v9 =	vmul.f32 v11, v10;
	[tilespmem:s12+$0xFFFFFFE0] =	vst v6  }
0xf1: {  	[tilespmem:s12+$0xFFFFFFA0] =	vst v8  }
0xf2: {  	[tilespmem:s12+$0xFFFFFFF0] =	vst v5  }
0xf3: {  	[tilespmem:s12+$0xFFFFFF90] =	vst v9  }
.Ltmp1:
0xf4: {  	[tilespmem:s12+$0xFFFFFFD0] =	vst v4;
	(pc) =	sbr.rel @p0 .LBB2_5-.Ltmp1, $4  }
0xf5: {  	[tilespmem:s12+$0xFFFFFFB0] =	vst v3  }
0xf6: {  	[tilespmem:s12+$0xFFFFFFC0] =	vst v7;
	v4 =	vld [tilespmem:s12+$0x40]  }
0xf7: {  	v5 =	vld [tilespmem:s11+$0x0]  }
0xf8: {  	v3 =	vld [tilespmem:s12+$0x70]  }
0xf9: {  	_ =	sdelay $0x2  }
0xfa: {  	v8 =	vld [tilespmem:s4+$0x20];
	v7 =	vbroadcast v5, $0x0  }
0xfb: {  	v9 =	vbroadcast v5, $0x2  }
0xfc: {  	v6 =	vld [tilespmem:s4+$0x60];
	v11 =	vbroadcast v5, $0x3;
	v1 =	vmul.f32 v7, v1  }
0xfd: {  	v12 =	vld [tilespmem:s4+$0x30];
	v62 =	vbroadcast v5, $0x1;
	v4 =	vmul.f32 v4, v9  }
0xfe: {  	v10 =	vld [tilespmem:s4+$0x50];
	v3 =	vmul.f32 v3, v11;
	[tilespmem:s4+$0x0] =	vst v1  }
0xff: {  	v63 =	vmul.f32 v8, v62;
	[tilespmem:s4+$0x40] =	vst v4  }
0x100: {  	v2 =	vmul.f32 v2, v7;
	[tilespmem:s4+$0x70] =	vst v3  }
0x101: {  	v1 =	vmul.f32 v6, v11;
	[tilespmem:s4+$0x20] =	vst v63  }
0x102: {  	v3 =	vmul.f32 v12, v62;
	[tilespmem:s4+$0x10] =	vst v2  }
0x103: {  	[tilespmem:s4+$0x60] =	vst v1;
	v1 =	vmul.f32 v10, v9  }
0x104: {  	[tilespmem:s4+$0x30] =	vst v3  }
0x105: {  	[tilespmem:s4+$0x50] =	vst v1  }
0x106: {  	[spmem:s2] =	stream.indirect.scatter.add.f32 [tilespmem:s30], [sflag:$0x4], $0x80, s23, s23, $0xb8;
	[tilespmem:$0x1C190] =	vst v63  }
0x107: {  	s5 =	sadd.s32 $0x1, s5;
	_ =	swait.ge [sflag:s20], $0x4000  }
0x108: {  	p0 =	sne.s32 s5, $0x9D;
	[sflag:s20] =	ssyncset.done $0x0  }
.Ltmp2:
0x109: {  	[sflag:s20] =	ssyncadd.s32 $0xFFFFC000;
	(pc) =	sbr.rel @p0 .LBB2_2-.Ltmp2, $4  }
0x10a: {  	[spmem:s3] =	stream.indirect.scatter.add.f32 [tilespmem:s31], [sflag:$0x4], $0x10, s23, s23, $0xb8;
	[tilespmem:$0x1C190] =	vst v63  }
0x10b: {  	_ =	swait.ge [sflag:s20], $0x800  }
0x10c: {  	[sflag:s20] =	ssyncset.done $0x0  }
0x10d: {  	[sflag:s20] =	ssyncadd.s32 $0xFFFFF800  }
0x10e: {  	[bflag:$0x0] =	sbarrier.arrive $0xFFFF  }
0x10f: {  	[hbm:s16], [sflag:s13] =	dma.local [spmem:s19], $0x2800  }
0x110: {  	s0 =	sadd.s32 $0x1, s0;
	_ =	swait.ge [sflag:s20], $0x2800  }
0x111: {  	p0 =	sne.s32 s0, s18;
	[sflag:s20] =	ssyncset.done $0x0  }
.Ltmp3:
0x112: {  	[sflag:s20] =	ssyncadd.s32 $0xFFFFD800;
	(pc) =	sbr.rel @p0 .LBB2_1-.Ltmp3, $4  }
0x113: {  	[hbm:s17], [sflag:s13] =	dma.local [spmem:s21], $0x500  }
0x114: {  	_ =	swait.ge [sflag:s20], $0x500  }
0x115: {  	[sflag:s20] =	ssyncset.done $0x0  }
0x116: {  	[sflag:s20] =	ssyncadd.s32 $0xFFFFFB00  }
0x117: {  	_ =	sfence.sel $0x180000  }
0x118: {  	[bflag:$0x0] =	sbarrier.arrive $0xFFFF  }
0x119: {  	_ =	strace $0x90000047  }
0x11a: {  	s0 =	stileid.u32;
	[bflag:$0x2] =	sbarrier.arrive $0xFFFF  }
0x11b: {  	p0 =	sne.s32 s0, $0x0;
	s0 =	rddreg [dreg:$0x4]  }
0x11c: {  	s0 =	sadd.s32 @!p0 $0x100000, s0  }
0x11d: {  	[sflag:s0] =	ssyncadd.tile.s32 @!p0 $0x1;
	_ =	shalt  }
.Lfunc_end2:
_tile_overlayer_lowered:
.L_overlay_start_2:
0x11e: {  	(tag) =	ssettag $0x2  }
0x11f: {  	s0 =	rddreg [dreg:$0x0];
	s2 =	stileid.u32  }
0x120: {  	s1 =	rddreg [dreg:$0x1];
	p0 =	sne.s32 s2, $0x0  }
0x121: {  	s3 =	rddreg [dreg:$0x2];
	[bflag:$0x3] =	sbarrier.arrive $0xFFFF;
	s2 =	simm.s32 @!p0 $0x1C04  }
0x122: {  	[timem:s3], [sflag:s2] =	dma.local @!p0 [hbm:s0], s1  }
0x123: {  	s0 =	simm.s32 @!p0 $0x4  }
0x124: {  	_ =	swait.ge @!p0 [sflag:s0], s1  }
0x125: {  	s1 =	ssub.s32 @!p0 $0x0, s1;
	[sflag:s0] =	ssyncset.done @!p0 $0x0  }
0x126: {  	[sflag:s0] =	ssyncadd.s32 @!p0 s1  }
0x127: {  	[bflag:$0x3] =	sbarrier.arrive $0xFFFF  }
0x128: {  	_ =	shalt  }

</sc_bundles>
